<compile_context>
chip_gen: v7x
topology: tpu7x:2x2x1
jax: 0.10.2.dev20260603
libtpu: 0.0.44.dev20260713+nightly
codegen_flags: <defaults>
</compile_context>

<pallas_src>
import functools

import jax
import jax.numpy as jnp
from jax import lax
from jax.experimental import pallas as pl
from jax.experimental.pallas import tpu as pltpu
from jax.experimental.pallas import tpu_sc as plsc

_B = 4096
_C = 1000
_BB = 1024
_GRID = _B // _BB

_NC = 2
_NS = 16
_NW = _NC * _NS
_RG = _C // 8
_GPW = -(-_RG // _NW)


def _fused_body(xt_ref, lab_ref, coarse_ref, fine_ref, svt_ref, loss_ref, fb_ref):
    i = pl.program_id(0)

    @pl.when(i == 0)
    def _():
        fb_ref[...] = fine_ref[...].astype(jnp.bfloat16)
        loss_ref[0, 0] = 0.0

    xt = xt_ref[...]
    idx = jnp.argmax(xt, axis=0).astype(jnp.int32)
    classes = jax.lax.broadcasted_iota(jnp.int32, (_C, _BB), 0)
    onehot = jnp.where(
        classes == idx[None, :], coarse_ref[...], 0.0
    ).astype(jnp.bfloat16)
    denom = jax.lax.dot_general(
        fb_ref[...], onehot, (((0,), (0,)), ((), ())),
        preferred_element_type=jnp.float32,
    )
    svt = xt / denom
    svt_ref[...] = svt

    lab = lab_ref[0, 0, :].astype(jnp.int32)
    sel = jnp.sum(jnp.where(lab[None, :] == classes, svt, 0.0), axis=0)
    col_max = jnp.max(svt, axis=0)
    lse = col_max + jnp.log(jnp.sum(jnp.exp(svt - col_max[None, :]), axis=0))
    loss_ref[0, 0] += jnp.sum(lse - sel) / _B


def _tc_pass(xt, labels3, coarse2, fine):
    return pl.pallas_call(
        _fused_body,
        grid=(_GRID,),
        in_specs=[
            pl.BlockSpec((_C, _BB), lambda i: (0, i)),
            pl.BlockSpec((1, 1, _BB), lambda i: (i, 0, 0)),
            pl.BlockSpec((_C, 1), lambda i: (0, 0)),
            pl.BlockSpec((_C, _C), lambda i: (0, 0)),
        ],
        out_specs=[
            pl.BlockSpec((_C, _BB), lambda i: (0, i)),
            pl.BlockSpec(memory_space=pltpu.SMEM),
        ],
        out_shape=[
            jax.ShapeDtypeStruct((_C, _B), jnp.float32),
            jax.ShapeDtypeStruct((1, 1), jnp.float32),
        ],
        scratch_shapes=[pltpu.VMEM((_C, _C), jnp.bfloat16)],
    )(xt, labels3, coarse2, fine)


def _sc_reg_partials(fine):
    mesh = plsc.VectorSubcoreMesh(core_axis_name="c", subcore_axis_name="s")

    @functools.partial(
        pl.kernel,
        mesh=mesh,
        out_type=jax.ShapeDtypeStruct((_NW, 16), jnp.float32),
        scratch_types=[
            pltpu.VMEM((8, _C), jnp.float32),
            pltpu.VMEM((16,), jnp.float32),
        ],
    )
    def k(fine_hbm, out_hbm, buf, accv):
        wid = lax.axis_index("s") * _NC + lax.axis_index("c")
        lane = lax.iota(jnp.int32, 16)
        accv[...] = jnp.zeros((16,), jnp.float32)
        for g in range(_GPW):
            grp = wid + _NW * g

            @pl.when(grp < _RG)
            def _():
                pltpu.sync_copy(fine_hbm.at[pl.ds(grp * 8, 8)], buf)
                for r in range(8):
                    def body(j, c):
                        accv[...] += jnp.abs(buf[r, pl.ds(j * 16, 16)] - 1.0)
                        return c
                    lax.fori_loop(0, (_C // 16), body, 0)
                    tail = jnp.abs(buf[r, pl.ds(_C - 16, 16)] - 1.0)
                    accv[...] += jnp.where(lane >= 16 - _C % 16, tail, 0.0)
        pltpu.sync_copy(accv, out_hbm.at[wid])

    return k(fine)


def kernel(Simple_vector, label_list, coarse_scaling_vector, fine_scaling_matrix):
    labels3 = label_list.reshape(_GRID, 1, _BB)
    svt, nll = _tc_pass(
        Simple_vector.T,
        labels3,
        coarse_scaling_vector[:, None],
        fine_scaling_matrix,
    )
    reg_parts = _sc_reg_partials(fine_scaling_matrix)
    loss = nll.reshape(()) + reg_parts.sum() / (_C * _C)
    softmaxed = jnp.zeros((), dtype=svt.dtype)
    return (svt.T, loss, softmaxed)

# --- scband reference (transcript-rebuilt; emitter-appended) ---
"""Pipeline reference for scband-top-label-emperature-scale-26749056320317 (READ-ONLY COPY).

The authoritative reference and input builder live on the scoring server;
editing this copy changes nothing except your own understanding.
"""

import jax, jax.numpy as jnp
import numpy as np

NUM_CLASS = 1000
BATCH = 4096


def setup_inputs(seed: int = 0) -> dict:
    key = jax.random.key(seed)
    k1, k2 = jax.random.split(key)
    Simple_vector = jax.random.normal(k1, (BATCH, NUM_CLASS), dtype=jnp.float32) * 3.0
    label_list = jax.random.randint(k2, (BATCH,), 0, NUM_CLASS, dtype=jnp.int32)
    # learned parameters (torch uses float64; float32 here to avoid requiring jax x64 mode)
    coarse_scaling_vector = jnp.ones((NUM_CLASS,), dtype=jnp.float32) * 1.5
    fine_scaling_matrix = jnp.ones((NUM_CLASS, NUM_CLASS), dtype=jnp.float32) * 1.5
    return {
        'Simple_vector': Simple_vector,
        'label_list': label_list,
        'coarse_scaling_vector': coarse_scaling_vector,
        'fine_scaling_matrix': fine_scaling_matrix,
    }


def reference(Simple_vector, label_list, coarse_scaling_vector, fine_scaling_matrix):
    # stage == 1 ('Fine_scaling') path of Top_label_emperature_scale.forward
    # coarse_scaling_vector.requires_grad = False in this stage (fwd math unchanged)
    index = jnp.argmax(Simple_vector, axis=1)                      # top predicted label per row
    divisor = jnp.take(coarse_scaling_vector, index, axis=0)       # gather [B]
    divisor = divisor[:, None]                                     # broadcast replaces repeat(1, C)
    sv = Simple_vector / divisor
    R = jnp.take(fine_scaling_matrix, index, axis=0)               # gather rows [B, C]
    sv = sv / R
    # build_Calibration_lossFun assumed standard cross-entropy on scaled logits
    logp = jax.nn.log_softmax(sv, axis=1)
    nll = -jnp.take_along_axis(logp, label_list[:, None], axis=1).squeeze(1).mean()
    reg = jnp.abs(fine_scaling_matrix - 1.0).sum() / (NUM_CLASS ** 2)
    loss = nll + 1.0 * reg
    softmaxed = jnp.zeros((), dtype=sv.dtype)  # None placeholder
    return (sv, loss, softmaxed)


if False:  # reference __main__ guard neutralized (emitter)
    inp = setup_inputs()
    out = reference(**inp)
    print(out[0].shape, out[1])

if __name__ == "__main__":
    import jax
    _d = setup_inputs()
    print(jax.jit(kernel)(*tuple(_d.values())))

</pallas_src>

<mosaic_0001>
#map = affine_map<(d0, d1) -> (0, 0)>
module attributes {stable_mosaic.version = 14 : i64} {
  func.func @k(%arg0: i32, %arg1: i32, %arg2: memref<1000x1000xf32, #tpu.memory_space<hbm>>, %arg3: memref<32x16xf32, #tpu.memory_space<hbm>>, %arg4: memref<8x1000xf32, #tpu.memory_space<vmem>>, %arg5: memref<16xf32, #tpu.memory_space<vmem>>) attributes {dimension_semantics = [#tpu.dimension_semantics<core_parallel>, #tpu.dimension_semantics<subcore_parallel>], iteration_bounds = array<i64: 2, 16>, scalar_prefetch = 0 : i64, scratch_operands = 2 : i64, tpu.core_type = #tpu.core_type<sc_vector_subcore>, window_params = [{transform_indices = #map}, {transform_indices = #map}]} {
    %mul3A = arith.constant 2 : i32
    %mul3A_0 = arith.muli %arg1, %mul3A : i32
    %add3A = arith.addi %mul3A_0, %arg0 : i32
    %iota3A = tpu.iota {dimensions = array<i32: 0>} : vector<16xi32>
    %broadcast_in_dim3A = arith.constant 0.000000e+00 : f32
    %broadcast_in_dim3A_1 = vector.broadcast %broadcast_in_dim3A : f32 to vector<16xf32>
    %swap3A = arith.constant 0 : index
    %swap3A_2 = tpu.vector_load %arg5[%swap3A] {strides = array<i32>} : memref<16xf32, #tpu.memory_space<vmem>>, vector<16xf32>,
    %swap3A_3 = vector.shape_cast %swap3A_2 : vector<16xf32> to vector<16xf32>
    %swap3A_4 = vector.shape_cast %broadcast_in_dim3A_1 : vector<16xf32> to vector<16xf32>
    tpu.vector_store %arg5[%swap3A], %swap3A_4 {strides = array<i32>} : memref<16xf32, #tpu.memory_space<vmem>>, vector<16xf32>,
    %add3A_5 = arith.constant 0 : i32
    %add3A_6 = arith.addi %add3A, %add3A_5 : i32
    %lt3A = arith.constant 125 : i32
    %lt3A_7 = arith.cmpi slt, %add3A_6, %lt3A : i32
    %convert_element_type3A = arith.extui %lt3A_7 : i1 to i32
    %cond3A = arith.constant 0 : i32
    %cond3A_8 = arith.cmpi ne, %convert_element_type3A, %cond3A : i32
    scf.if %cond3A_8 {
      %mul3A_30 = arith.constant 8 : i32
      %mul3A_31 = arith.muli %add3A_6, %mul3A_30 : i32
      "tpu.region"() ({
        %run_scoped3A = tpu.sem_alloc : memref<!tpu.dma_semaphore, #tpu.memory_space<semaphore_mem>>
        %dma_start3A = arith.constant 0 : i32
        %dma_start3A_257 = tpu.memref_slice %arg2[%mul3A_31, %dma_start3A] : memref<1000x1000xf32, #tpu.memory_space<hbm>> -> memref<8x1000xf32, #tpu.memory_space<hbm>>
        %dma_start3A_258 = arith.constant 0 : i32
        %dma_start3A_259 = tpu.memref_slice %arg2[%mul3A_31, %dma_start3A_258] : memref<1000x1000xf32, #tpu.memory_space<hbm>> -> memref<8x1000xf32, #tpu.memory_space<hbm>>
        tpu.enqueue_dma source(%dma_start3A_259 : memref<8x1000xf32, #tpu.memory_space<hbm>>) target(%arg4 : memref<8x1000xf32, #tpu.memory_space<vmem>>) target_semaphore(%run_scoped3A : memref<!tpu.dma_semaphore, #tpu.memory_space<semaphore_mem>>)
        %dma_wait3A = arith.constant 0 : i32
        %dma_wait3A_260 = tpu.memref_slice %arg2[%mul3A_31, %dma_wait3A] : memref<1000x1000xf32, #tpu.memory_space<hbm>> -> memref<8x1000xf32, #tpu.memory_space<hbm>>
        %dma_wait3A_261 = arith.constant 0 : i32
        %dma_wait3A_262 = tpu.memref_slice %arg2[%mul3A_31, %dma_wait3A_261] : memref<1000x1000xf32, #tpu.memory_space<hbm>> -> memref<8x1000xf32, #tpu.memory_space<hbm>>
        tpu.wait_dma2 semaphore(%run_scoped3A : memref<!tpu.dma_semaphore, #tpu.memory_space<semaphore_mem>>) src(%dma_wait3A_262 : memref<8x1000xf32, #tpu.memory_space<hbm>>) dst(%arg4 : memref<8x1000xf32, #tpu.memory_space<vmem>>)
        tpu.yield
      }) : () -> ()
      %scan3A = arith.constant 0 : i32
      %scan3A_32 = arith.constant 0 : i32
      %scan3A_33 = arith.constant 62 : i32
      %scan3A_34 = arith.addi %scan3A_32, %scan3A_33 : i32
      %scan3A_35 = arith.constant 1 : i32
      scf.for %scan3A_257 = %scan3A_32 to %scan3A_34 step %scan3A_35  : i32 {
        %get3A_258 = arith.constant 0 : index
        %get3A_259 = tpu.vector_load %arg5[%get3A_258] {strides = array<i32>} : memref<16xf32, #tpu.memory_space<vmem>>, vector<16xf32>,
        %get3A_260 = vector.shape_cast %get3A_259 : vector<16xf32> to vector<16xf32>
        %mul3A_261 = arith.constant 16 : i32
        %mul3A_262 = arith.muli %scan3A_257, %mul3A_261 : i32
        %get3A_263 = arith.constant 0 : i32
        %get3A_264 = arith.index_cast %get3A_263 : i32 to index
        %get3A_265 = arith.index_cast %mul3A_262 : i32 to index
        %get3A_266 = tpu.vector_load %arg4[%get3A_264, %get3A_265] {strides = array<i32>} : memref<8x1000xf32, #tpu.memory_space<vmem>>, vector<1x16xf32>,
        %get3A_267 = vector.shape_cast %get3A_266 : vector<1x16xf32> to vector<16xf32>
        %sub3A_268 = arith.constant 1.000000e+00 : f32
        %sub3A_269 = vector.broadcast %sub3A_268 : f32 to vector<16xf32>
        %sub3A_270 = arith.subf %get3A_267, %sub3A_269 : vector<16xf32>
        %abs3A_271 = math.absf %sub3A_270 : vector<16xf32>
        %add3A_272 = arith.addf %get3A_260, %abs3A_271 : vector<16xf32>
        %swap3A_273 = arith.constant 0 : index
        %swap3A_274 = tpu.vector_load %arg5[%swap3A_273] {strides = array<i32>} : memref<16xf32, #tpu.memory_space<vmem>>, vector<16xf32>,
        %swap3A_275 = vector.shape_cast %swap3A_274 : vector<16xf32> to vector<16xf32>
        %swap3A_276 = vector.shape_cast %add3A_272 : vector<16xf32> to vector<16xf32>
        tpu.vector_store %arg5[%swap3A_273], %swap3A_276 {strides = array<i32>} : memref<16xf32, #tpu.memory_space<vmem>>, vector<16xf32>,
      }
      %scan3A_36 = arith.constant 62 : i32
      %get3A = arith.constant 0 : i32
      %get3A_37 = arith.index_cast %get3A : i32 to index
      %get3A_38 = arith.constant 984 : index
      %get3A_39 = tpu.vector_load %arg4[%get3A_37, %get3A_38] {strides = array<i32>} : memref<8x1000xf32, #tpu.memory_space<vmem>>, vector<1x16xf32>,
      %get3A_40 = vector.shape_cast %get3A_39 : vector<1x16xf32> to vector<16xf32>
      %sub3A = arith.constant 1.000000e+00 : f32
      %sub3A_41 = vector.broadcast %sub3A : f32 to vector<16xf32>
      %sub3A_42 = arith.subf %get3A_40, %sub3A_41 : vector<16xf32>
      %abs3A = math.absf %sub3A_42 : vector<16xf32>
      %get3A_43 = arith.constant 0 : index
      %get3A_44 = tpu.vector_load %arg5[%get3A_43] {strides = array<i32>} : memref<16xf32, #tpu.memory_space<vmem>>, vector<16xf32>,
      %get3A_45 = vector.shape_cast %get3A_44 : vector<16xf32> to vector<16xf32>
      %ge3A = arith.constant 8 : i32
      %ge3A_46 = vector.broadcast %ge3A : i32 to vector<16xi32>
      %ge3A_47 = arith.cmpi sge, %iota3A, %ge3A_46 : vector<16xi32>
      %jit3A = arith.constant 0.000000e+00 : f32
      %broadcast_in_dim3A_48 = vector.broadcast %jit3A : f32 to vector<16xf32>
      %select_n3A = arith.select %ge3A_47, %abs3A, %broadcast_in_dim3A_48 : vector<16xi1>, vector<16xf32>
      %add3A_49 = arith.addf %get3A_45, %select_n3A : vector<16xf32>
      %swap3A_50 = arith.constant 0 : index
      %swap3A_51 = tpu.vector_load %arg5[%swap3A_50] {strides = array<i32>} : memref<16xf32, #tpu.memory_space<vmem>>, vector<16xf32>,
      %swap3A_52 = vector.shape_cast %swap3A_51 : vector<16xf32> to vector<16xf32>
      %swap3A_53 = vector.shape_cast %add3A_49 : vector<16xf32> to vector<16xf32>
      tpu.vector_store %arg5[%swap3A_50], %swap3A_53 {strides = array<i32>} : memref<16xf32, #tpu.memory_space<vmem>>, vector<16xf32>,
      %scan3A_54 = arith.constant 0 : i32
      %scan3A_55 = arith.constant 0 : i32
      %scan3A_56 = arith.constant 62 : i32
      %scan3A_57 = arith.addi %scan3A_55, %scan3A_56 : i32
      %scan3A_58 = arith.constant 1 : i32
      scf.for %scan3A_257 = %scan3A_55 to %scan3A_57 step %scan3A_58  : i32 {
        %get3A_258 = arith.constant 0 : index
        %get3A_259 = tpu.vector_load %arg5[%get3A_258] {strides = array<i32>} : memref<16xf32, #tpu.memory_space<vmem>>, vector<16xf32>,
        %get3A_260 = vector.shape_cast %get3A_259 : vector<16xf32> to vector<16xf32>
        %mul3A_261 = arith.constant 16 : i32
        %mul3A_262 = arith.muli %scan3A_257, %mul3A_261 : i32
        %get3A_263 = arith.constant 1 : i32
        %get3A_264 = arith.index_cast %get3A_263 : i32 to index
        %get3A_265 = arith.index_cast %mul3A_262 : i32 to index
        %get3A_266 = tpu.vector_load %arg4[%get3A_264, %get3A_265] {strides = array<i32>} : memref<8x1000xf32, #tpu.memory_space<vmem>>, vector<1x16xf32>,
        %get3A_267 = vector.shape_cast %get3A_266 : vector<1x16xf32> to vector<16xf32>
        %sub3A_268 = arith.constant 1.000000e+00 : f32
        %sub3A_269 = vector.broadcast %sub3A_268 : f32 to vector<16xf32>
        %sub3A_270 = arith.subf %get3A_267, %sub3A_269 : vector<16xf32>
        %abs3A_271 = math.absf %sub3A_270 : vector<16xf32>
        %add3A_272 = arith.addf %get3A_260, %abs3A_271 : vector<16xf32>
        %swap3A_273 = arith.constant 0 : index
        %swap3A_274 = tpu.vector_load %arg5[%swap3A_273] {strides = array<i32>} : memref<16xf32, #tpu.memory_space<vmem>>, vector<16xf32>,
        %swap3A_275 = vector.shape_cast %swap3A_274 : vector<16xf32> to vector<16xf32>
        %swap3A_276 = vector.shape_cast %add3A_272 : vector<16xf32> to vector<16xf32>
        tpu.vector_store %arg5[%swap3A_273], %swap3A_276 {strides = array<i32>} : memref<16xf32, #tpu.memory_space<vmem>>, vector<16xf32>,
      }
      %scan3A_59 = arith.constant 62 : i32
      %get3A_60 = arith.constant 1 : i32
      %get3A_61 = arith.index_cast %get3A_60 : i32 to index
      %get3A_62 = arith.constant 984 : index
      %get3A_63 = tpu.vector_load %arg4[%get3A_61, %get3A_62] {strides = array<i32>} : memref<8x1000xf32, #tpu.memory_space<vmem>>, vector<1x16xf32>,
      %get3A_64 = vector.shape_cast %get3A_63 : vector<1x16xf32> to vector<16xf32>
      %sub3A_65 = arith.constant 1.000000e+00 : f32
      %sub3A_66 = vector.broadcast %sub3A_65 : f32 to vector<16xf32>
      %sub3A_67 = arith.subf %get3A_64, %sub3A_66 : vector<16xf32>
      %abs3A_68 = math.absf %sub3A_67 : vector<16xf32>
      %get3A_69 = arith.constant 0 : index
      %get3A_70 = tpu.vector_load %arg5[%get3A_69] {strides = array<i32>} : memref<16xf32, #tpu.memory_space<vmem>>, vector<16xf32>,
      %get3A_71 = vector.shape_cast %get3A_70 : vector<16xf32> to vector<16xf32>
      %ge3A_72 = arith.constant 8 : i32
      %ge3A_73 = vector.broadcast %ge3A_72 : i32 to vector<16xi32>
      %ge3A_74 = arith.cmpi sge, %iota3A, %ge3A_73 : vector<16xi32>
      %jit3A_75 = arith.constant 0.000000e+00 : f32
      %broadcast_in_dim3A_76 = vector.broadcast %jit3A_75 : f32 to vector<16xf32>
      %select_n3A_77 = arith.select %ge3A_74, %abs3A_68, %broadcast_in_dim3A_76 : vector<16xi1>, vector<16xf32>
      %add3A_78 = arith.addf %get3A_71, %select_n3A_77 : vector<16xf32>
      %swap3A_79 = arith.constant 0 : index
      %swap3A_80 = tpu.vector_load %arg5[%swap3A_79] {strides = array<i32>} : memref<16xf32, #tpu.memory_space<vmem>>, vector<16xf32>,
      %swap3A_81 = vector.shape_cast %swap3A_80 : vector<16xf32> to vector<16xf32>
      %swap3A_82 = vector.shape_cast %add3A_78 : vector<16xf32> to vector<16xf32>
      tpu.vector_store %arg5[%swap3A_79], %swap3A_82 {strides = array<i32>} : memref<16xf32, #tpu.memory_space<vmem>>, vector<16xf32>,
      %scan3A_83 = arith.constant 0 : i32
      %scan3A_84 = arith.constant 0 : i32
      %scan3A_85 = arith.constant 62 : i32
      %scan3A_86 = arith.addi %scan3A_84, %scan3A_85 : i32
      %scan3A_87 = arith.constant 1 : i32
      scf.for %scan3A_257 = %scan3A_84 to %scan3A_86 step %scan3A_87  : i32 {
        %get3A_258 = arith.constant 0 : index
        %get3A_259 = tpu.vector_load %arg5[%get3A_258] {strides = array<i32>} : memref<16xf32, #tpu.memory_space<vmem>>, vector<16xf32>,
        %get3A_260 = vector.shape_cast %get3A_259 : vector<16xf32> to vector<16xf32>
        %mul3A_261 = arith.constant 16 : i32
        %mul3A_262 = arith.muli %scan3A_257, %mul3A_261 : i32
        %get3A_263 = arith.constant 2 : i32
        %get3A_264 = arith.index_cast %get3A_263 : i32 to index
        %get3A_265 = arith.index_cast %mul3A_262 : i32 to index
        %get3A_266 = tpu.vector_load %arg4[%get3A_264, %get3A_265] {strides = array<i32>} : memref<8x1000xf32, #tpu.memory_space<vmem>>, vector<1x16xf32>,
        %get3A_267 = vector.shape_cast %get3A_266 : vector<1x16xf32> to vector<16xf32>
        %sub3A_268 = arith.constant 1.000000e+00 : f32
        %sub3A_269 = vector.broadcast %sub3A_268 : f32 to vector<16xf32>
        %sub3A_270 = arith.subf %get3A_267, %sub3A_269 : vector<16xf32>
        %abs3A_271 = math.absf %sub3A_270 : vector<16xf32>
        %add3A_272 = arith.addf %get3A_260, %abs3A_271 : vector<16xf32>
        %swap3A_273 = arith.constant 0 : index
        %swap3A_274 = tpu.vector_load %arg5[%swap3A_273] {strides = array<i32>} : memref<16xf32, #tpu.memory_space<vmem>>, vector<16xf32>,
        %swap3A_275 = vector.shape_cast %swap3A_274 : vector<16xf32> to vector<16xf32>
        %swap3A_276 = vector.shape_cast %add3A_272 : vector<16xf32> to vector<16xf32>
        tpu.vector_store %arg5[%swap3A_273], %swap3A_276 {strides = array<i32>} : memref<16xf32, #tpu.memory_space<vmem>>, vector<16xf32>,
      }
      %scan3A_88 = arith.constant 62 : i32
      %get3A_89 = arith.constant 2 : i32
      %get3A_90 = arith.index_cast %get3A_89 : i32 to index
      %get3A_91 = arith.constant 984 : index
      %get3A_92 = tpu.vector_load %arg4[%get3A_90, %get3A_91] {strides = array<i32>} : memref<8x1000xf32, #tpu.memory_space<vmem>>, vector<1x16xf32>,
      %get3A_93 = vector.shape_cast %get3A_92 : vector<1x16xf32> to vector<16xf32>
      %sub3A_94 = arith.constant 1.000000e+00 : f32
      %sub3A_95 = vector.broadcast %sub3A_94 : f32 to vector<16xf32>
      %sub3A_96 = arith.subf %get3A_93, %sub3A_95 : vector<16xf32>
      %abs3A_97 = math.absf %sub3A_96 : vector<16xf32>
      %get3A_98 = arith.constant 0 : index
      %get3A_99 = tpu.vector_load %arg5[%get3A_98] {strides = array<i32>} : memref<16xf32, #tpu.memory_space<vmem>>, vector<16xf32>,
      %get3A_100 = vector.shape_cast %get3A_99 : vector<16xf32> to vector<16xf32>
      %ge3A_101 = arith.constant 8 : i32
      %ge3A_102 = vector.broadcast %ge3A_101 : i32 to vector<16xi32>
      %ge3A_103 = arith.cmpi sge, %iota3A, %ge3A_102 : vector<16xi32>
      %jit3A_104 = arith.constant 0.000000e+00 : f32
      %broadcast_in_dim3A_105 = vector.broadcast %jit3A_104 : f32 to vector<16xf32>
      %select_n3A_106 = arith.select %ge3A_103, %abs3A_97, %broadcast_in_dim3A_105 : vector<16xi1>, vector<16xf32>
      %add3A_107 = arith.addf %get3A_100, %select_n3A_106 : vector<16xf32>
      %swap3A_108 = arith.constant 0 : index
      %swap3A_109 = tpu.vector_load %arg5[%swap3A_108] {strides = array<i32>} : memref<16xf32, #tpu.memory_space<vmem>>, vector<16xf32>,
      %swap3A_110 = vector.shape_cast %swap3A_109 : vector<16xf32> to vector<16xf32>
      %swap3A_111 = vector.shape_cast %add3A_107 : vector<16xf32> to vector<16xf32>
      tpu.vector_store %arg5[%swap3A_108], %swap3A_111 {strides = array<i32>} : memref<16xf32, #tpu.memory_space<vmem>>, vector<16xf32>,
      %scan3A_112 = arith.constant 0 : i32
      %scan3A_113 = arith.constant 0 : i32
      %scan3A_114 = arith.constant 62 : i32
      %scan3A_115 = arith.addi %scan3A_113, %scan3A_114 : i32
      %scan3A_116 = arith.constant 1 : i32
      scf.for %scan3A_257 = %scan3A_113 to %scan3A_115 step %scan3A_116  : i32 {
        %get3A_258 = arith.constant 0 : index
        %get3A_259 = tpu.vector_load %arg5[%get3A_258] {strides = array<i32>} : memref<16xf32, #tpu.memory_space<vmem>>, vector<16xf32>,
        %get3A_260 = vector.shape_cast %get3A_259 : vector<16xf32> to vector<16xf32>
        %mul3A_261 = arith.constant 16 : i32
        %mul3A_262 = arith.muli %scan3A_257, %mul3A_261 : i32
        %get3A_263 = arith.constant 3 : i32
        %get3A_264 = arith.index_cast %get3A_263 : i32 to index
        %get3A_265 = arith.index_cast %mul3A_262 : i32 to index
        %get3A_266 = tpu.vector_load %arg4[%get3A_264, %get3A_265] {strides = array<i32>} : memref<8x1000xf32, #tpu.memory_space<vmem>>, vector<1x16xf32>,
        %get3A_267 = vector.shape_cast %get3A_266 : vector<1x16xf32> to vector<16xf32>
        %sub3A_268 = arith.constant 1.000000e+00 : f32
        %sub3A_269 = vector.broadcast %sub3A_268 : f32 to vector<16xf32>
        %sub3A_270 = arith.subf %get3A_267, %sub3A_269 : vector<16xf32>
        %abs3A_271 = math.absf %sub3A_270 : vector<16xf32>
        %add3A_272 = arith.addf %get3A_260, %abs3A_271 : vector<16xf32>
        %swap3A_273 = arith.constant 0 : index
        %swap3A_274 = tpu.vector_load %arg5[%swap3A_273] {strides = array<i32>} : memref<16xf32, #tpu.memory_space<vmem>>, vector<16xf32>,
        %swap3A_275 = vector.shape_cast %swap3A_274 : vector<16xf32> to vector<16xf32>
        %swap3A_276 = vector.shape_cast %add3A_272 : vector<16xf32> to vector<16xf32>
        tpu.vector_store %arg5[%swap3A_273], %swap3A_276 {strides = array<i32>} : memref<16xf32, #tpu.memory_space<vmem>>, vector<16xf32>,
      }
      %scan3A_117 = arith.constant 62 : i32
      %get3A_118 = arith.constant 3 : i32
      %get3A_119 = arith.index_cast %get3A_118 : i32 to index
      %get3A_120 = arith.constant 984 : index
      %get3A_121 = tpu.vector_load %arg4[%get3A_119, %get3A_120] {strides = array<i32>} : memref<8x1000xf32, #tpu.memory_space<vmem>>, vector<1x16xf32>,
      %get3A_122 = vector.shape_cast %get3A_121 : vector<1x16xf32> to vector<16xf32>
      %sub3A_123 = arith.constant 1.000000e+00 : f32
      %sub3A_124 = vector.broadcast %sub3A_123 : f32 to vector<16xf32>
      %sub3A_125 = arith.subf %get3A_122, %sub3A_124 : vector<16xf32>
      %abs3A_126 = math.absf %sub3A_125 : vector<16xf32>
      %get3A_127 = arith.constant 0 : index
      %get3A_128 = tpu.vector_load %arg5[%get3A_127] {strides = array<i32>} : memref<16xf32, #tpu.memory_space<vmem>>, vector<16xf32>,
      %get3A_129 = vector.shape_cast %get3A_128 : vector<16xf32> to vector<16xf32>
      %ge3A_130 = arith.constant 8 : i32
      %ge3A_131 = vector.broadcast %ge3A_130 : i32 to vector<16xi32>
      %ge3A_132 = arith.cmpi sge, %iota3A, %ge3A_131 : vector<16xi32>
      %jit3A_133 = arith.constant 0.000000e+00 : f32
      %broadcast_in_dim3A_134 = vector.broadcast %jit3A_133 : f32 to vector<16xf32>
      %select_n3A_135 = arith.select %ge3A_132, %abs3A_126, %broadcast_in_dim3A_134 : vector<16xi1>, vector<16xf32>
      %add3A_136 = arith.addf %get3A_129, %select_n3A_135 : vector<16xf32>
      %swap3A_137 = arith.constant 0 : index
      %swap3A_138 = tpu.vector_load %arg5[%swap3A_137] {strides = array<i32>} : memref<16xf32, #tpu.memory_space<vmem>>, vector<16xf32>,
      %swap3A_139 = vector.shape_cast %swap3A_138 : vector<16xf32> to vector<16xf32>
      %swap3A_140 = vector.shape_cast %add3A_136 : vector<16xf32> to vector<16xf32>
      tpu.vector_store %arg5[%swap3A_137], %swap3A_140 {strides = array<i32>} : memref<16xf32, #tpu.memory_space<vmem>>, vector<16xf32>,
      %scan3A_141 = arith.constant 0 : i32
      %scan3A_142 = arith.constant 0 : i32
      %scan3A_143 = arith.constant 62 : i32
      %scan3A_144 = arith.addi %scan3A_142, %scan3A_143 : i32
      %scan3A_145 = arith.constant 1 : i32
      scf.for %scan3A_257 = %scan3A_142 to %scan3A_144 step %scan3A_145  : i32 {
        %get3A_258 = arith.constant 0 : index
        %get3A_259 = tpu.vector_load %arg5[%get3A_258] {strides = array<i32>} : memref<16xf32, #tpu.memory_space<vmem>>, vector<16xf32>,
        %get3A_260 = vector.shape_cast %get3A_259 : vector<16xf32> to vector<16xf32>
        %mul3A_261 = arith.constant 16 : i32
        %mul3A_262 = arith.muli %scan3A_257, %mul3A_261 : i32
        %get3A_263 = arith.constant 4 : i32
        %get3A_264 = arith.index_cast %get3A_263 : i32 to index
        %get3A_265 = arith.index_cast %mul3A_262 : i32 to index
        %get3A_266 = tpu.vector_load %arg4[%get3A_264, %get3A_265] {strides = array<i32>} : memref<8x1000xf32, #tpu.memory_space<vmem>>, vector<1x16xf32>,
        %get3A_267 = vector.shape_cast %get3A_266 : vector<1x16xf32> to vector<16xf32>
        %sub3A_268 = arith.constant 1.000000e+00 : f32
        %sub3A_269 = vector.broadcast %sub3A_268 : f32 to vector<16xf32>
        %sub3A_270 = arith.subf %get3A_267, %sub3A_269 : vector<16xf32>
        %abs3A_271 = math.absf %sub3A_270 : vector<16xf32>
        %add3A_272 = arith.addf %get3A_260, %abs3A_271 : vector<16xf32>
        %swap3A_273 = arith.constant 0 : index
        %swap3A_274 = tpu.vector_load %arg5[%swap3A_273] {strides = array<i32>} : memref<16xf32, #tpu.memory_space<vmem>>, vector<16xf32>,
        %swap3A_275 = vector.shape_cast %swap3A_274 : vector<16xf32> to vector<16xf32>
        %swap3A_276 = vector.shape_cast %add3A_272 : vector<16xf32> to vector<16xf32>
        tpu.vector_store %arg5[%swap3A_273], %swap3A_276 {strides = array<i32>} : memref<16xf32, #tpu.memory_space<vmem>>, vector<16xf32>,
      }
      %scan3A_146 = arith.constant 62 : i32
      %get3A_147 = arith.constant 4 : i32
      %get3A_148 = arith.index_cast %get3A_147 : i32 to index
      %get3A_149 = arith.constant 984 : index
      %get3A_150 = tpu.vector_load %arg4[%get3A_148, %get3A_149] {strides = array<i32>} : memref<8x1000xf32, #tpu.memory_space<vmem>>, vector<1x16xf32>,
      %get3A_151 = vector.shape_cast %get3A_150 : vector<1x16xf32> to vector<16xf32>
      %sub3A_152 = arith.constant 1.000000e+00 : f32
      %sub3A_153 = vector.broadcast %sub3A_152 : f32 to vector<16xf32>
      %sub3A_154 = arith.subf %get3A_151, %sub3A_153 : vector<16xf32>
      %abs3A_155 = math.absf %sub3A_154 : vector<16xf32>
      %get3A_156 = arith.constant 0 : index
      %get3A_157 = tpu.vector_load %arg5[%get3A_156] {strides = array<i32>} : memref<16xf32, #tpu.memory_space<vmem>>, vector<16xf32>,
      %get3A_158 = vector.shape_cast %get3A_157 : vector<16xf32> to vector<16xf32>
      %ge3A_159 = arith.constant 8 : i32
      %ge3A_160 = vector.broadcast %ge3A_159 : i32 to vector<16xi32>
      %ge3A_161 = arith.cmpi sge, %iota3A, %ge3A_160 : vector<16xi32>
      %jit3A_162 = arith.constant 0.000000e+00 : f32
      %broadcast_in_dim3A_163 = vector.broadcast %jit3A_162 : f32 to vector<16xf32>
      %select_n3A_164 = arith.select %ge3A_161, %abs3A_155, %broadcast_in_dim3A_163 : vector<16xi1>, vector<16xf32>
      %add3A_165 = arith.addf %get3A_158, %select_n3A_164 : vector<16xf32>
      %swap3A_166 = arith.constant 0 : index
      %swap3A_167 = tpu.vector_load %arg5[%swap3A_166] {strides = array<i32>} : memref<16xf32, #tpu.memory_space<vmem>>, vector<16xf32>,
      %swap3A_168 = vector.shape_cast %swap3A_167 : vector<16xf32> to vector<16xf32>
      %swap3A_169 = vector.shape_cast %add3A_165 : vector<16xf32> to vector<16xf32>
      tpu.vector_store %arg5[%swap3A_166], %swap3A_169 {strides = array<i32>} : memref<16xf32, #tpu.memory_space<vmem>>, vector<16xf32>,
      %scan3A_170 = arith.constant 0 : i32
      %scan3A_171 = arith.constant 0 : i32
      %scan3A_172 = arith.constant 62 : i32
      %scan3A_173 = arith.addi %scan3A_171, %scan3A_172 : i32
      %scan3A_174 = arith.constant 1 : i32
      scf.for %scan3A_257 = %scan3A_171 to %scan3A_173 step %scan3A_174  : i32 {
        %get3A_258 = arith.constant 0 : index
        %get3A_259 = tpu.vector_load %arg5[%get3A_258] {strides = array<i32>} : memref<16xf32, #tpu.memory_space<vmem>>, vector<16xf32>,
        %get3A_260 = vector.shape_cast %get3A_259 : vector<16xf32> to vector<16xf32>
        %mul3A_261 = arith.constant 16 : i32
        %mul3A_262 = arith.muli %scan3A_257, %mul3A_261 : i32
        %get3A_263 = arith.constant 5 : i32
        %get3A_264 = arith.index_cast %get3A_263 : i32 to index
        %get3A_265 = arith.index_cast %mul3A_262 : i32 to index
        %get3A_266 = tpu.vector_load %arg4[%get3A_264, %get3A_265] {strides = array<i32>} : memref<8x1000xf32, #tpu.memory_space<vmem>>, vector<1x16xf32>,
        %get3A_267 = vector.shape_cast %get3A_266 : vector<1x16xf32> to vector<16xf32>
        %sub3A_268 = arith.constant 1.000000e+00 : f32
        %sub3A_269 = vector.broadcast %sub3A_268 : f32 to vector<16xf32>
        %sub3A_270 = arith.subf %get3A_267, %sub3A_269 : vector<16xf32>
        %abs3A_271 = math.absf %sub3A_270 : vector<16xf32>
        %add3A_272 = arith.addf %get3A_260, %abs3A_271 : vector<16xf32>
        %swap3A_273 = arith.constant 0 : index
        %swap3A_274 = tpu.vector_load %arg5[%swap3A_273] {strides = array<i32>} : memref<16xf32, #tpu.memory_space<vmem>>, vector<16xf32>,
        %swap3A_275 = vector.shape_cast %swap3A_274 : vector<16xf32> to vector<16xf32>
        %swap3A_276 = vector.shape_cast %add3A_272 : vector<16xf32> to vector<16xf32>
        tpu.vector_store %arg5[%swap3A_273], %swap3A_276 {strides = array<i32>} : memref<16xf32, #tpu.memory_space<vmem>>, vector<16xf32>,
      }
      %scan3A_175 = arith.constant 62 : i32
      %get3A_176 = arith.constant 5 : i32
      %get3A_177 = arith.index_cast %get3A_176 : i32 to index
      %get3A_178 = arith.constant 984 : index
      %get3A_179 = tpu.vector_load %arg4[%get3A_177, %get3A_178] {strides = array<i32>} : memref<8x1000xf32, #tpu.memory_space<vmem>>, vector<1x16xf32>,
      %get3A_180 = vector.shape_cast %get3A_179 : vector<1x16xf32> to vector<16xf32>
      %sub3A_181 = arith.constant 1.000000e+00 : f32
      %sub3A_182 = vector.broadcast %sub3A_181 : f32 to vector<16xf32>
      %sub3A_183 = arith.subf %get3A_180, %sub3A_182 : vector<16xf32>
      %abs3A_184 = math.absf %sub3A_183 : vector<16xf32>
      %get3A_185 = arith.constant 0 : index
      %get3A_186 = tpu.vector_load %arg5[%get3A_185] {strides = array<i32>} : memref<16xf32, #tpu.memory_space<vmem>>, vector<16xf32>,
      %get3A_187 = vector.shape_cast %get3A_186 : vector<16xf32> to vector<16xf32>
      %ge3A_188 = arith.constant 8 : i32
      %ge3A_189 = vector.broadcast %ge3A_188 : i32 to vector<16xi32>
      %ge3A_190 = arith.cmpi sge, %iota3A, %ge3A_189 : vector<16xi32>
      %jit3A_191 = arith.constant 0.000000e+00 : f32
      %broadcast_in_dim3A_192 = vector.broadcast %jit3A_191 : f32 to vector<16xf32>
      %select_n3A_193 = arith.select %ge3A_190, %abs3A_184, %broadcast_in_dim3A_192 : vector<16xi1>, vector<16xf32>
      %add3A_194 = arith.addf %get3A_187, %select_n3A_193 : vector<16xf32>
      %swap3A_195 = arith.constant 0 : index
      %swap3A_196 = tpu.vector_load %arg5[%swap3A_195] {strides = array<i32>} : memref<16xf32, #tpu.memory_space<vmem>>, vector<16xf32>,
      %swap3A_197 = vector.shape_cast %swap3A_196 : vector<16xf32> to vector<16xf32>
      %swap3A_198 = vector.shape_cast %add3A_194 : vector<16xf32> to vector<16xf32>
      tpu.vector_store %arg5[%swap3A_195], %swap3A_198 {strides = array<i32>} : memref<16xf32, #tpu.memory_space<vmem>>, vector<16xf32>,
      %scan3A_199 = arith.constant 0 : i32
      %scan3A_200 = arith.constant 0 : i32
      %scan3A_201 = arith.constant 62 : i32
      %scan3A_202 = arith.addi %scan3A_200, %scan3A_201 : i32
      %scan3A_203 = arith.constant 1 : i32
      scf.for %scan3A_257 = %scan3A_200 to %scan3A_202 step %scan3A_203  : i32 {
        %get3A_258 = arith.constant 0 : index
        %get3A_259 = tpu.vector_load %arg5[%get3A_258] {strides = array<i32>} : memref<16xf32, #tpu.memory_space<vmem>>, vector<16xf32>,
        %get3A_260 = vector.shape_cast %get3A_259 : vector<16xf32> to vector<16xf32>
        %mul3A_261 = arith.constant 16 : i32
        %mul3A_262 = arith.muli %scan3A_257, %mul3A_261 : i32
        %get3A_263 = arith.constant 6 : i32
        %get3A_264 = arith.index_cast %get3A_263 : i32 to index
        %get3A_265 = arith.index_cast %mul3A_262 : i32 to index
        %get3A_266 = tpu.vector_load %arg4[%get3A_264, %get3A_265] {strides = array<i32>} : memref<8x1000xf32, #tpu.memory_space<vmem>>, vector<1x16xf32>,
        %get3A_267 = vector.shape_cast %get3A_266 : vector<1x16xf32> to vector<16xf32>
        %sub3A_268 = arith.constant 1.000000e+00 : f32
        %sub3A_269 = vector.broadcast %sub3A_268 : f32 to vector<16xf32>
        %sub3A_270 = arith.subf %get3A_267, %sub3A_269 : vector<16xf32>
        %abs3A_271 = math.absf %sub3A_270 : vector<16xf32>
        %add3A_272 = arith.addf %get3A_260, %abs3A_271 : vector<16xf32>
        %swap3A_273 = arith.constant 0 : index
        %swap3A_274 = tpu.vector_load %arg5[%swap3A_273] {strides = array<i32>} : memref<16xf32, #tpu.memory_space<vmem>>, vector<16xf32>,
        %swap3A_275 = vector.shape_cast %swap3A_274 : vector<16xf32> to vector<16xf32>
        %swap3A_276 = vector.shape_cast %add3A_272 : vector<16xf32> to vector<16xf32>
        tpu.vector_store %arg5[%swap3A_273], %swap3A_276 {strides = array<i32>} : memref<16xf32, #tpu.memory_space<vmem>>, vector<16xf32>,
      }
      %scan3A_204 = arith.constant 62 : i32
      %get3A_205 = arith.constant 6 : i32
      %get3A_206 = arith.index_cast %get3A_205 : i32 to index
      %get3A_207 = arith.constant 984 : index
      %get3A_208 = tpu.vector_load %arg4[%get3A_206, %get3A_207] {strides = array<i32>} : memref<8x1000xf32, #tpu.memory_space<vmem>>, vector<1x16xf32>,
      %get3A_209 = vector.shape_cast %get3A_208 : vector<1x16xf32> to vector<16xf32>
      %sub3A_210 = arith.constant 1.000000e+00 : f32
      %sub3A_211 = vector.broadcast %sub3A_210 : f32 to vector<16xf32>
      %sub3A_212 = arith.subf %get3A_209, %sub3A_211 : vector<16xf32>
      %abs3A_213 = math.absf %sub3A_212 : vector<16xf32>
      %get3A_214 = arith.constant 0 : index
      %get3A_215 = tpu.vector_load %arg5[%get3A_214] {strides = array<i32>} : memref<16xf32, #tpu.memory_space<vmem>>, vector<16xf32>,
      %get3A_216 = vector.shape_cast %get3A_215 : vector<16xf32> to vector<16xf32>
      %ge3A_217 = arith.constant 8 : i32
      %ge3A_218 = vector.broadcast %ge3A_217 : i32 to vector<16xi32>
      %ge3A_219 = arith.cmpi sge, %iota3A, %ge3A_218 : vector<16xi32>
      %jit3A_220 = arith.constant 0.000000e+00 : f32
      %broadcast_in_dim3A_221 = vector.broadcast %jit3A_220 : f32 to vector<16xf32>
      %select_n3A_222 = arith.select %ge3A_219, %abs3A_213, %broadcast_in_dim3A_221 : vector<16xi1>, vector<16xf32>
      %add3A_223 = arith.addf %get3A_216, %select_n3A_222 : vector<16xf32>
      %swap3A_224 = arith.constant 0 : index
      %swap3A_225 = tpu.vector_load %arg5[%swap3A_224] {strides = array<i32>} : memref<16xf32, #tpu.memory_space<vmem>>, vector<16xf32>,
      %swap3A_226 = vector.shape_cast %swap3A_225 : vector<16xf32> to vector<16xf32>
      %swap3A_227 = vector.shape_cast %add3A_223 : vector<16xf32> to vector<16xf32>
      tpu.vector_store %arg5[%swap3A_224], %swap3A_227 {strides = array<i32>} : memref<16xf32, #tpu.memory_space<vmem>>, vector<16xf32>,
      %scan3A_228 = arith.constant 0 : i32
      %scan3A_229 = arith.constant 0 : i32
      %scan3A_230 = arith.constant 62 : i32
      %scan3A_231 = arith.addi %scan3A_229, %scan3A_230 : i32
      %scan3A_232 = arith.constant 1 : i32
      scf.for %scan3A_257 = %scan3A_229 to %scan3A_231 step %scan3A_232  : i32 {
        %get3A_258 = arith.constant 0 : index
        %get3A_259 = tpu.vector_load %arg5[%get3A_258] {strides = array<i32>} : memref<16xf32, #tpu.memory_space<vmem>>, vector<16xf32>,
        %get3A_260 = vector.shape_cast %get3A_259 : vector<16xf32> to vector<16xf32>
        %mul3A_261 = arith.constant 16 : i32
        %mul3A_262 = arith.muli %scan3A_257, %mul3A_261 : i32
        %get3A_263 = arith.constant 7 : i32
        %get3A_264 = arith.index_cast %get3A_263 : i32 to index
        %get3A_265 = arith.index_cast %mul3A_262 : i32 to index
        %get3A_266 = tpu.vector_load %arg4[%get3A_264, %get3A_265] {strides = array<i32>} : memref<8x1000xf32, #tpu.memory_space<vmem>>, vector<1x16xf32>,
        %get3A_267 = vector.shape_cast %get3A_266 : vector<1x16xf32> to vector<16xf32>
        %sub3A_268 = arith.constant 1.000000e+00 : f32
        %sub3A_269 = vector.broadcast %sub3A_268 : f32 to vector<16xf32>
        %sub3A_270 = arith.subf %get3A_267, %sub3A_269 : vector<16xf32>
        %abs3A_271 = math.absf %sub3A_270 : vector<16xf32>
        %add3A_272 = arith.addf %get3A_260, %abs3A_271 : vector<16xf32>
        %swap3A_273 = arith.constant 0 : index
        %swap3A_274 = tpu.vector_load %arg5[%swap3A_273] {strides = array<i32>} : memref<16xf32, #tpu.memory_space<vmem>>, vector<16xf32>,
        %swap3A_275 = vector.shape_cast %swap3A_274 : vector<16xf32> to vector<16xf32>
        %swap3A_276 = vector.shape_cast %add3A_272 : vector<16xf32> to vector<16xf32>
        tpu.vector_store %arg5[%swap3A_273], %swap3A_276 {strides = array<i32>} : memref<16xf32, #tpu.memory_space<vmem>>, vector<16xf32>,
      }
      %scan3A_233 = arith.constant 62 : i32
      %get3A_234 = arith.constant 7 : i32
      %get3A_235 = arith.index_cast %get3A_234 : i32 to index
      %get3A_236 = arith.constant 984 : index
      %get3A_237 = tpu.vector_load %arg4[%get3A_235, %get3A_236] {strides = array<i32>} : memref<8x1000xf32, #tpu.memory_space<vmem>>, vector<1x16xf32>,
      %get3A_238 = vector.shape_cast %get3A_237 : vector<1x16xf32> to vector<16xf32>
      %sub3A_239 = arith.constant 1.000000e+00 : f32
      %sub3A_240 = vector.broadcast %sub3A_239 : f32 to vector<16xf32>
      %sub3A_241 = arith.subf %get3A_238, %sub3A_240 : vector<16xf32>
      %abs3A_242 = math.absf %sub3A_241 : vector<16xf32>
      %get3A_243 = arith.constant 0 : index
      %get3A_244 = tpu.vector_load %arg5[%get3A_243] {strides = array<i32>} : memref<16xf32, #tpu.memory_space<vmem>>, vector<16xf32>,
      %get3A_245 = vector.shape_cast %get3A_244 : vector<16xf32> to vector<16xf32>
      %ge3A_246 = arith.constant 8 : i32
      %ge3A_247 = vector.broadcast %ge3A_246 : i32 to vector<16xi32>
      %ge3A_248 = arith.cmpi sge, %iota3A, %ge3A_247 : vector<16xi32>
      %jit3A_249 = arith.constant 0.000000e+00 : f32
      %broadcast_in_dim3A_250 = vector.broadcast %jit3A_249 : f32 to vector<16xf32>
      %select_n3A_251 = arith.select %ge3A_248, %abs3A_242, %broadcast_in_dim3A_250 : vector<16xi1>, vector<16xf32>
      %add3A_252 = arith.addf %get3A_245, %select_n3A_251 : vector<16xf32>
      %swap3A_253 = arith.constant 0 : index
      %swap3A_254 = tpu.vector_load %arg5[%swap3A_253] {strides = array<i32>} : memref<16xf32, #tpu.memory_space<vmem>>, vector<16xf32>,
      %swap3A_255 = vector.shape_cast %swap3A_254 : vector<16xf32> to vector<16xf32>
      %swap3A_256 = vector.shape_cast %add3A_252 : vector<16xf32> to vector<16xf32>
      tpu.vector_store %arg5[%swap3A_253], %swap3A_256 {strides = array<i32>} : memref<16xf32, #tpu.memory_space<vmem>>, vector<16xf32>,
    } else {
    }
    %add3A_9 = arith.constant 32 : i32
    %add3A_10 = arith.addi %add3A, %add3A_9 : i32
    %lt3A_11 = arith.constant 125 : i32
    %lt3A_12 = arith.cmpi slt, %add3A_10, %lt3A_11 : i32
    %convert_element_type3A_13 = arith.extui %lt3A_12 : i1 to i32
    %cond3A_14 = arith.constant 0 : i32
    %cond3A_15 = arith.cmpi ne, %convert_element_type3A_13, %cond3A_14 : i32
    scf.if %cond3A_15 {
      %mul3A_30 = arith.constant 8 : i32
      %mul3A_31 = arith.muli %add3A_10, %mul3A_30 : i32
      "tpu.region"() ({
        %run_scoped3A = tpu.sem_alloc : memref<!tpu.dma_semaphore, #tpu.memory_space<semaphore_mem>>
        %dma_start3A = arith.constant 0 : i32
        %dma_start3A_257 = tpu.memref_slice %arg2[%mul3A_31, %dma_start3A] : memref<1000x1000xf32, #tpu.memory_space<hbm>> -> memref<8x1000xf32, #tpu.memory_space<hbm>>
        %dma_start3A_258 = arith.constant 0 : i32
        %dma_start3A_259 = tpu.memref_slice %arg2[%mul3A_31, %dma_start3A_258] : memref<1000x1000xf32, #tpu.memory_space<hbm>> -> memref<8x1000xf32, #tpu.memory_space<hbm>>
        tpu.enqueue_dma source(%dma_start3A_259 : memref<8x1000xf32, #tpu.memory_space<hbm>>) target(%arg4 : memref<8x1000xf32, #tpu.memory_space<vmem>>) target_semaphore(%run_scoped3A : memref<!tpu.dma_semaphore, #tpu.memory_space<semaphore_mem>>)
        %dma_wait3A = arith.constant 0 : i32
        %dma_wait3A_260 = tpu.memref_slice %arg2[%mul3A_31, %dma_wait3A] : memref<1000x1000xf32, #tpu.memory_space<hbm>> -> memref<8x1000xf32, #tpu.memory_space<hbm>>
        %dma_wait3A_261 = arith.constant 0 : i32
        %dma_wait3A_262 = tpu.memref_slice %arg2[%mul3A_31, %dma_wait3A_261] : memref<1000x1000xf32, #tpu.memory_space<hbm>> -> memref<8x1000xf32, #tpu.memory_space<hbm>>
        tpu.wait_dma2 semaphore(%run_scoped3A : memref<!tpu.dma_semaphore, #tpu.memory_space<semaphore_mem>>) src(%dma_wait3A_262 : memref<8x1000xf32, #tpu.memory_space<hbm>>) dst(%arg4 : memref<8x1000xf32, #tpu.memory_space<vmem>>)
        tpu.yield
      }) : () -> ()
      %scan3A = arith.constant 0 : i32
      %scan3A_32 = arith.constant 0 : i32
      %scan3A_33 = arith.constant 62 : i32
      %scan3A_34 = arith.addi %scan3A_32, %scan3A_33 : i32
      %scan3A_35 = arith.constant 1 : i32
      scf.for %scan3A_257 = %scan3A_32 to %scan3A_34 step %scan3A_35  : i32 {
        %get3A_258 = arith.constant 0 : index
        %get3A_259 = tpu.vector_load %arg5[%get3A_258] {strides = array<i32>} : memref<16xf32, #tpu.memory_space<vmem>>, vector<16xf32>,
        %get3A_260 = vector.shape_cast %get3A_259 : vector<16xf32> to vector<16xf32>
        %mul3A_261 = arith.constant 16 : i32
        %mul3A_262 = arith.muli %scan3A_257, %mul3A_261 : i32
        %get3A_263 = arith.constant 0 : i32
        %get3A_264 = arith.index_cast %get3A_263 : i32 to index
        %get3A_265 = arith.index_cast %mul3A_262 : i32 to index
        %get3A_266 = tpu.vector_load %arg4[%get3A_264, %get3A_265] {strides = array<i32>} : memref<8x1000xf32, #tpu.memory_space<vmem>>, vector<1x16xf32>,
        %get3A_267 = vector.shape_cast %get3A_266 : vector<1x16xf32> to vector<16xf32>
        %sub3A_268 = arith.constant 1.000000e+00 : f32
        %sub3A_269 = vector.broadcast %sub3A_268 : f32 to vector<16xf32>
        %sub3A_270 = arith.subf %get3A_267, %sub3A_269 : vector<16xf32>
        %abs3A_271 = math.absf %sub3A_270 : vector<16xf32>
        %add3A_272 = arith.addf %get3A_260, %abs3A_271 : vector<16xf32>
        %swap3A_273 = arith.constant 0 : index
        %swap3A_274 = tpu.vector_load %arg5[%swap3A_273] {strides = array<i32>} : memref<16xf32, #tpu.memory_space<vmem>>, vector<16xf32>,
        %swap3A_275 = vector.shape_cast %swap3A_274 : vector<16xf32> to vector<16xf32>
        %swap3A_276 = vector.shape_cast %add3A_272 : vector<16xf32> to vector<16xf32>
        tpu.vector_store %arg5[%swap3A_273], %swap3A_276 {strides = array<i32>} : memref<16xf32, #tpu.memory_space<vmem>>, vector<16xf32>,
      }
      %scan3A_36 = arith.constant 62 : i32
      %get3A = arith.constant 0 : i32
      %get3A_37 = arith.index_cast %get3A : i32 to index
      %get3A_38 = arith.constant 984 : index
      %get3A_39 = tpu.vector_load %arg4[%get3A_37, %get3A_38] {strides = array<i32>} : memref<8x1000xf32, #tpu.memory_space<vmem>>, vector<1x16xf32>,
      %get3A_40 = vector.shape_cast %get3A_39 : vector<1x16xf32> to vector<16xf32>
      %sub3A = arith.constant 1.000000e+00 : f32
      %sub3A_41 = vector.broadcast %sub3A : f32 to vector<16xf32>
      %sub3A_42 = arith.subf %get3A_40, %sub3A_41 : vector<16xf32>
      %abs3A = math.absf %sub3A_42 : vector<16xf32>
      %get3A_43 = arith.constant 0 : index
      %get3A_44 = tpu.vector_load %arg5[%get3A_43] {strides = array<i32>} : memref<16xf32, #tpu.memory_space<vmem>>, vector<16xf32>,
      %get3A_45 = vector.shape_cast %get3A_44 : vector<16xf32> to vector<16xf32>
      %ge3A = arith.constant 8 : i32
      %ge3A_46 = vector.broadcast %ge3A : i32 to vector<16xi32>
      %ge3A_47 = arith.cmpi sge, %iota3A, %ge3A_46 : vector<16xi32>
      %jit3A = arith.constant 0.000000e+00 : f32
      %broadcast_in_dim3A_48 = vector.broadcast %jit3A : f32 to vector<16xf32>
      %select_n3A = arith.select %ge3A_47, %abs3A, %broadcast_in_dim3A_48 : vector<16xi1>, vector<16xf32>
      %add3A_49 = arith.addf %get3A_45, %select_n3A : vector<16xf32>
      %swap3A_50 = arith.constant 0 : index
      %swap3A_51 = tpu.vector_load %arg5[%swap3A_50] {strides = array<i32>} : memref<16xf32, #tpu.memory_space<vmem>>, vector<16xf32>,
      %swap3A_52 = vector.shape_cast %swap3A_51 : vector<16xf32> to vector<16xf32>
      %swap3A_53 = vector.shape_cast %add3A_49 : vector<16xf32> to vector<16xf32>
      tpu.vector_store %arg5[%swap3A_50], %swap3A_53 {strides = array<i32>} : memref<16xf32, #tpu.memory_space<vmem>>, vector<16xf32>,
      %scan3A_54 = arith.constant 0 : i32
      %scan3A_55 = arith.constant 0 : i32
      %scan3A_56 = arith.constant 62 : i32
      %scan3A_57 = arith.addi %scan3A_55, %scan3A_56 : i32
      %scan3A_58 = arith.constant 1 : i32
      scf.for %scan3A_257 = %scan3A_55 to %scan3A_57 step %scan3A_58  : i32 {
        %get3A_258 = arith.constant 0 : index
        %get3A_259 = tpu.vector_load %arg5[%get3A_258] {strides = array<i32>} : memref<16xf32, #tpu.memory_space<vmem>>, vector<16xf32>,
        %get3A_260 = vector.shape_cast %get3A_259 : vector<16xf32> to vector<16xf32>
        %mul3A_261 = arith.constant 16 : i32
        %mul3A_262 = arith.muli %scan3A_257, %mul3A_261 : i32
        %get3A_263 = arith.constant 1 : i32
        %get3A_264 = arith.index_cast %get3A_263 : i32 to index
        %get3A_265 = arith.index_cast %mul3A_262 : i32 to index
        %get3A_266 = tpu.vector_load %arg4[%get3A_264, %get3A_265] {strides = array<i32>} : memref<8x1000xf32, #tpu.memory_space<vmem>>, vector<1x16xf32>,
        %get3A_267 = vector.shape_cast %get3A_266 : vector<1x16xf32> to vector<16xf32>
        %sub3A_268 = arith.constant 1.000000e+00 : f32
        %sub3A_269 = vector.broadcast %sub3A_268 : f32 to vector<16xf32>
        %sub3A_270 = arith.subf %get3A_267, %sub3A_269 : vector<16xf32>
        %abs3A_271 = math.absf %sub3A_270 : vector<16xf32>
        %add3A_272 = arith.addf %get3A_260, %abs3A_271 : vector<16xf32>
        %swap3A_273 = arith.constant 0 : index
        %swap3A_274 = tpu.vector_load %arg5[%swap3A_273] {strides = array<i32>} : memref<16xf32, #tpu.memory_space<vmem>>, vector<16xf32>,
        %swap3A_275 = vector.shape_cast %swap3A_274 : vector<16xf32> to vector<16xf32>
        %swap3A_276 = vector.shape_cast %add3A_272 : vector<16xf32> to vector<16xf32>
        tpu.vector_store %arg5[%swap3A_273], %swap3A_276 {strides = array<i32>} : memref<16xf32, #tpu.memory_space<vmem>>, vector<16xf32>,
      }
      %scan3A_59 = arith.constant 62 : i32
      %get3A_60 = arith.constant 1 : i32
      %get3A_61 = arith.index_cast %get3A_60 : i32 to index
      %get3A_62 = arith.constant 984 : index
      %get3A_63 = tpu.vector_load %arg4[%get3A_61, %get3A_62] {strides = array<i32>} : memref<8x1000xf32, #tpu.memory_space<vmem>>, vector<1x16xf32>,
      %get3A_64 = vector.shape_cast %get3A_63 : vector<1x16xf32> to vector<16xf32>
      %sub3A_65 = arith.constant 1.000000e+00 : f32
      %sub3A_66 = vector.broadcast %sub3A_65 : f32 to vector<16xf32>
      %sub3A_67 = arith.subf %get3A_64, %sub3A_66 : vector<16xf32>
      %abs3A_68 = math.absf %sub3A_67 : vector<16xf32>
      %get3A_69 = arith.constant 0 : index
      %get3A_70 = tpu.vector_load %arg5[%get3A_69] {strides = array<i32>} : memref<16xf32, #tpu.memory_space<vmem>>, vector<16xf32>,
      %get3A_71 = vector.shape_cast %get3A_70 : vector<16xf32> to vector<16xf32>
      %ge3A_72 = arith.constant 8 : i32
      %ge3A_73 = vector.broadcast %ge3A_72 : i32 to vector<16xi32>
      %ge3A_74 = arith.cmpi sge, %iota3A, %ge3A_73 : vector<16xi32>
      %jit3A_75 = arith.constant 0.000000e+00 : f32
      %broadcast_in_dim3A_76 = vector.broadcast %jit3A_75 : f32 to vector<16xf32>
      %select_n3A_77 = arith.select %ge3A_74, %abs3A_68, %broadcast_in_dim3A_76 : vector<16xi1>, vector<16xf32>
      %add3A_78 = arith.addf %get3A_71, %select_n3A_77 : vector<16xf32>
      %swap3A_79 = arith.constant 0 : index
      %swap3A_80 = tpu.vector_load %arg5[%swap3A_79] {strides = array<i32>} : memref<16xf32, #tpu.memory_space<vmem>>, vector<16xf32>,
      %swap3A_81 = vector.shape_cast %swap3A_80 : vector<16xf32> to vector<16xf32>
      %swap3A_82 = vector.shape_cast %add3A_78 : vector<16xf32> to vector<16xf32>
      tpu.vector_store %arg5[%swap3A_79], %swap3A_82 {strides = array<i32>} : memref<16xf32, #tpu.memory_space<vmem>>, vector<16xf32>,
      %scan3A_83 = arith.constant 0 : i32
      %scan3A_84 = arith.constant 0 : i32
      %scan3A_85 = arith.constant 62 : i32
      %scan3A_86 = arith.addi %scan3A_84, %scan3A_85 : i32
      %scan3A_87 = arith.constant 1 : i32
      scf.for %scan3A_257 = %scan3A_84 to %scan3A_86 step %scan3A_87  : i32 {
        %get3A_258 = arith.constant 0 : index
        %get3A_259 = tpu.vector_load %arg5[%get3A_258] {strides = array<i32>} : memref<16xf32, #tpu.memory_space<vmem>>, vector<16xf32>,
        %get3A_260 = vector.shape_cast %get3A_259 : vector<16xf32> to vector<16xf32>
        %mul3A_261 = arith.constant 16 : i32
        %mul3A_262 = arith.muli %scan3A_257, %mul3A_261 : i32
        %get3A_263 = arith.constant 2 : i32
        %get3A_264 = arith.index_cast %get3A_263 : i32 to index
        %get3A_265 = arith.index_cast %mul3A_262 : i32 to index
        %get3A_266 = tpu.vector_load %arg4[%get3A_264, %get3A_265] {strides = array<i32>} : memref<8x1000xf32, #tpu.memory_space<vmem>>, vector<1x16xf32>,
        %get3A_267 = vector.shape_cast %get3A_266 : vector<1x16xf32> to vector<16xf32>
        %sub3A_268 = arith.constant 1.000000e+00 : f32
        %sub3A_269 = vector.broadcast %sub3A_268 : f32 to vector<16xf32>
        %sub3A_270 = arith.subf %get3A_267, %sub3A_269 : vector<16xf32>
        %abs3A_271 = math.absf %sub3A_270 : vector<16xf32>
        %add3A_272 = arith.addf %get3A_260, %abs3A_271 : vector<16xf32>
        %swap3A_273 = arith.constant 0 : index
        %swap3A_274 = tpu.vector_load %arg5[%swap3A_273] {strides = array<i32>} : memref<16xf32, #tpu.memory_space<vmem>>, vector<16xf32>,
        %swap3A_275 = vector.shape_cast %swap3A_274 : vector<16xf32> to vector<16xf32>
        %swap3A_276 = vector.shape_cast %add3A_272 : vector<16xf32> to vector<16xf32>
        tpu.vector_store %arg5[%swap3A_273], %swap3A_276 {strides = array<i32>} : memref<16xf32, #tpu.memory_space<vmem>>, vector<16xf32>,
      }
      %scan3A_88 = arith.constant 62 : i32
      %get3A_89 = arith.constant 2 : i32
      %get3A_90 = arith.index_cast %get3A_89 : i32 to index
      %get3A_91 = arith.constant 984 : index
      %get3A_92 = tpu.vector_load %arg4[%get3A_90, %get3A_91] {strides = array<i32>} : memref<8x1000xf32, #tpu.memory_space<vmem>>, vector<1x16xf32>,
      %get3A_93 = vector.shape_cast %get3A_92 : vector<1x16xf32> to vector<16xf32>
      %sub3A_94 = arith.constant 1.000000e+00 : f32
      %sub3A_95 = vector.broadcast %sub3A_94 : f32 to vector<16xf32>
      %sub3A_96 = arith.subf %get3A_93, %sub3A_95 : vector<16xf32>
      %abs3A_97 = math.absf %sub3A_96 : vector<16xf32>
      %get3A_98 = arith.constant 0 : index
      %get3A_99 = tpu.vector_load %arg5[%get3A_98] {strides = array<i32>} : memref<16xf32, #tpu.memory_space<vmem>>, vector<16xf32>,
      %get3A_100 = vector.shape_cast %get3A_99 : vector<16xf32> to vector<16xf32>
      %ge3A_101 = arith.constant 8 : i32
      %ge3A_102 = vector.broadcast %ge3A_101 : i32 to vector<16xi32>
      %ge3A_103 = arith.cmpi sge, %iota3A, %ge3A_102 : vector<16xi32>
      %jit3A_104 = arith.constant 0.000000e+00 : f32
      %broadcast_in_dim3A_105 = vector.broadcast %jit3A_104 : f32 to vector<16xf32>
      %select_n3A_106 = arith.select %ge3A_103, %abs3A_97, %broadcast_in_dim3A_105 : vector<16xi1>, vector<16xf32>
      %add3A_107 = arith.addf %get3A_100, %select_n3A_106 : vector<16xf32>
      %swap3A_108 = arith.constant 0 : index
      %swap3A_109 = tpu.vector_load %arg5[%swap3A_108] {strides = array<i32>} : memref<16xf32, #tpu.memory_space<vmem>>, vector<16xf32>,
      %swap3A_110 = vector.shape_cast %swap3A_109 : vector<16xf32> to vector<16xf32>
      %swap3A_111 = vector.shape_cast %add3A_107 : vector<16xf32> to vector<16xf32>
      tpu.vector_store %arg5[%swap3A_108], %swap3A_111 {strides = array<i32>} : memref<16xf32, #tpu.memory_space<vmem>>, vector<16xf32>,
      %scan3A_112 = arith.constant 0 : i32
      %scan3A_113 = arith.constant 0 : i32
      %scan3A_114 = arith.constant 62 : i32
      %scan3A_115 = arith.addi %scan3A_113, %scan3A_114 : i32
      %scan3A_116 = arith.constant 1 : i32
      scf.for %scan3A_257 = %scan3A_113 to %scan3A_115 step %scan3A_116  : i32 {
        %get3A_258 = arith.constant 0 : index
        %get3A_259 = tpu.vector_load %arg5[%get3A_258] {strides = array<i32>} : memref<16xf32, #tpu.memory_space<vmem>>, vector<16xf32>,
        %get3A_260 = vector.shape_cast %get3A_259 : vector<16xf32> to vector<16xf32>
        %mul3A_261 = arith.constant 16 : i32
        %mul3A_262 = arith.muli %scan3A_257, %mul3A_261 : i32
        %get3A_263 = arith.constant 3 : i32
        %get3A_264 = arith.index_cast %get3A_263 : i32 to index
        %get3A_265 = arith.index_cast %mul3A_262 : i32 to index
        %get3A_266 = tpu.vector_load %arg4[%get3A_264, %get3A_265] {strides = array<i32>} : memref<8x1000xf32, #tpu.memory_space<vmem>>, vector<1x16xf32>,
        %get3A_267 = vector.shape_cast %get3A_266 : vector<1x16xf32> to vector<16xf32>
        %sub3A_268 = arith.constant 1.000000e+00 : f32
        %sub3A_269 = vector.broadcast %sub3A_268 : f32 to vector<16xf32>
        %sub3A_270 = arith.subf %get3A_267, %sub3A_269 : vector<16xf32>
        %abs3A_271 = math.absf %sub3A_270 : vector<16xf32>
        %add3A_272 = arith.addf %get3A_260, %abs3A_271 : vector<16xf32>
        %swap3A_273 = arith.constant 0 : index
        %swap3A_274 = tpu.vector_load %arg5[%swap3A_273] {strides = array<i32>} : memref<16xf32, #tpu.memory_space<vmem>>, vector<16xf32>,
        %swap3A_275 = vector.shape_cast %swap3A_274 : vector<16xf32> to vector<16xf32>
        %swap3A_276 = vector.shape_cast %add3A_272 : vector<16xf32> to vector<16xf32>
        tpu.vector_store %arg5[%swap3A_273], %swap3A_276 {strides = array<i32>} : memref<16xf32, #tpu.memory_space<vmem>>, vector<16xf32>,
      }
      %scan3A_117 = arith.constant 62 : i32
      %get3A_118 = arith.constant 3 : i32
      %get3A_119 = arith.index_cast %get3A_118 : i32 to index
      %get3A_120 = arith.constant 984 : index
      %get3A_121 = tpu.vector_load %arg4[%get3A_119, %get3A_120] {strides = array<i32>} : memref<8x1000xf32, #tpu.memory_space<vmem>>, vector<1x16xf32>,
      %get3A_122 = vector.shape_cast %get3A_121 : vector<1x16xf32> to vector<16xf32>
      %sub3A_123 = arith.constant 1.000000e+00 : f32
      %sub3A_124 = vector.broadcast %sub3A_123 : f32 to vector<16xf32>
      %sub3A_125 = arith.subf %get3A_122, %sub3A_124 : vector<16xf32>
      %abs3A_126 = math.absf %sub3A_125 : vector<16xf32>
      %get3A_127 = arith.constant 0 : index
      %get3A_128 = tpu.vector_load %arg5[%get3A_127] {strides = array<i32>} : memref<16xf32, #tpu.memory_space<vmem>>, vector<16xf32>,
      %get3A_129 = vector.shape_cast %get3A_128 : vector<16xf32> to vector<16xf32>
      %ge3A_130 = arith.constant 8 : i32
      %ge3A_131 = vector.broadcast %ge3A_130 : i32 to vector<16xi32>
      %ge3A_132 = arith.cmpi sge, %iota3A, %ge3A_131 : vector<16xi32>
      %jit3A_133 = arith.constant 0.000000e+00 : f32
      %broadcast_in_dim3A_134 = vector.broadcast %jit3A_133 : f32 to vector<16xf32>
      %select_n3A_135 = arith.select %ge3A_132, %abs3A_126, %broadcast_in_dim3A_134 : vector<16xi1>, vector<16xf32>
      %add3A_136 = arith.addf %get3A_129, %select_n3A_135 : vector<16xf32>
      %swap3A_137 = arith.constant 0 : index
      %swap3A_138 = tpu.vector_load %arg5[%swap3A_137] {strides = array<i32>} : memref<16xf32, #tpu.memory_space<vmem>>, vector<16xf32>,
      %swap3A_139 = vector.shape_cast %swap3A_138 : vector<16xf32> to vector<16xf32>
      %swap3A_140 = vector.shape_cast %add3A_136 : vector<16xf32> to vector<16xf32>
      tpu.vector_store %arg5[%swap3A_137], %swap3A_140 {strides = array<i32>} : memref<16xf32, #tpu.memory_space<vmem>>, vector<16xf32>,
      %scan3A_141 = arith.constant 0 : i32
      %scan3A_142 = arith.constant 0 : i32
      %scan3A_143 = arith.constant 62 : i32
      %scan3A_144 = arith.addi %scan3A_142, %scan3A_143 : i32
      %scan3A_145 = arith.constant 1 : i32
      scf.for %scan3A_257 = %scan3A_142 to %scan3A_144 step %scan3A_145  : i32 {
        %get3A_258 = arith.constant 0 : index
        %get3A_259 = tpu.vector_load %arg5[%get3A_258] {strides = array<i32>} : memref<16xf32, #tpu.memory_space<vmem>>, vector<16xf32>,
        %get3A_260 = vector.shape_cast %get3A_259 : vector<16xf32> to vector<16xf32>
        %mul3A_261 = arith.constant 16 : i32
        %mul3A_262 = arith.muli %scan3A_257, %mul3A_261 : i32
        %get3A_263 = arith.constant 4 : i32
        %get3A_264 = arith.index_cast %get3A_263 : i32 to index
        %get3A_265 = arith.index_cast %mul3A_262 : i32 to index
        %get3A_266 = tpu.vector_load %arg4[%get3A_264, %get3A_265] {strides = array<i32>} : memref<8x1000xf32, #tpu.memory_space<vmem>>, vector<1x16xf32>,
        %get3A_267 = vector.shape_cast %get3A_266 : vector<1x16xf32> to vector<16xf32>
        %sub3A_268 = arith.constant 1.000000e+00 : f32
        %sub3A_269 = vector.broadcast %sub3A_268 : f32 to vector<16xf32>
        %sub3A_270 = arith.subf %get3A_267, %sub3A_269 : vector<16xf32>
        %abs3A_271 = math.absf %sub3A_270 : vector<16xf32>
        %add3A_272 = arith.addf %get3A_260, %abs3A_271 : vector<16xf32>
        %swap3A_273 = arith.constant 0 : index
        %swap3A_274 = tpu.vector_load %arg5[%swap3A_273] {strides = array<i32>} : memref<16xf32, #tpu.memory_space<vmem>>, vector<16xf32>,
        %swap3A_275 = vector.shape_cast %swap3A_274 : vector<16xf32> to vector<16xf32>
        %swap3A_276 = vector.shape_cast %add3A_272 : vector<16xf32> to vector<16xf32>
        tpu.vector_store %arg5[%swap3A_273], %swap3A_276 {strides = array<i32>} : memref<16xf32, #tpu.memory_space<vmem>>, vector<16xf32>,
      }
      %scan3A_146 = arith.constant 62 : i32
      %get3A_147 = arith.constant 4 : i32
      %get3A_148 = arith.index_cast %get3A_147 : i32 to index
      %get3A_149 = arith.constant 984 : index
      %get3A_150 = tpu.vector_load %arg4[%get3A_148, %get3A_149] {strides = array<i32>} : memref<8x1000xf32, #tpu.memory_space<vmem>>, vector<1x16xf32>,
      %get3A_151 = vector.shape_cast %get3A_150 : vector<1x16xf32> to vector<16xf32>
      %sub3A_152 = arith.constant 1.000000e+00 : f32
      %sub3A_153 = vector.broadcast %sub3A_152 : f32 to vector<16xf32>
      %sub3A_154 = arith.subf %get3A_151, %sub3A_153 : vector<16xf32>
      %abs3A_155 = math.absf %sub3A_154 : vector<16xf32>
      %get3A_156 = arith.constant 0 : index
      %get3A_157 = tpu.vector_load %arg5[%get3A_156] {strides = array<i32>} : memref<16xf32, #tpu.memory_space<vmem>>, vector<16xf32>,
      %get3A_158 = vector.shape_cast %get3A_157 : vector<16xf32> to vector<16xf32>
      %ge3A_159 = arith.constant 8 : i32
      %ge3A_160 = vector.broadcast %ge3A_159 : i32 to vector<16xi32>
      %ge3A_161 = arith.cmpi sge, %iota3A, %ge3A_160 : vector<16xi32>
      %jit3A_162 = arith.constant 0.000000e+00 : f32
      %broadcast_in_dim3A_163 = vector.broadcast %jit3A_162 : f32 to vector<16xf32>
      %select_n3A_164 = arith.select %ge3A_161, %abs3A_155, %broadcast_in_dim3A_163 : vector<16xi1>, vector<16xf32>
      %add3A_165 = arith.addf %get3A_158, %select_n3A_164 : vector<16xf32>
      %swap3A_166 = arith.constant 0 : index
      %swap3A_167 = tpu.vector_load %arg5[%swap3A_166] {strides = array<i32>} : memref<16xf32, #tpu.memory_space<vmem>>, vector<16xf32>,
      %swap3A_168 = vector.shape_cast %swap3A_167 : vector<16xf32> to vector<16xf32>
      %swap3A_169 = vector.shape_cast %add3A_165 : vector<16xf32> to vector<16xf32>
      tpu.vector_store %arg5[%swap3A_166], %swap3A_169 {strides = array<i32>} : memref<16xf32, #tpu.memory_space<vmem>>, vector<16xf32>,
      %scan3A_170 = arith.constant 0 : i32
      %scan3A_171 = arith.constant 0 : i32
      %scan3A_172 = arith.constant 62 : i32
      %scan3A_173 = arith.addi %scan3A_171, %scan3A_172 : i32
      %scan3A_174 = arith.constant 1 : i32
      scf.for %scan3A_257 = %scan3A_171 to %scan3A_173 step %scan3A_174  : i32 {
        %get3A_258 = arith.constant 0 : index
        %get3A_259 = tpu.vector_load %arg5[%get3A_258] {strides = array<i32>} : memref<16xf32, #tpu.memory_space<vmem>>, vector<16xf32>,
        %get3A_260 = vector.shape_cast %get3A_259 : vector<16xf32> to vector<16xf32>
        %mul3A_261 = arith.constant 16 : i32
        %mul3A_262 = arith.muli %scan3A_257, %mul3A_261 : i32
        %get3A_263 = arith.constant 5 : i32
        %get3A_264 = arith.index_cast %get3A_263 : i32 to index
        %get3A_265 = arith.index_cast %mul3A_262 : i32 to index
        %get3A_266 = tpu.vector_load %arg4[%get3A_264, %get3A_265] {strides = array<i32>} : memref<8x1000xf32, #tpu.memory_space<vmem>>, vector<1x16xf32>,
        %get3A_267 = vector.shape_cast %get3A_266 : vector<1x16xf32> to vector<16xf32>
        %sub3A_268 = arith.constant 1.000000e+00 : f32
        %sub3A_269 = vector.broadcast %sub3A_268 : f32 to vector<16xf32>
        %sub3A_270 = arith.subf %get3A_267, %sub3A_269 : vector<16xf32>
        %abs3A_271 = math.absf %sub3A_270 : vector<16xf32>
        %add3A_272 = arith.addf %get3A_260, %abs3A_271 : vector<16xf32>
        %swap3A_273 = arith.constant 0 : index
        %swap3A_274 = tpu.vector_load %arg5[%swap3A_273] {strides = array<i32>} : memref<16xf32, #tpu.memory_space<vmem>>, vector<16xf32>,
        %swap3A_275 = vector.shape_cast %swap3A_274 : vector<16xf32> to vector<16xf32>
        %swap3A_276 = vector.shape_cast %add3A_272 : vector<16xf32> to vector<16xf32>
        tpu.vector_store %arg5[%swap3A_273], %swap3A_276 {strides = array<i32>} : memref<16xf32, #tpu.memory_space<vmem>>, vector<16xf32>,
      }
      %scan3A_175 = arith.constant 62 : i32
      %get3A_176 = arith.constant 5 : i32
      %get3A_177 = arith.index_cast %get3A_176 : i32 to index
      %get3A_178 = arith.constant 984 : index
      %get3A_179 = tpu.vector_load %arg4[%get3A_177, %get3A_178] {strides = array<i32>} : memref<8x1000xf32, #tpu.memory_space<vmem>>, vector<1x16xf32>,
      %get3A_180 = vector.shape_cast %get3A_179 : vector<1x16xf32> to vector<16xf32>
      %sub3A_181 = arith.constant 1.000000e+00 : f32
      %sub3A_182 = vector.broadcast %sub3A_181 : f32 to vector<16xf32>
      %sub3A_183 = arith.subf %get3A_180, %sub3A_182 : vector<16xf32>
      %abs3A_184 = math.absf %sub3A_183 : vector<16xf32>
      %get3A_185 = arith.constant 0 : index
      %get3A_186 = tpu.vector_load %arg5[%get3A_185] {strides = array<i32>} : memref<16xf32, #tpu.memory_space<vmem>>, vector<16xf32>,
      %get3A_187 = vector.shape_cast %get3A_186 : vector<16xf32> to vector<16xf32>
      %ge3A_188 = arith.constant 8 : i32
      %ge3A_189 = vector.broadcast %ge3A_188 : i32 to vector<16xi32>
      %ge3A_190 = arith.cmpi sge, %iota3A, %ge3A_189 : vector<16xi32>
      %jit3A_191 = arith.constant 0.000000e+00 : f32
      %broadcast_in_dim3A_192 = vector.broadcast %jit3A_191 : f32 to vector<16xf32>
      %select_n3A_193 = arith.select %ge3A_190, %abs3A_184, %broadcast_in_dim3A_192 : vector<16xi1>, vector<16xf32>
      %add3A_194 = arith.addf %get3A_187, %select_n3A_193 : vector<16xf32>
      %swap3A_195 = arith.constant 0 : index
      %swap3A_196 = tpu.vector_load %arg5[%swap3A_195] {strides = array<i32>} : memref<16xf32, #tpu.memory_space<vmem>>, vector<16xf32>,
      %swap3A_197 = vector.shape_cast %swap3A_196 : vector<16xf32> to vector<16xf32>
      %swap3A_198 = vector.shape_cast %add3A_194 : vector<16xf32> to vector<16xf32>
      tpu.vector_store %arg5[%swap3A_195], %swap3A_198 {strides = array<i32>} : memref<16xf32, #tpu.memory_space<vmem>>, vector<16xf32>,
      %scan3A_199 = arith.constant 0 : i32
      %scan3A_200 = arith.constant 0 : i32
      %scan3A_201 = arith.constant 62 : i32
      %scan3A_202 = arith.addi %scan3A_200, %scan3A_201 : i32
      %scan3A_203 = arith.constant 1 : i32
      scf.for %scan3A_257 = %scan3A_200 to %scan3A_202 step %scan3A_203  : i32 {
        %get3A_258 = arith.constant 0 : index
        %get3A_259 = tpu.vector_load %arg5[%get3A_258] {strides = array<i32>} : memref<16xf32, #tpu.memory_space<vmem>>, vector<16xf32>,
        %get3A_260 = vector.shape_cast %get3A_259 : vector<16xf32> to vector<16xf32>
        %mul3A_261 = arith.constant 16 : i32
        %mul3A_262 = arith.muli %scan3A_257, %mul3A_261 : i32
        %get3A_263 = arith.constant 6 : i32
        %get3A_264 = arith.index_cast %get3A_263 : i32 to index
        %get3A_265 = arith.index_cast %mul3A_262 : i32 to index
        %get3A_266 = tpu.vector_load %arg4[%get3A_264, %get3A_265] {strides = array<i32>} : memref<8x1000xf32, #tpu.memory_space<vmem>>, vector<1x16xf32>,
        %get3A_267 = vector.shape_cast %get3A_266 : vector<1x16xf32> to vector<16xf32>
        %sub3A_268 = arith.constant 1.000000e+00 : f32
        %sub3A_269 = vector.broadcast %sub3A_268 : f32 to vector<16xf32>
        %sub3A_270 = arith.subf %get3A_267, %sub3A_269 : vector<16xf32>
        %abs3A_271 = math.absf %sub3A_270 : vector<16xf32>
        %add3A_272 = arith.addf %get3A_260, %abs3A_271 : vector<16xf32>
        %swap3A_273 = arith.constant 0 : index
        %swap3A_274 = tpu.vector_load %arg5[%swap3A_273] {strides = array<i32>} : memref<16xf32, #tpu.memory_space<vmem>>, vector<16xf32>,
        %swap3A_275 = vector.shape_cast %swap3A_274 : vector<16xf32> to vector<16xf32>
        %swap3A_276 = vector.shape_cast %add3A_272 : vector<16xf32> to vector<16xf32>
        tpu.vector_store %arg5[%swap3A_273], %swap3A_276 {strides = array<i32>} : memref<16xf32, #tpu.memory_space<vmem>>, vector<16xf32>,
      }
      %scan3A_204 = arith.constant 62 : i32
      %get3A_205 = arith.constant 6 : i32
      %get3A_206 = arith.index_cast %get3A_205 : i32 to index
      %get3A_207 = arith.constant 984 : index
      %get3A_208 = tpu.vector_load %arg4[%get3A_206, %get3A_207] {strides = array<i32>} : memref<8x1000xf32, #tpu.memory_space<vmem>>, vector<1x16xf32>,
      %get3A_209 = vector.shape_cast %get3A_208 : vector<1x16xf32> to vector<16xf32>
      %sub3A_210 = arith.constant 1.000000e+00 : f32
      %sub3A_211 = vector.broadcast %sub3A_210 : f32 to vector<16xf32>
      %sub3A_212 = arith.subf %get3A_209, %sub3A_211 : vector<16xf32>
      %abs3A_213 = math.absf %sub3A_212 : vector<16xf32>
      %get3A_214 = arith.constant 0 : index
      %get3A_215 = tpu.vector_load %arg5[%get3A_214] {strides = array<i32>} : memref<16xf32, #tpu.memory_space<vmem>>, vector<16xf32>,
      %get3A_216 = vector.shape_cast %get3A_215 : vector<16xf32> to vector<16xf32>
      %ge3A_217 = arith.constant 8 : i32
      %ge3A_218 = vector.broadcast %ge3A_217 : i32 to vector<16xi32>
      %ge3A_219 = arith.cmpi sge, %iota3A, %ge3A_218 : vector<16xi32>
      %jit3A_220 = arith.constant 0.000000e+00 : f32
      %broadcast_in_dim3A_221 = vector.broadcast %jit3A_220 : f32 to vector<16xf32>
      %select_n3A_222 = arith.select %ge3A_219, %abs3A_213, %broadcast_in_dim3A_221 : vector<16xi1>, vector<16xf32>
      %add3A_223 = arith.addf %get3A_216, %select_n3A_222 : vector<16xf32>
      %swap3A_224 = arith.constant 0 : index
      %swap3A_225 = tpu.vector_load %arg5[%swap3A_224] {strides = array<i32>} : memref<16xf32, #tpu.memory_space<vmem>>, vector<16xf32>,
      %swap3A_226 = vector.shape_cast %swap3A_225 : vector<16xf32> to vector<16xf32>
      %swap3A_227 = vector.shape_cast %add3A_223 : vector<16xf32> to vector<16xf32>
      tpu.vector_store %arg5[%swap3A_224], %swap3A_227 {strides = array<i32>} : memref<16xf32, #tpu.memory_space<vmem>>, vector<16xf32>,
      %scan3A_228 = arith.constant 0 : i32
      %scan3A_229 = arith.constant 0 : i32
      %scan3A_230 = arith.constant 62 : i32
      %scan3A_231 = arith.addi %scan3A_229, %scan3A_230 : i32
      %scan3A_232 = arith.constant 1 : i32
      scf.for %scan3A_257 = %scan3A_229 to %scan3A_231 step %scan3A_232  : i32 {
        %get3A_258 = arith.constant 0 : index
        %get3A_259 = tpu.vector_load %arg5[%get3A_258] {strides = array<i32>} : memref<16xf32, #tpu.memory_space<vmem>>, vector<16xf32>,
        %get3A_260 = vector.shape_cast %get3A_259 : vector<16xf32> to vector<16xf32>
        %mul3A_261 = arith.constant 16 : i32
        %mul3A_262 = arith.muli %scan3A_257, %mul3A_261 : i32
        %get3A_263 = arith.constant 7 : i32
        %get3A_264 = arith.index_cast %get3A_263 : i32 to index
        %get3A_265 = arith.index_cast %mul3A_262 : i32 to index
        %get3A_266 = tpu.vector_load %arg4[%get3A_264, %get3A_265] {strides = array<i32>} : memref<8x1000xf32, #tpu.memory_space<vmem>>, vector<1x16xf32>,
        %get3A_267 = vector.shape_cast %get3A_266 : vector<1x16xf32> to vector<16xf32>
        %sub3A_268 = arith.constant 1.000000e+00 : f32
        %sub3A_269 = vector.broadcast %sub3A_268 : f32 to vector<16xf32>
        %sub3A_270 = arith.subf %get3A_267, %sub3A_269 : vector<16xf32>
        %abs3A_271 = math.absf %sub3A_270 : vector<16xf32>
        %add3A_272 = arith.addf %get3A_260, %abs3A_271 : vector<16xf32>
        %swap3A_273 = arith.constant 0 : index
        %swap3A_274 = tpu.vector_load %arg5[%swap3A_273] {strides = array<i32>} : memref<16xf32, #tpu.memory_space<vmem>>, vector<16xf32>,
        %swap3A_275 = vector.shape_cast %swap3A_274 : vector<16xf32> to vector<16xf32>
        %swap3A_276 = vector.shape_cast %add3A_272 : vector<16xf32> to vector<16xf32>
        tpu.vector_store %arg5[%swap3A_273], %swap3A_276 {strides = array<i32>} : memref<16xf32, #tpu.memory_space<vmem>>, vector<16xf32>,
      }
      %scan3A_233 = arith.constant 62 : i32
      %get3A_234 = arith.constant 7 : i32
      %get3A_235 = arith.index_cast %get3A_234 : i32 to index
      %get3A_236 = arith.constant 984 : index
      %get3A_237 = tpu.vector_load %arg4[%get3A_235, %get3A_236] {strides = array<i32>} : memref<8x1000xf32, #tpu.memory_space<vmem>>, vector<1x16xf32>,
      %get3A_238 = vector.shape_cast %get3A_237 : vector<1x16xf32> to vector<16xf32>
      %sub3A_239 = arith.constant 1.000000e+00 : f32
      %sub3A_240 = vector.broadcast %sub3A_239 : f32 to vector<16xf32>
      %sub3A_241 = arith.subf %get3A_238, %sub3A_240 : vector<16xf32>
      %abs3A_242 = math.absf %sub3A_241 : vector<16xf32>
      %get3A_243 = arith.constant 0 : index
      %get3A_244 = tpu.vector_load %arg5[%get3A_243] {strides = array<i32>} : memref<16xf32, #tpu.memory_space<vmem>>, vector<16xf32>,
      %get3A_245 = vector.shape_cast %get3A_244 : vector<16xf32> to vector<16xf32>
      %ge3A_246 = arith.constant 8 : i32
      %ge3A_247 = vector.broadcast %ge3A_246 : i32 to vector<16xi32>
      %ge3A_248 = arith.cmpi sge, %iota3A, %ge3A_247 : vector<16xi32>
      %jit3A_249 = arith.constant 0.000000e+00 : f32
      %broadcast_in_dim3A_250 = vector.broadcast %jit3A_249 : f32 to vector<16xf32>
      %select_n3A_251 = arith.select %ge3A_248, %abs3A_242, %broadcast_in_dim3A_250 : vector<16xi1>, vector<16xf32>
      %add3A_252 = arith.addf %get3A_245, %select_n3A_251 : vector<16xf32>
      %swap3A_253 = arith.constant 0 : index
      %swap3A_254 = tpu.vector_load %arg5[%swap3A_253] {strides = array<i32>} : memref<16xf32, #tpu.memory_space<vmem>>, vector<16xf32>,
      %swap3A_255 = vector.shape_cast %swap3A_254 : vector<16xf32> to vector<16xf32>
      %swap3A_256 = vector.shape_cast %add3A_252 : vector<16xf32> to vector<16xf32>
      tpu.vector_store %arg5[%swap3A_253], %swap3A_256 {strides = array<i32>} : memref<16xf32, #tpu.memory_space<vmem>>, vector<16xf32>,
    } else {
    }
    %add3A_16 = arith.constant 64 : i32
    %add3A_17 = arith.addi %add3A, %add3A_16 : i32
    %lt3A_18 = arith.constant 125 : i32
    %lt3A_19 = arith.cmpi slt, %add3A_17, %lt3A_18 : i32
    %convert_element_type3A_20 = arith.extui %lt3A_19 : i1 to i32
    %cond3A_21 = arith.constant 0 : i32
    %cond3A_22 = arith.cmpi ne, %convert_element_type3A_20, %cond3A_21 : i32
    scf.if %cond3A_22 {
      %mul3A_30 = arith.constant 8 : i32
      %mul3A_31 = arith.muli %add3A_17, %mul3A_30 : i32
      "tpu.region"() ({
        %run_scoped3A = tpu.sem_alloc : memref<!tpu.dma_semaphore, #tpu.memory_space<semaphore_mem>>
        %dma_start3A = arith.constant 0 : i32
        %dma_start3A_257 = tpu.memref_slice %arg2[%mul3A_31, %dma_start3A] : memref<1000x1000xf32, #tpu.memory_space<hbm>> -> memref<8x1000xf32, #tpu.memory_space<hbm>>
        %dma_start3A_258 = arith.constant 0 : i32
        %dma_start3A_259 = tpu.memref_slice %arg2[%mul3A_31, %dma_start3A_258] : memref<1000x1000xf32, #tpu.memory_space<hbm>> -> memref<8x1000xf32, #tpu.memory_space<hbm>>
        tpu.enqueue_dma source(%dma_start3A_259 : memref<8x1000xf32, #tpu.memory_space<hbm>>) target(%arg4 : memref<8x1000xf32, #tpu.memory_space<vmem>>) target_semaphore(%run_scoped3A : memref<!tpu.dma_semaphore, #tpu.memory_space<semaphore_mem>>)
        %dma_wait3A = arith.constant 0 : i32
        %dma_wait3A_260 = tpu.memref_slice %arg2[%mul3A_31, %dma_wait3A] : memref<1000x1000xf32, #tpu.memory_space<hbm>> -> memref<8x1000xf32, #tpu.memory_space<hbm>>
        %dma_wait3A_261 = arith.constant 0 : i32
        %dma_wait3A_262 = tpu.memref_slice %arg2[%mul3A_31, %dma_wait3A_261] : memref<1000x1000xf32, #tpu.memory_space<hbm>> -> memref<8x1000xf32, #tpu.memory_space<hbm>>
        tpu.wait_dma2 semaphore(%run_scoped3A : memref<!tpu.dma_semaphore, #tpu.memory_space<semaphore_mem>>) src(%dma_wait3A_262 : memref<8x1000xf32, #tpu.memory_space<hbm>>) dst(%arg4 : memref<8x1000xf32, #tpu.memory_space<vmem>>)
        tpu.yield
      }) : () -> ()
      %scan3A = arith.constant 0 : i32
      %scan3A_32 = arith.constant 0 : i32
      %scan3A_33 = arith.constant 62 : i32
      %scan3A_34 = arith.addi %scan3A_32, %scan3A_33 : i32
      %scan3A_35 = arith.constant 1 : i32
      scf.for %scan3A_257 = %scan3A_32 to %scan3A_34 step %scan3A_35  : i32 {
        %get3A_258 = arith.constant 0 : index
        %get3A_259 = tpu.vector_load %arg5[%get3A_258] {strides = array<i32>} : memref<16xf32, #tpu.memory_space<vmem>>, vector<16xf32>,
        %get3A_260 = vector.shape_cast %get3A_259 : vector<16xf32> to vector<16xf32>
        %mul3A_261 = arith.constant 16 : i32
        %mul3A_262 = arith.muli %scan3A_257, %mul3A_261 : i32
        %get3A_263 = arith.constant 0 : i32
        %get3A_264 = arith.index_cast %get3A_263 : i32 to index
        %get3A_265 = arith.index_cast %mul3A_262 : i32 to index
        %get3A_266 = tpu.vector_load %arg4[%get3A_264, %get3A_265] {strides = array<i32>} : memref<8x1000xf32, #tpu.memory_space<vmem>>, vector<1x16xf32>,
        %get3A_267 = vector.shape_cast %get3A_266 : vector<1x16xf32> to vector<16xf32>
        %sub3A_268 = arith.constant 1.000000e+00 : f32
        %sub3A_269 = vector.broadcast %sub3A_268 : f32 to vector<16xf32>
        %sub3A_270 = arith.subf %get3A_267, %sub3A_269 : vector<16xf32>
        %abs3A_271 = math.absf %sub3A_270 : vector<16xf32>
        %add3A_272 = arith.addf %get3A_260, %abs3A_271 : vector<16xf32>
        %swap3A_273 = arith.constant 0 : index
        %swap3A_274 = tpu.vector_load %arg5[%swap3A_273] {strides = array<i32>} : memref<16xf32, #tpu.memory_space<vmem>>, vector<16xf32>,
        %swap3A_275 = vector.shape_cast %swap3A_274 : vector<16xf32> to vector<16xf32>
        %swap3A_276 = vector.shape_cast %add3A_272 : vector<16xf32> to vector<16xf32>
        tpu.vector_store %arg5[%swap3A_273], %swap3A_276 {strides = array<i32>} : memref<16xf32, #tpu.memory_space<vmem>>, vector<16xf32>,
      }
      %scan3A_36 = arith.constant 62 : i32
      %get3A = arith.constant 0 : i32
      %get3A_37 = arith.index_cast %get3A : i32 to index
      %get3A_38 = arith.constant 984 : index
      %get3A_39 = tpu.vector_load %arg4[%get3A_37, %get3A_38] {strides = array<i32>} : memref<8x1000xf32, #tpu.memory_space<vmem>>, vector<1x16xf32>,
      %get3A_40 = vector.shape_cast %get3A_39 : vector<1x16xf32> to vector<16xf32>
      %sub3A = arith.constant 1.000000e+00 : f32
      %sub3A_41 = vector.broadcast %sub3A : f32 to vector<16xf32>
      %sub3A_42 = arith.subf %get3A_40, %sub3A_41 : vector<16xf32>
      %abs3A = math.absf %sub3A_42 : vector<16xf32>
      %get3A_43 = arith.constant 0 : index
      %get3A_44 = tpu.vector_load %arg5[%get3A_43] {strides = array<i32>} : memref<16xf32, #tpu.memory_space<vmem>>, vector<16xf32>,
      %get3A_45 = vector.shape_cast %get3A_44 : vector<16xf32> to vector<16xf32>
      %ge3A = arith.constant 8 : i32
      %ge3A_46 = vector.broadcast %ge3A : i32 to vector<16xi32>
      %ge3A_47 = arith.cmpi sge, %iota3A, %ge3A_46 : vector<16xi32>
      %jit3A = arith.constant 0.000000e+00 : f32
      %broadcast_in_dim3A_48 = vector.broadcast %jit3A : f32 to vector<16xf32>
      %select_n3A = arith.select %ge3A_47, %abs3A, %broadcast_in_dim3A_48 : vector<16xi1>, vector<16xf32>
      %add3A_49 = arith.addf %get3A_45, %select_n3A : vector<16xf32>
      %swap3A_50 = arith.constant 0 : index
      %swap3A_51 = tpu.vector_load %arg5[%swap3A_50] {strides = array<i32>} : memref<16xf32, #tpu.memory_space<vmem>>, vector<16xf32>,
      %swap3A_52 = vector.shape_cast %swap3A_51 : vector<16xf32> to vector<16xf32>
      %swap3A_53 = vector.shape_cast %add3A_49 : vector<16xf32> to vector<16xf32>
      tpu.vector_store %arg5[%swap3A_50], %swap3A_53 {strides = array<i32>} : memref<16xf32, #tpu.memory_space<vmem>>, vector<16xf32>,
      %scan3A_54 = arith.constant 0 : i32
      %scan3A_55 = arith.constant 0 : i32
      %scan3A_56 = arith.constant 62 : i32
      %scan3A_57 = arith.addi %scan3A_55, %scan3A_56 : i32
      %scan3A_58 = arith.constant 1 : i32
      scf.for %scan3A_257 = %scan3A_55 to %scan3A_57 step %scan3A_58  : i32 {
        %get3A_258 = arith.constant 0 : index
        %get3A_259 = tpu.vector_load %arg5[%get3A_258] {strides = array<i32>} : memref<16xf32, #tpu.memory_space<vmem>>, vector<16xf32>,
        %get3A_260 = vector.shape_cast %get3A_259 : vector<16xf32> to vector<16xf32>
        %mul3A_261 = arith.constant 16 : i32
        %mul3A_262 = arith.muli %scan3A_257, %mul3A_261 : i32
        %get3A_263 = arith.constant 1 : i32
        %get3A_264 = arith.index_cast %get3A_263 : i32 to index
        %get3A_265 = arith.index_cast %mul3A_262 : i32 to index
        %get3A_266 = tpu.vector_load %arg4[%get3A_264, %get3A_265] {strides = array<i32>} : memref<8x1000xf32, #tpu.memory_space<vmem>>, vector<1x16xf32>,
        %get3A_267 = vector.shape_cast %get3A_266 : vector<1x16xf32> to vector<16xf32>
        %sub3A_268 = arith.constant 1.000000e+00 : f32
        %sub3A_269 = vector.broadcast %sub3A_268 : f32 to vector<16xf32>
        %sub3A_270 = arith.subf %get3A_267, %sub3A_269 : vector<16xf32>
        %abs3A_271 = math.absf %sub3A_270 : vector<16xf32>
        %add3A_272 = arith.addf %get3A_260, %abs3A_271 : vector<16xf32>
        %swap3A_273 = arith.constant 0 : index
        %swap3A_274 = tpu.vector_load %arg5[%swap3A_273] {strides = array<i32>} : memref<16xf32, #tpu.memory_space<vmem>>, vector<16xf32>,
        %swap3A_275 = vector.shape_cast %swap3A_274 : vector<16xf32> to vector<16xf32>
        %swap3A_276 = vector.shape_cast %add3A_272 : vector<16xf32> to vector<16xf32>
        tpu.vector_store %arg5[%swap3A_273], %swap3A_276 {strides = array<i32>} : memref<16xf32, #tpu.memory_space<vmem>>, vector<16xf32>,
      }
      %scan3A_59 = arith.constant 62 : i32
      %get3A_60 = arith.constant 1 : i32
      %get3A_61 = arith.index_cast %get3A_60 : i32 to index
      %get3A_62 = arith.constant 984 : index
      %get3A_63 = tpu.vector_load %arg4[%get3A_61, %get3A_62] {strides = array<i32>} : memref<8x1000xf32, #tpu.memory_space<vmem>>, vector<1x16xf32>,
      %get3A_64 = vector.shape_cast %get3A_63 : vector<1x16xf32> to vector<16xf32>
      %sub3A_65 = arith.constant 1.000000e+00 : f32
      %sub3A_66 = vector.broadcast %sub3A_65 : f32 to vector<16xf32>
      %sub3A_67 = arith.subf %get3A_64, %sub3A_66 : vector<16xf32>
      %abs3A_68 = math.absf %sub3A_67 : vector<16xf32>
      %get3A_69 = arith.constant 0 : index
      %get3A_70 = tpu.vector_load %arg5[%get3A_69] {strides = array<i32>} : memref<16xf32, #tpu.memory_space<vmem>>, vector<16xf32>,
      %get3A_71 = vector.shape_cast %get3A_70 : vector<16xf32> to vector<16xf32>
      %ge3A_72 = arith.constant 8 : i32
      %ge3A_73 = vector.broadcast %ge3A_72 : i32 to vector<16xi32>
      %ge3A_74 = arith.cmpi sge, %iota3A, %ge3A_73 : vector<16xi32>
      %jit3A_75 = arith.constant 0.000000e+00 : f32
      %broadcast_in_dim3A_76 = vector.broadcast %jit3A_75 : f32 to vector<16xf32>
      %select_n3A_77 = arith.select %ge3A_74, %abs3A_68, %broadcast_in_dim3A_76 : vector<16xi1>, vector<16xf32>
      %add3A_78 = arith.addf %get3A_71, %select_n3A_77 : vector<16xf32>
      %swap3A_79 = arith.constant 0 : index
      %swap3A_80 = tpu.vector_load %arg5[%swap3A_79] {strides = array<i32>} : memref<16xf32, #tpu.memory_space<vmem>>, vector<16xf32>,
      %swap3A_81 = vector.shape_cast %swap3A_80 : vector<16xf32> to vector<16xf32>
      %swap3A_82 = vector.shape_cast %add3A_78 : vector<16xf32> to vector<16xf32>
      tpu.vector_store %arg5[%swap3A_79], %swap3A_82 {strides = array<i32>} : memref<16xf32, #tpu.memory_space<vmem>>, vector<16xf32>,
      %scan3A_83 = arith.constant 0 : i32
      %scan3A_84 = arith.constant 0 : i32
      %scan3A_85 = arith.constant 62 : i32
      %scan3A_86 = arith.addi %scan3A_84, %scan3A_85 : i32
      %scan3A_87 = arith.constant 1 : i32
      scf.for %scan3A_257 = %scan3A_84 to %scan3A_86 step %scan3A_87  : i32 {
        %get3A_258 = arith.constant 0 : index
        %get3A_259 = tpu.vector_load %arg5[%get3A_258] {strides = array<i32>} : memref<16xf32, #tpu.memory_space<vmem>>, vector<16xf32>,
        %get3A_260 = vector.shape_cast %get3A_259 : vector<16xf32> to vector<16xf32>
        %mul3A_261 = arith.constant 16 : i32
        %mul3A_262 = arith.muli %scan3A_257, %mul3A_261 : i32
        %get3A_263 = arith.constant 2 : i32
        %get3A_264 = arith.index_cast %get3A_263 : i32 to index
        %get3A_265 = arith.index_cast %mul3A_262 : i32 to index
        %get3A_266 = tpu.vector_load %arg4[%get3A_264, %get3A_265] {strides = array<i32>} : memref<8x1000xf32, #tpu.memory_space<vmem>>, vector<1x16xf32>,
        %get3A_267 = vector.shape_cast %get3A_266 : vector<1x16xf32> to vector<16xf32>
        %sub3A_268 = arith.constant 1.000000e+00 : f32
        %sub3A_269 = vector.broadcast %sub3A_268 : f32 to vector<16xf32>
        %sub3A_270 = arith.subf %get3A_267, %sub3A_269 : vector<16xf32>
        %abs3A_271 = math.absf %sub3A_270 : vector<16xf32>
        %add3A_272 = arith.addf %get3A_260, %abs3A_271 : vector<16xf32>
        %swap3A_273 = arith.constant 0 : index
        %swap3A_274 = tpu.vector_load %arg5[%swap3A_273] {strides = array<i32>} : memref<16xf32, #tpu.memory_space<vmem>>, vector<16xf32>,
        %swap3A_275 = vector.shape_cast %swap3A_274 : vector<16xf32> to vector<16xf32>
        %swap3A_276 = vector.shape_cast %add3A_272 : vector<16xf32> to vector<16xf32>
        tpu.vector_store %arg5[%swap3A_273], %swap3A_276 {strides = array<i32>} : memref<16xf32, #tpu.memory_space<vmem>>, vector<16xf32>,
      }
      %scan3A_88 = arith.constant 62 : i32
      %get3A_89 = arith.constant 2 : i32
      %get3A_90 = arith.index_cast %get3A_89 : i32 to index
      %get3A_91 = arith.constant 984 : index
      %get3A_92 = tpu.vector_load %arg4[%get3A_90, %get3A_91] {strides = array<i32>} : memref<8x1000xf32, #tpu.memory_space<vmem>>, vector<1x16xf32>,
      %get3A_93 = vector.shape_cast %get3A_92 : vector<1x16xf32> to vector<16xf32>
      %sub3A_94 = arith.constant 1.000000e+00 : f32
      %sub3A_95 = vector.broadcast %sub3A_94 : f32 to vector<16xf32>
      %sub3A_96 = arith.subf %get3A_93, %sub3A_95 : vector<16xf32>
      %abs3A_97 = math.absf %sub3A_96 : vector<16xf32>
      %get3A_98 = arith.constant 0 : index
      %get3A_99 = tpu.vector_load %arg5[%get3A_98] {strides = array<i32>} : memref<16xf32, #tpu.memory_space<vmem>>, vector<16xf32>,
      %get3A_100 = vector.shape_cast %get3A_99 : vector<16xf32> to vector<16xf32>
      %ge3A_101 = arith.constant 8 : i32
      %ge3A_102 = vector.broadcast %ge3A_101 : i32 to vector<16xi32>
      %ge3A_103 = arith.cmpi sge, %iota3A, %ge3A_102 : vector<16xi32>
      %jit3A_104 = arith.constant 0.000000e+00 : f32
      %broadcast_in_dim3A_105 = vector.broadcast %jit3A_104 : f32 to vector<16xf32>
      %select_n3A_106 = arith.select %ge3A_103, %abs3A_97, %broadcast_in_dim3A_105 : vector<16xi1>, vector<16xf32>
      %add3A_107 = arith.addf %get3A_100, %select_n3A_106 : vector<16xf32>
      %swap3A_108 = arith.constant 0 : index
      %swap3A_109 = tpu.vector_load %arg5[%swap3A_108] {strides = array<i32>} : memref<16xf32, #tpu.memory_space<vmem>>, vector<16xf32>,
      %swap3A_110 = vector.shape_cast %swap3A_109 : vector<16xf32> to vector<16xf32>
      %swap3A_111 = vector.shape_cast %add3A_107 : vector<16xf32> to vector<16xf32>
      tpu.vector_store %arg5[%swap3A_108], %swap3A_111 {strides = array<i32>} : memref<16xf32, #tpu.memory_space<vmem>>, vector<16xf32>,
      %scan3A_112 = arith.constant 0 : i32
      %scan3A_113 = arith.constant 0 : i32
      %scan3A_114 = arith.constant 62 : i32
      %scan3A_115 = arith.addi %scan3A_113, %scan3A_114 : i32
      %scan3A_116 = arith.constant 1 : i32
      scf.for %scan3A_257 = %scan3A_113 to %scan3A_115 step %scan3A_116  : i32 {
        %get3A_258 = arith.constant 0 : index
        %get3A_259 = tpu.vector_load %arg5[%get3A_258] {strides = array<i32>} : memref<16xf32, #tpu.memory_space<vmem>>, vector<16xf32>,
        %get3A_260 = vector.shape_cast %get3A_259 : vector<16xf32> to vector<16xf32>
        %mul3A_261 = arith.constant 16 : i32
        %mul3A_262 = arith.muli %scan3A_257, %mul3A_261 : i32
        %get3A_263 = arith.constant 3 : i32
        %get3A_264 = arith.index_cast %get3A_263 : i32 to index
        %get3A_265 = arith.index_cast %mul3A_262 : i32 to index
        %get3A_266 = tpu.vector_load %arg4[%get3A_264, %get3A_265] {strides = array<i32>} : memref<8x1000xf32, #tpu.memory_space<vmem>>, vector<1x16xf32>,
        %get3A_267 = vector.shape_cast %get3A_266 : vector<1x16xf32> to vector<16xf32>
        %sub3A_268 = arith.constant 1.000000e+00 : f32
        %sub3A_269 = vector.broadcast %sub3A_268 : f32 to vector<16xf32>
        %sub3A_270 = arith.subf %get3A_267, %sub3A_269 : vector<16xf32>
        %abs3A_271 = math.absf %sub3A_270 : vector<16xf32>
        %add3A_272 = arith.addf %get3A_260, %abs3A_271 : vector<16xf32>
        %swap3A_273 = arith.constant 0 : index
        %swap3A_274 = tpu.vector_load %arg5[%swap3A_273] {strides = array<i32>} : memref<16xf32, #tpu.memory_space<vmem>>, vector<16xf32>,
        %swap3A_275 = vector.shape_cast %swap3A_274 : vector<16xf32> to vector<16xf32>
        %swap3A_276 = vector.shape_cast %add3A_272 : vector<16xf32> to vector<16xf32>
        tpu.vector_store %arg5[%swap3A_273], %swap3A_276 {strides = array<i32>} : memref<16xf32, #tpu.memory_space<vmem>>, vector<16xf32>,
      }
      %scan3A_117 = arith.constant 62 : i32
      %get3A_118 = arith.constant 3 : i32
      %get3A_119 = arith.index_cast %get3A_118 : i32 to index
      %get3A_120 = arith.constant 984 : index
      %get3A_121 = tpu.vector_load %arg4[%get3A_119, %get3A_120] {strides = array<i32>} : memref<8x1000xf32, #tpu.memory_space<vmem>>, vector<1x16xf32>,
      %get3A_122 = vector.shape_cast %get3A_121 : vector<1x16xf32> to vector<16xf32>
      %sub3A_123 = arith.constant 1.000000e+00 : f32
      %sub3A_124 = vector.broadcast %sub3A_123 : f32 to vector<16xf32>
      %sub3A_125 = arith.subf %get3A_122, %sub3A_124 : vector<16xf32>
      %abs3A_126 = math.absf %sub3A_125 : vector<16xf32>
      %get3A_127 = arith.constant 0 : index
      %get3A_128 = tpu.vector_load %arg5[%get3A_127] {strides = array<i32>} : memref<16xf32, #tpu.memory_space<vmem>>, vector<16xf32>,
      %get3A_129 = vector.shape_cast %get3A_128 : vector<16xf32> to vector<16xf32>
      %ge3A_130 = arith.constant 8 : i32
      %ge3A_131 = vector.broadcast %ge3A_130 : i32 to vector<16xi32>
      %ge3A_132 = arith.cmpi sge, %iota3A, %ge3A_131 : vector<16xi32>
      %jit3A_133 = arith.constant 0.000000e+00 : f32
      %broadcast_in_dim3A_134 = vector.broadcast %jit3A_133 : f32 to vector<16xf32>
      %select_n3A_135 = arith.select %ge3A_132, %abs3A_126, %broadcast_in_dim3A_134 : vector<16xi1>, vector<16xf32>
      %add3A_136 = arith.addf %get3A_129, %select_n3A_135 : vector<16xf32>
      %swap3A_137 = arith.constant 0 : index
      %swap3A_138 = tpu.vector_load %arg5[%swap3A_137] {strides = array<i32>} : memref<16xf32, #tpu.memory_space<vmem>>, vector<16xf32>,
      %swap3A_139 = vector.shape_cast %swap3A_138 : vector<16xf32> to vector<16xf32>
      %swap3A_140 = vector.shape_cast %add3A_136 : vector<16xf32> to vector<16xf32>
      tpu.vector_store %arg5[%swap3A_137], %swap3A_140 {strides = array<i32>} : memref<16xf32, #tpu.memory_space<vmem>>, vector<16xf32>,
      %scan3A_141 = arith.constant 0 : i32
      %scan3A_142 = arith.constant 0 : i32
      %scan3A_143 = arith.constant 62 : i32
      %scan3A_144 = arith.addi %scan3A_142, %scan3A_143 : i32
      %scan3A_145 = arith.constant 1 : i32
      scf.for %scan3A_257 = %scan3A_142 to %scan3A_144 step %scan3A_145  : i32 {
        %get3A_258 = arith.constant 0 : index
        %get3A_259 = tpu.vector_load %arg5[%get3A_258] {strides = array<i32>} : memref<16xf32, #tpu.memory_space<vmem>>, vector<16xf32>,
        %get3A_260 = vector.shape_cast %get3A_259 : vector<16xf32> to vector<16xf32>
        %mul3A_261 = arith.constant 16 : i32
        %mul3A_262 = arith.muli %scan3A_257, %mul3A_261 : i32
        %get3A_263 = arith.constant 4 : i32
        %get3A_264 = arith.index_cast %get3A_263 : i32 to index
        %get3A_265 = arith.index_cast %mul3A_262 : i32 to index
        %get3A_266 = tpu.vector_load %arg4[%get3A_264, %get3A_265] {strides = array<i32>} : memref<8x1000xf32, #tpu.memory_space<vmem>>, vector<1x16xf32>,
        %get3A_267 = vector.shape_cast %get3A_266 : vector<1x16xf32> to vector<16xf32>
        %sub3A_268 = arith.constant 1.000000e+00 : f32
        %sub3A_269 = vector.broadcast %sub3A_268 : f32 to vector<16xf32>
        %sub3A_270 = arith.subf %get3A_267, %sub3A_269 : vector<16xf32>
        %abs3A_271 = math.absf %sub3A_270 : vector<16xf32>
        %add3A_272 = arith.addf %get3A_260, %abs3A_271 : vector<16xf32>
        %swap3A_273 = arith.constant 0 : index
        %swap3A_274 = tpu.vector_load %arg5[%swap3A_273] {strides = array<i32>} : memref<16xf32, #tpu.memory_space<vmem>>, vector<16xf32>,
        %swap3A_275 = vector.shape_cast %swap3A_274 : vector<16xf32> to vector<16xf32>
        %swap3A_276 = vector.shape_cast %add3A_272 : vector<16xf32> to vector<16xf32>
        tpu.vector_store %arg5[%swap3A_273], %swap3A_276 {strides = array<i32>} : memref<16xf32, #tpu.memory_space<vmem>>, vector<16xf32>,
      }
      %scan3A_146 = arith.constant 62 : i32
      %get3A_147 = arith.constant 4 : i32
      %get3A_148 = arith.index_cast %get3A_147 : i32 to index
      %get3A_149 = arith.constant 984 : index
      %get3A_150 = tpu.vector_load %arg4[%get3A_148, %get3A_149] {strides = array<i32>} : memref<8x1000xf32, #tpu.memory_space<vmem>>, vector<1x16xf32>,
      %get3A_151 = vector.shape_cast %get3A_150 : vector<1x16xf32> to vector<16xf32>
      %sub3A_152 = arith.constant 1.000000e+00 : f32
      %sub3A_153 = vector.broadcast %sub3A_152 : f32 to vector<16xf32>
      %sub3A_154 = arith.subf %get3A_151, %sub3A_153 : vector<16xf32>
      %abs3A_155 = math.absf %sub3A_154 : vector<16xf32>
      %get3A_156 = arith.constant 0 : index
      %get3A_157 = tpu.vector_load %arg5[%get3A_156] {strides = array<i32>} : memref<16xf32, #tpu.memory_space<vmem>>, vector<16xf32>,
      %get3A_158 = vector.shape_cast %get3A_157 : vector<16xf32> to vector<16xf32>
      %ge3A_159 = arith.constant 8 : i32
      %ge3A_160 = vector.broadcast %ge3A_159 : i32 to vector<16xi32>
      %ge3A_161 = arith.cmpi sge, %iota3A, %ge3A_160 : vector<16xi32>
      %jit3A_162 = arith.constant 0.000000e+00 : f32
      %broadcast_in_dim3A_163 = vector.broadcast %jit3A_162 : f32 to vector<16xf32>
      %select_n3A_164 = arith.select %ge3A_161, %abs3A_155, %broadcast_in_dim3A_163 : vector<16xi1>, vector<16xf32>
      %add3A_165 = arith.addf %get3A_158, %select_n3A_164 : vector<16xf32>
      %swap3A_166 = arith.constant 0 : index
      %swap3A_167 = tpu.vector_load %arg5[%swap3A_166] {strides = array<i32>} : memref<16xf32, #tpu.memory_space<vmem>>, vector<16xf32>,
      %swap3A_168 = vector.shape_cast %swap3A_167 : vector<16xf32> to vector<16xf32>
      %swap3A_169 = vector.shape_cast %add3A_165 : vector<16xf32> to vector<16xf32>
      tpu.vector_store %arg5[%swap3A_166], %swap3A_169 {strides = array<i32>} : memref<16xf32, #tpu.memory_space<vmem>>, vector<16xf32>,
      %scan3A_170 = arith.constant 0 : i32
      %scan3A_171 = arith.constant 0 : i32
      %scan3A_172 = arith.constant 62 : i32
      %scan3A_173 = arith.addi %scan3A_171, %scan3A_172 : i32
      %scan3A_174 = arith.constant 1 : i32
      scf.for %scan3A_257 = %scan3A_171 to %scan3A_173 step %scan3A_174  : i32 {
        %get3A_258 = arith.constant 0 : index
        %get3A_259 = tpu.vector_load %arg5[%get3A_258] {strides = array<i32>} : memref<16xf32, #tpu.memory_space<vmem>>, vector<16xf32>,
        %get3A_260 = vector.shape_cast %get3A_259 : vector<16xf32> to vector<16xf32>
        %mul3A_261 = arith.constant 16 : i32
        %mul3A_262 = arith.muli %scan3A_257, %mul3A_261 : i32
        %get3A_263 = arith.constant 5 : i32
        %get3A_264 = arith.index_cast %get3A_263 : i32 to index
        %get3A_265 = arith.index_cast %mul3A_262 : i32 to index
        %get3A_266 = tpu.vector_load %arg4[%get3A_264, %get3A_265] {strides = array<i32>} : memref<8x1000xf32, #tpu.memory_space<vmem>>, vector<1x16xf32>,
        %get3A_267 = vector.shape_cast %get3A_266 : vector<1x16xf32> to vector<16xf32>
        %sub3A_268 = arith.constant 1.000000e+00 : f32
        %sub3A_269 = vector.broadcast %sub3A_268 : f32 to vector<16xf32>
        %sub3A_270 = arith.subf %get3A_267, %sub3A_269 : vector<16xf32>
        %abs3A_271 = math.absf %sub3A_270 : vector<16xf32>
        %add3A_272 = arith.addf %get3A_260, %abs3A_271 : vector<16xf32>
        %swap3A_273 = arith.constant 0 : index
        %swap3A_274 = tpu.vector_load %arg5[%swap3A_273] {strides = array<i32>} : memref<16xf32, #tpu.memory_space<vmem>>, vector<16xf32>,
        %swap3A_275 = vector.shape_cast %swap3A_274 : vector<16xf32> to vector<16xf32>
        %swap3A_276 = vector.shape_cast %add3A_272 : vector<16xf32> to vector<16xf32>
        tpu.vector_store %arg5[%swap3A_273], %swap3A_276 {strides = array<i32>} : memref<16xf32, #tpu.memory_space<vmem>>, vector<16xf32>,
      }
      %scan3A_175 = arith.constant 62 : i32
      %get3A_176 = arith.constant 5 : i32
      %get3A_177 = arith.index_cast %get3A_176 : i32 to index
      %get3A_178 = arith.constant 984 : index
      %get3A_179 = tpu.vector_load %arg4[%get3A_177, %get3A_178] {strides = array<i32>} : memref<8x1000xf32, #tpu.memory_space<vmem>>, vector<1x16xf32>,
      %get3A_180 = vector.shape_cast %get3A_179 : vector<1x16xf32> to vector<16xf32>
      %sub3A_181 = arith.constant 1.000000e+00 : f32
      %sub3A_182 = vector.broadcast %sub3A_181 : f32 to vector<16xf32>
      %sub3A_183 = arith.subf %get3A_180, %sub3A_182 : vector<16xf32>
      %abs3A_184 = math.absf %sub3A_183 : vector<16xf32>
      %get3A_185 = arith.constant 0 : index
      %get3A_186 = tpu.vector_load %arg5[%get3A_185] {strides = array<i32>} : memref<16xf32, #tpu.memory_space<vmem>>, vector<16xf32>,
      %get3A_187 = vector.shape_cast %get3A_186 : vector<16xf32> to vector<16xf32>
      %ge3A_188 = arith.constant 8 : i32
      %ge3A_189 = vector.broadcast %ge3A_188 : i32 to vector<16xi32>
      %ge3A_190 = arith.cmpi sge, %iota3A, %ge3A_189 : vector<16xi32>
      %jit3A_191 = arith.constant 0.000000e+00 : f32
      %broadcast_in_dim3A_192 = vector.broadcast %jit3A_191 : f32 to vector<16xf32>
      %select_n3A_193 = arith.select %ge3A_190, %abs3A_184, %broadcast_in_dim3A_192 : vector<16xi1>, vector<16xf32>
      %add3A_194 = arith.addf %get3A_187, %select_n3A_193 : vector<16xf32>
      %swap3A_195 = arith.constant 0 : index
      %swap3A_196 = tpu.vector_load %arg5[%swap3A_195] {strides = array<i32>} : memref<16xf32, #tpu.memory_space<vmem>>, vector<16xf32>,
      %swap3A_197 = vector.shape_cast %swap3A_196 : vector<16xf32> to vector<16xf32>
      %swap3A_198 = vector.shape_cast %add3A_194 : vector<16xf32> to vector<16xf32>
      tpu.vector_store %arg5[%swap3A_195], %swap3A_198 {strides = array<i32>} : memref<16xf32, #tpu.memory_space<vmem>>, vector<16xf32>,
      %scan3A_199 = arith.constant 0 : i32
      %scan3A_200 = arith.constant 0 : i32
      %scan3A_201 = arith.constant 62 : i32
      %scan3A_202 = arith.addi %scan3A_200, %scan3A_201 : i32
      %scan3A_203 = arith.constant 1 : i32
      scf.for %scan3A_257 = %scan3A_200 to %scan3A_202 step %scan3A_203  : i32 {
        %get3A_258 = arith.constant 0 : index
        %get3A_259 = tpu.vector_load %arg5[%get3A_258] {strides = array<i32>} : memref<16xf32, #tpu.memory_space<vmem>>, vector<16xf32>,
        %get3A_260 = vector.shape_cast %get3A_259 : vector<16xf32> to vector<16xf32>
        %mul3A_261 = arith.constant 16 : i32
        %mul3A_262 = arith.muli %scan3A_257, %mul3A_261 : i32
        %get3A_263 = arith.constant 6 : i32
        %get3A_264 = arith.index_cast %get3A_263 : i32 to index
        %get3A_265 = arith.index_cast %mul3A_262 : i32 to index
        %get3A_266 = tpu.vector_load %arg4[%get3A_264, %get3A_265] {strides = array<i32>} : memref<8x1000xf32, #tpu.memory_space<vmem>>, vector<1x16xf32>,
        %get3A_267 = vector.shape_cast %get3A_266 : vector<1x16xf32> to vector<16xf32>
        %sub3A_268 = arith.constant 1.000000e+00 : f32
        %sub3A_269 = vector.broadcast %sub3A_268 : f32 to vector<16xf32>
        %sub3A_270 = arith.subf %get3A_267, %sub3A_269 : vector<16xf32>
        %abs3A_271 = math.absf %sub3A_270 : vector<16xf32>
        %add3A_272 = arith.addf %get3A_260, %abs3A_271 : vector<16xf32>
        %swap3A_273 = arith.constant 0 : index
        %swap3A_274 = tpu.vector_load %arg5[%swap3A_273] {strides = array<i32>} : memref<16xf32, #tpu.memory_space<vmem>>, vector<16xf32>,
        %swap3A_275 = vector.shape_cast %swap3A_274 : vector<16xf32> to vector<16xf32>
        %swap3A_276 = vector.shape_cast %add3A_272 : vector<16xf32> to vector<16xf32>
        tpu.vector_store %arg5[%swap3A_273], %swap3A_276 {strides = array<i32>} : memref<16xf32, #tpu.memory_space<vmem>>, vector<16xf32>,
      }
      %scan3A_204 = arith.constant 62 : i32
      %get3A_205 = arith.constant 6 : i32
      %get3A_206 = arith.index_cast %get3A_205 : i32 to index
      %get3A_207 = arith.constant 984 : index
      %get3A_208 = tpu.vector_load %arg4[%get3A_206, %get3A_207] {strides = array<i32>} : memref<8x1000xf32, #tpu.memory_space<vmem>>, vector<1x16xf32>,
      %get3A_209 = vector.shape_cast %get3A_208 : vector<1x16xf32> to vector<16xf32>
      %sub3A_210 = arith.constant 1.000000e+00 : f32
      %sub3A_211 = vector.broadcast %sub3A_210 : f32 to vector<16xf32>
      %sub3A_212 = arith.subf %get3A_209, %sub3A_211 : vector<16xf32>
      %abs3A_213 = math.absf %sub3A_212 : vector<16xf32>
      %get3A_214 = arith.constant 0 : index
      %get3A_215 = tpu.vector_load %arg5[%get3A_214] {strides = array<i32>} : memref<16xf32, #tpu.memory_space<vmem>>, vector<16xf32>,
      %get3A_216 = vector.shape_cast %get3A_215 : vector<16xf32> to vector<16xf32>
      %ge3A_217 = arith.constant 8 : i32
      %ge3A_218 = vector.broadcast %ge3A_217 : i32 to vector<16xi32>
      %ge3A_219 = arith.cmpi sge, %iota3A, %ge3A_218 : vector<16xi32>
      %jit3A_220 = arith.constant 0.000000e+00 : f32
      %broadcast_in_dim3A_221 = vector.broadcast %jit3A_220 : f32 to vector<16xf32>
      %select_n3A_222 = arith.select %ge3A_219, %abs3A_213, %broadcast_in_dim3A_221 : vector<16xi1>, vector<16xf32>
      %add3A_223 = arith.addf %get3A_216, %select_n3A_222 : vector<16xf32>
      %swap3A_224 = arith.constant 0 : index
      %swap3A_225 = tpu.vector_load %arg5[%swap3A_224] {strides = array<i32>} : memref<16xf32, #tpu.memory_space<vmem>>, vector<16xf32>,
      %swap3A_226 = vector.shape_cast %swap3A_225 : vector<16xf32> to vector<16xf32>
      %swap3A_227 = vector.shape_cast %add3A_223 : vector<16xf32> to vector<16xf32>
      tpu.vector_store %arg5[%swap3A_224], %swap3A_227 {strides = array<i32>} : memref<16xf32, #tpu.memory_space<vmem>>, vector<16xf32>,
      %scan3A_228 = arith.constant 0 : i32
      %scan3A_229 = arith.constant 0 : i32
      %scan3A_230 = arith.constant 62 : i32
      %scan3A_231 = arith.addi %scan3A_229, %scan3A_230 : i32
      %scan3A_232 = arith.constant 1 : i32
      scf.for %scan3A_257 = %scan3A_229 to %scan3A_231 step %scan3A_232  : i32 {
        %get3A_258 = arith.constant 0 : index
        %get3A_259 = tpu.vector_load %arg5[%get3A_258] {strides = array<i32>} : memref<16xf32, #tpu.memory_space<vmem>>, vector<16xf32>,
        %get3A_260 = vector.shape_cast %get3A_259 : vector<16xf32> to vector<16xf32>
        %mul3A_261 = arith.constant 16 : i32
        %mul3A_262 = arith.muli %scan3A_257, %mul3A_261 : i32
        %get3A_263 = arith.constant 7 : i32
        %get3A_264 = arith.index_cast %get3A_263 : i32 to index
        %get3A_265 = arith.index_cast %mul3A_262 : i32 to index
        %get3A_266 = tpu.vector_load %arg4[%get3A_264, %get3A_265] {strides = array<i32>} : memref<8x1000xf32, #tpu.memory_space<vmem>>, vector<1x16xf32>,
        %get3A_267 = vector.shape_cast %get3A_266 : vector<1x16xf32> to vector<16xf32>
        %sub3A_268 = arith.constant 1.000000e+00 : f32
        %sub3A_269 = vector.broadcast %sub3A_268 : f32 to vector<16xf32>
        %sub3A_270 = arith.subf %get3A_267, %sub3A_269 : vector<16xf32>
        %abs3A_271 = math.absf %sub3A_270 : vector<16xf32>
        %add3A_272 = arith.addf %get3A_260, %abs3A_271 : vector<16xf32>
        %swap3A_273 = arith.constant 0 : index
        %swap3A_274 = tpu.vector_load %arg5[%swap3A_273] {strides = array<i32>} : memref<16xf32, #tpu.memory_space<vmem>>, vector<16xf32>,
        %swap3A_275 = vector.shape_cast %swap3A_274 : vector<16xf32> to vector<16xf32>
        %swap3A_276 = vector.shape_cast %add3A_272 : vector<16xf32> to vector<16xf32>
        tpu.vector_store %arg5[%swap3A_273], %swap3A_276 {strides = array<i32>} : memref<16xf32, #tpu.memory_space<vmem>>, vector<16xf32>,
      }
      %scan3A_233 = arith.constant 62 : i32
      %get3A_234 = arith.constant 7 : i32
      %get3A_235 = arith.index_cast %get3A_234 : i32 to index
      %get3A_236 = arith.constant 984 : index
      %get3A_237 = tpu.vector_load %arg4[%get3A_235, %get3A_236] {strides = array<i32>} : memref<8x1000xf32, #tpu.memory_space<vmem>>, vector<1x16xf32>,
      %get3A_238 = vector.shape_cast %get3A_237 : vector<1x16xf32> to vector<16xf32>
      %sub3A_239 = arith.constant 1.000000e+00 : f32
      %sub3A_240 = vector.broadcast %sub3A_239 : f32 to vector<16xf32>
      %sub3A_241 = arith.subf %get3A_238, %sub3A_240 : vector<16xf32>
      %abs3A_242 = math.absf %sub3A_241 : vector<16xf32>
      %get3A_243 = arith.constant 0 : index
      %get3A_244 = tpu.vector_load %arg5[%get3A_243] {strides = array<i32>} : memref<16xf32, #tpu.memory_space<vmem>>, vector<16xf32>,
      %get3A_245 = vector.shape_cast %get3A_244 : vector<16xf32> to vector<16xf32>
      %ge3A_246 = arith.constant 8 : i32
      %ge3A_247 = vector.broadcast %ge3A_246 : i32 to vector<16xi32>
      %ge3A_248 = arith.cmpi sge, %iota3A, %ge3A_247 : vector<16xi32>
      %jit3A_249 = arith.constant 0.000000e+00 : f32
      %broadcast_in_dim3A_250 = vector.broadcast %jit3A_249 : f32 to vector<16xf32>
      %select_n3A_251 = arith.select %ge3A_248, %abs3A_242, %broadcast_in_dim3A_250 : vector<16xi1>, vector<16xf32>
      %add3A_252 = arith.addf %get3A_245, %select_n3A_251 : vector<16xf32>
      %swap3A_253 = arith.constant 0 : index
      %swap3A_254 = tpu.vector_load %arg5[%swap3A_253] {strides = array<i32>} : memref<16xf32, #tpu.memory_space<vmem>>, vector<16xf32>,
      %swap3A_255 = vector.shape_cast %swap3A_254 : vector<16xf32> to vector<16xf32>
      %swap3A_256 = vector.shape_cast %add3A_252 : vector<16xf32> to vector<16xf32>
      tpu.vector_store %arg5[%swap3A_253], %swap3A_256 {strides = array<i32>} : memref<16xf32, #tpu.memory_space<vmem>>, vector<16xf32>,
    } else {
    }
    %add3A_23 = arith.constant 96 : i32
    %add3A_24 = arith.addi %add3A, %add3A_23 : i32
    %lt3A_25 = arith.constant 125 : i32
    %lt3A_26 = arith.cmpi slt, %add3A_24, %lt3A_25 : i32
    %convert_element_type3A_27 = arith.extui %lt3A_26 : i1 to i32
    %cond3A_28 = arith.constant 0 : i32
    %cond3A_29 = arith.cmpi ne, %convert_element_type3A_27, %cond3A_28 : i32
    scf.if %cond3A_29 {
      %mul3A_30 = arith.constant 8 : i32
      %mul3A_31 = arith.muli %add3A_24, %mul3A_30 : i32
      "tpu.region"() ({
        %run_scoped3A = tpu.sem_alloc : memref<!tpu.dma_semaphore, #tpu.memory_space<semaphore_mem>>
        %dma_start3A = arith.constant 0 : i32
        %dma_start3A_257 = tpu.memref_slice %arg2[%mul3A_31, %dma_start3A] : memref<1000x1000xf32, #tpu.memory_space<hbm>> -> memref<8x1000xf32, #tpu.memory_space<hbm>>
        %dma_start3A_258 = arith.constant 0 : i32
        %dma_start3A_259 = tpu.memref_slice %arg2[%mul3A_31, %dma_start3A_258] : memref<1000x1000xf32, #tpu.memory_space<hbm>> -> memref<8x1000xf32, #tpu.memory_space<hbm>>
        tpu.enqueue_dma source(%dma_start3A_259 : memref<8x1000xf32, #tpu.memory_space<hbm>>) target(%arg4 : memref<8x1000xf32, #tpu.memory_space<vmem>>) target_semaphore(%run_scoped3A : memref<!tpu.dma_semaphore, #tpu.memory_space<semaphore_mem>>)
        %dma_wait3A = arith.constant 0 : i32
        %dma_wait3A_260 = tpu.memref_slice %arg2[%mul3A_31, %dma_wait3A] : memref<1000x1000xf32, #tpu.memory_space<hbm>> -> memref<8x1000xf32, #tpu.memory_space<hbm>>
        %dma_wait3A_261 = arith.constant 0 : i32
        %dma_wait3A_262 = tpu.memref_slice %arg2[%mul3A_31, %dma_wait3A_261] : memref<1000x1000xf32, #tpu.memory_space<hbm>> -> memref<8x1000xf32, #tpu.memory_space<hbm>>
        tpu.wait_dma2 semaphore(%run_scoped3A : memref<!tpu.dma_semaphore, #tpu.memory_space<semaphore_mem>>) src(%dma_wait3A_262 : memref<8x1000xf32, #tpu.memory_space<hbm>>) dst(%arg4 : memref<8x1000xf32, #tpu.memory_space<vmem>>)
        tpu.yield
      }) : () -> ()
      %scan3A = arith.constant 0 : i32
      %scan3A_32 = arith.constant 0 : i32
      %scan3A_33 = arith.constant 62 : i32
      %scan3A_34 = arith.addi %scan3A_32, %scan3A_33 : i32
      %scan3A_35 = arith.constant 1 : i32
      scf.for %scan3A_257 = %scan3A_32 to %scan3A_34 step %scan3A_35  : i32 {
        %get3A_258 = arith.constant 0 : index
        %get3A_259 = tpu.vector_load %arg5[%get3A_258] {strides = array<i32>} : memref<16xf32, #tpu.memory_space<vmem>>, vector<16xf32>,
        %get3A_260 = vector.shape_cast %get3A_259 : vector<16xf32> to vector<16xf32>
        %mul3A_261 = arith.constant 16 : i32
        %mul3A_262 = arith.muli %scan3A_257, %mul3A_261 : i32
        %get3A_263 = arith.constant 0 : i32
        %get3A_264 = arith.index_cast %get3A_263 : i32 to index
        %get3A_265 = arith.index_cast %mul3A_262 : i32 to index
        %get3A_266 = tpu.vector_load %arg4[%get3A_264, %get3A_265] {strides = array<i32>} : memref<8x1000xf32, #tpu.memory_space<vmem>>, vector<1x16xf32>,
        %get3A_267 = vector.shape_cast %get3A_266 : vector<1x16xf32> to vector<16xf32>
        %sub3A_268 = arith.constant 1.000000e+00 : f32
        %sub3A_269 = vector.broadcast %sub3A_268 : f32 to vector<16xf32>
        %sub3A_270 = arith.subf %get3A_267, %sub3A_269 : vector<16xf32>
        %abs3A_271 = math.absf %sub3A_270 : vector<16xf32>
        %add3A_272 = arith.addf %get3A_260, %abs3A_271 : vector<16xf32>
        %swap3A_273 = arith.constant 0 : index
        %swap3A_274 = tpu.vector_load %arg5[%swap3A_273] {strides = array<i32>} : memref<16xf32, #tpu.memory_space<vmem>>, vector<16xf32>,
        %swap3A_275 = vector.shape_cast %swap3A_274 : vector<16xf32> to vector<16xf32>
        %swap3A_276 = vector.shape_cast %add3A_272 : vector<16xf32> to vector<16xf32>
        tpu.vector_store %arg5[%swap3A_273], %swap3A_276 {strides = array<i32>} : memref<16xf32, #tpu.memory_space<vmem>>, vector<16xf32>,
      }
      %scan3A_36 = arith.constant 62 : i32
      %get3A = arith.constant 0 : i32
      %get3A_37 = arith.index_cast %get3A : i32 to index
      %get3A_38 = arith.constant 984 : index
      %get3A_39 = tpu.vector_load %arg4[%get3A_37, %get3A_38] {strides = array<i32>} : memref<8x1000xf32, #tpu.memory_space<vmem>>, vector<1x16xf32>,
      %get3A_40 = vector.shape_cast %get3A_39 : vector<1x16xf32> to vector<16xf32>
      %sub3A = arith.constant 1.000000e+00 : f32
      %sub3A_41 = vector.broadcast %sub3A : f32 to vector<16xf32>
      %sub3A_42 = arith.subf %get3A_40, %sub3A_41 : vector<16xf32>
      %abs3A = math.absf %sub3A_42 : vector<16xf32>
      %get3A_43 = arith.constant 0 : index
      %get3A_44 = tpu.vector_load %arg5[%get3A_43] {strides = array<i32>} : memref<16xf32, #tpu.memory_space<vmem>>, vector<16xf32>,
      %get3A_45 = vector.shape_cast %get3A_44 : vector<16xf32> to vector<16xf32>
      %ge3A = arith.constant 8 : i32
      %ge3A_46 = vector.broadcast %ge3A : i32 to vector<16xi32>
      %ge3A_47 = arith.cmpi sge, %iota3A, %ge3A_46 : vector<16xi32>
      %jit3A = arith.constant 0.000000e+00 : f32
      %broadcast_in_dim3A_48 = vector.broadcast %jit3A : f32 to vector<16xf32>
      %select_n3A = arith.select %ge3A_47, %abs3A, %broadcast_in_dim3A_48 : vector<16xi1>, vector<16xf32>
      %add3A_49 = arith.addf %get3A_45, %select_n3A : vector<16xf32>
      %swap3A_50 = arith.constant 0 : index
      %swap3A_51 = tpu.vector_load %arg5[%swap3A_50] {strides = array<i32>} : memref<16xf32, #tpu.memory_space<vmem>>, vector<16xf32>,
      %swap3A_52 = vector.shape_cast %swap3A_51 : vector<16xf32> to vector<16xf32>
      %swap3A_53 = vector.shape_cast %add3A_49 : vector<16xf32> to vector<16xf32>
      tpu.vector_store %arg5[%swap3A_50], %swap3A_53 {strides = array<i32>} : memref<16xf32, #tpu.memory_space<vmem>>, vector<16xf32>,
      %scan3A_54 = arith.constant 0 : i32
      %scan3A_55 = arith.constant 0 : i32
      %scan3A_56 = arith.constant 62 : i32
      %scan3A_57 = arith.addi %scan3A_55, %scan3A_56 : i32
      %scan3A_58 = arith.constant 1 : i32
      scf.for %scan3A_257 = %scan3A_55 to %scan3A_57 step %scan3A_58  : i32 {
        %get3A_258 = arith.constant 0 : index
        %get3A_259 = tpu.vector_load %arg5[%get3A_258] {strides = array<i32>} : memref<16xf32, #tpu.memory_space<vmem>>, vector<16xf32>,
        %get3A_260 = vector.shape_cast %get3A_259 : vector<16xf32> to vector<16xf32>
        %mul3A_261 = arith.constant 16 : i32
        %mul3A_262 = arith.muli %scan3A_257, %mul3A_261 : i32
        %get3A_263 = arith.constant 1 : i32
        %get3A_264 = arith.index_cast %get3A_263 : i32 to index
        %get3A_265 = arith.index_cast %mul3A_262 : i32 to index
        %get3A_266 = tpu.vector_load %arg4[%get3A_264, %get3A_265] {strides = array<i32>} : memref<8x1000xf32, #tpu.memory_space<vmem>>, vector<1x16xf32>,
        %get3A_267 = vector.shape_cast %get3A_266 : vector<1x16xf32> to vector<16xf32>
        %sub3A_268 = arith.constant 1.000000e+00 : f32
        %sub3A_269 = vector.broadcast %sub3A_268 : f32 to vector<16xf32>
        %sub3A_270 = arith.subf %get3A_267, %sub3A_269 : vector<16xf32>
        %abs3A_271 = math.absf %sub3A_270 : vector<16xf32>
        %add3A_272 = arith.addf %get3A_260, %abs3A_271 : vector<16xf32>
        %swap3A_273 = arith.constant 0 : index
        %swap3A_274 = tpu.vector_load %arg5[%swap3A_273] {strides = array<i32>} : memref<16xf32, #tpu.memory_space<vmem>>, vector<16xf32>,
        %swap3A_275 = vector.shape_cast %swap3A_274 : vector<16xf32> to vector<16xf32>
        %swap3A_276 = vector.shape_cast %add3A_272 : vector<16xf32> to vector<16xf32>
        tpu.vector_store %arg5[%swap3A_273], %swap3A_276 {strides = array<i32>} : memref<16xf32, #tpu.memory_space<vmem>>, vector<16xf32>,
      }
      %scan3A_59 = arith.constant 62 : i32
      %get3A_60 = arith.constant 1 : i32
      %get3A_61 = arith.index_cast %get3A_60 : i32 to index
      %get3A_62 = arith.constant 984 : index
      %get3A_63 = tpu.vector_load %arg4[%get3A_61, %get3A_62] {strides = array<i32>} : memref<8x1000xf32, #tpu.memory_space<vmem>>, vector<1x16xf32>,
      %get3A_64 = vector.shape_cast %get3A_63 : vector<1x16xf32> to vector<16xf32>
      %sub3A_65 = arith.constant 1.000000e+00 : f32
      %sub3A_66 = vector.broadcast %sub3A_65 : f32 to vector<16xf32>
      %sub3A_67 = arith.subf %get3A_64, %sub3A_66 : vector<16xf32>
      %abs3A_68 = math.absf %sub3A_67 : vector<16xf32>
      %get3A_69 = arith.constant 0 : index
      %get3A_70 = tpu.vector_load %arg5[%get3A_69] {strides = array<i32>} : memref<16xf32, #tpu.memory_space<vmem>>, vector<16xf32>,
      %get3A_71 = vector.shape_cast %get3A_70 : vector<16xf32> to vector<16xf32>
      %ge3A_72 = arith.constant 8 : i32
      %ge3A_73 = vector.broadcast %ge3A_72 : i32 to vector<16xi32>
      %ge3A_74 = arith.cmpi sge, %iota3A, %ge3A_73 : vector<16xi32>
      %jit3A_75 = arith.constant 0.000000e+00 : f32
      %broadcast_in_dim3A_76 = vector.broadcast %jit3A_75 : f32 to vector<16xf32>
      %select_n3A_77 = arith.select %ge3A_74, %abs3A_68, %broadcast_in_dim3A_76 : vector<16xi1>, vector<16xf32>
      %add3A_78 = arith.addf %get3A_71, %select_n3A_77 : vector<16xf32>
      %swap3A_79 = arith.constant 0 : index
      %swap3A_80 = tpu.vector_load %arg5[%swap3A_79] {strides = array<i32>} : memref<16xf32, #tpu.memory_space<vmem>>, vector<16xf32>,
      %swap3A_81 = vector.shape_cast %swap3A_80 : vector<16xf32> to vector<16xf32>
      %swap3A_82 = vector.shape_cast %add3A_78 : vector<16xf32> to vector<16xf32>
      tpu.vector_store %arg5[%swap3A_79], %swap3A_82 {strides = array<i32>} : memref<16xf32, #tpu.memory_space<vmem>>, vector<16xf32>,
      %scan3A_83 = arith.constant 0 : i32
      %scan3A_84 = arith.constant 0 : i32
      %scan3A_85 = arith.constant 62 : i32
      %scan3A_86 = arith.addi %scan3A_84, %scan3A_85 : i32
      %scan3A_87 = arith.constant 1 : i32
      scf.for %scan3A_257 = %scan3A_84 to %scan3A_86 step %scan3A_87  : i32 {
        %get3A_258 = arith.constant 0 : index
        %get3A_259 = tpu.vector_load %arg5[%get3A_258] {strides = array<i32>} : memref<16xf32, #tpu.memory_space<vmem>>, vector<16xf32>,
        %get3A_260 = vector.shape_cast %get3A_259 : vector<16xf32> to vector<16xf32>
        %mul3A_261 = arith.constant 16 : i32
        %mul3A_262 = arith.muli %scan3A_257, %mul3A_261 : i32
        %get3A_263 = arith.constant 2 : i32
        %get3A_264 = arith.index_cast %get3A_263 : i32 to index
        %get3A_265 = arith.index_cast %mul3A_262 : i32 to index
        %get3A_266 = tpu.vector_load %arg4[%get3A_264, %get3A_265] {strides = array<i32>} : memref<8x1000xf32, #tpu.memory_space<vmem>>, vector<1x16xf32>,
        %get3A_267 = vector.shape_cast %get3A_266 : vector<1x16xf32> to vector<16xf32>
        %sub3A_268 = arith.constant 1.000000e+00 : f32
        %sub3A_269 = vector.broadcast %sub3A_268 : f32 to vector<16xf32>
        %sub3A_270 = arith.subf %get3A_267, %sub3A_269 : vector<16xf32>
        %abs3A_271 = math.absf %sub3A_270 : vector<16xf32>
        %add3A_272 = arith.addf %get3A_260, %abs3A_271 : vector<16xf32>
        %swap3A_273 = arith.constant 0 : index
        %swap3A_274 = tpu.vector_load %arg5[%swap3A_273] {strides = array<i32>} : memref<16xf32, #tpu.memory_space<vmem>>, vector<16xf32>,
        %swap3A_275 = vector.shape_cast %swap3A_274 : vector<16xf32> to vector<16xf32>
        %swap3A_276 = vector.shape_cast %add3A_272 : vector<16xf32> to vector<16xf32>
        tpu.vector_store %arg5[%swap3A_273], %swap3A_276 {strides = array<i32>} : memref<16xf32, #tpu.memory_space<vmem>>, vector<16xf32>,
      }
      %scan3A_88 = arith.constant 62 : i32
      %get3A_89 = arith.constant 2 : i32
      %get3A_90 = arith.index_cast %get3A_89 : i32 to index
      %get3A_91 = arith.constant 984 : index
      %get3A_92 = tpu.vector_load %arg4[%get3A_90, %get3A_91] {strides = array<i32>} : memref<8x1000xf32, #tpu.memory_space<vmem>>, vector<1x16xf32>,
      %get3A_93 = vector.shape_cast %get3A_92 : vector<1x16xf32> to vector<16xf32>
      %sub3A_94 = arith.constant 1.000000e+00 : f32
      %sub3A_95 = vector.broadcast %sub3A_94 : f32 to vector<16xf32>
      %sub3A_96 = arith.subf %get3A_93, %sub3A_95 : vector<16xf32>
      %abs3A_97 = math.absf %sub3A_96 : vector<16xf32>
      %get3A_98 = arith.constant 0 : index
      %get3A_99 = tpu.vector_load %arg5[%get3A_98] {strides = array<i32>} : memref<16xf32, #tpu.memory_space<vmem>>, vector<16xf32>,
      %get3A_100 = vector.shape_cast %get3A_99 : vector<16xf32> to vector<16xf32>
      %ge3A_101 = arith.constant 8 : i32
      %ge3A_102 = vector.broadcast %ge3A_101 : i32 to vector<16xi32>
      %ge3A_103 = arith.cmpi sge, %iota3A, %ge3A_102 : vector<16xi32>
      %jit3A_104 = arith.constant 0.000000e+00 : f32
      %broadcast_in_dim3A_105 = vector.broadcast %jit3A_104 : f32 to vector<16xf32>
      %select_n3A_106 = arith.select %ge3A_103, %abs3A_97, %broadcast_in_dim3A_105 : vector<16xi1>, vector<16xf32>
      %add3A_107 = arith.addf %get3A_100, %select_n3A_106 : vector<16xf32>
      %swap3A_108 = arith.constant 0 : index
      %swap3A_109 = tpu.vector_load %arg5[%swap3A_108] {strides = array<i32>} : memref<16xf32, #tpu.memory_space<vmem>>, vector<16xf32>,
      %swap3A_110 = vector.shape_cast %swap3A_109 : vector<16xf32> to vector<16xf32>
      %swap3A_111 = vector.shape_cast %add3A_107 : vector<16xf32> to vector<16xf32>
      tpu.vector_store %arg5[%swap3A_108], %swap3A_111 {strides = array<i32>} : memref<16xf32, #tpu.memory_space<vmem>>, vector<16xf32>,
      %scan3A_112 = arith.constant 0 : i32
      %scan3A_113 = arith.constant 0 : i32
      %scan3A_114 = arith.constant 62 : i32
      %scan3A_115 = arith.addi %scan3A_113, %scan3A_114 : i32
      %scan3A_116 = arith.constant 1 : i32
      scf.for %scan3A_257 = %scan3A_113 to %scan3A_115 step %scan3A_116  : i32 {
        %get3A_258 = arith.constant 0 : index
        %get3A_259 = tpu.vector_load %arg5[%get3A_258] {strides = array<i32>} : memref<16xf32, #tpu.memory_space<vmem>>, vector<16xf32>,
        %get3A_260 = vector.shape_cast %get3A_259 : vector<16xf32> to vector<16xf32>
        %mul3A_261 = arith.constant 16 : i32
        %mul3A_262 = arith.muli %scan3A_257, %mul3A_261 : i32
        %get3A_263 = arith.constant 3 : i32
        %get3A_264 = arith.index_cast %get3A_263 : i32 to index
        %get3A_265 = arith.index_cast %mul3A_262 : i32 to index
        %get3A_266 = tpu.vector_load %arg4[%get3A_264, %get3A_265] {strides = array<i32>} : memref<8x1000xf32, #tpu.memory_space<vmem>>, vector<1x16xf32>,
        %get3A_267 = vector.shape_cast %get3A_266 : vector<1x16xf32> to vector<16xf32>
        %sub3A_268 = arith.constant 1.000000e+00 : f32
        %sub3A_269 = vector.broadcast %sub3A_268 : f32 to vector<16xf32>
        %sub3A_270 = arith.subf %get3A_267, %sub3A_269 : vector<16xf32>
        %abs3A_271 = math.absf %sub3A_270 : vector<16xf32>
        %add3A_272 = arith.addf %get3A_260, %abs3A_271 : vector<16xf32>
        %swap3A_273 = arith.constant 0 : index
        %swap3A_274 = tpu.vector_load %arg5[%swap3A_273] {strides = array<i32>} : memref<16xf32, #tpu.memory_space<vmem>>, vector<16xf32>,
        %swap3A_275 = vector.shape_cast %swap3A_274 : vector<16xf32> to vector<16xf32>
        %swap3A_276 = vector.shape_cast %add3A_272 : vector<16xf32> to vector<16xf32>
        tpu.vector_store %arg5[%swap3A_273], %swap3A_276 {strides = array<i32>} : memref<16xf32, #tpu.memory_space<vmem>>, vector<16xf32>,
      }
      %scan3A_117 = arith.constant 62 : i32
      %get3A_118 = arith.constant 3 : i32
      %get3A_119 = arith.index_cast %get3A_118 : i32 to index
      %get3A_120 = arith.constant 984 : index
      %get3A_121 = tpu.vector_load %arg4[%get3A_119, %get3A_120] {strides = array<i32>} : memref<8x1000xf32, #tpu.memory_space<vmem>>, vector<1x16xf32>,
      %get3A_122 = vector.shape_cast %get3A_121 : vector<1x16xf32> to vector<16xf32>
      %sub3A_123 = arith.constant 1.000000e+00 : f32
      %sub3A_124 = vector.broadcast %sub3A_123 : f32 to vector<16xf32>
      %sub3A_125 = arith.subf %get3A_122, %sub3A_124 : vector<16xf32>
      %abs3A_126 = math.absf %sub3A_125 : vector<16xf32>
      %get3A_127 = arith.constant 0 : index
      %get3A_128 = tpu.vector_load %arg5[%get3A_127] {strides = array<i32>} : memref<16xf32, #tpu.memory_space<vmem>>, vector<16xf32>,
      %get3A_129 = vector.shape_cast %get3A_128 : vector<16xf32> to vector<16xf32>
      %ge3A_130 = arith.constant 8 : i32
      %ge3A_131 = vector.broadcast %ge3A_130 : i32 to vector<16xi32>
      %ge3A_132 = arith.cmpi sge, %iota3A, %ge3A_131 : vector<16xi32>
      %jit3A_133 = arith.constant 0.000000e+00 : f32
      %broadcast_in_dim3A_134 = vector.broadcast %jit3A_133 : f32 to vector<16xf32>
      %select_n3A_135 = arith.select %ge3A_132, %abs3A_126, %broadcast_in_dim3A_134 : vector<16xi1>, vector<16xf32>
      %add3A_136 = arith.addf %get3A_129, %select_n3A_135 : vector<16xf32>
      %swap3A_137 = arith.constant 0 : index
      %swap3A_138 = tpu.vector_load %arg5[%swap3A_137] {strides = array<i32>} : memref<16xf32, #tpu.memory_space<vmem>>, vector<16xf32>,
      %swap3A_139 = vector.shape_cast %swap3A_138 : vector<16xf32> to vector<16xf32>
      %swap3A_140 = vector.shape_cast %add3A_136 : vector<16xf32> to vector<16xf32>
      tpu.vector_store %arg5[%swap3A_137], %swap3A_140 {strides = array<i32>} : memref<16xf32, #tpu.memory_space<vmem>>, vector<16xf32>,
      %scan3A_141 = arith.constant 0 : i32
      %scan3A_142 = arith.constant 0 : i32
      %scan3A_143 = arith.constant 62 : i32
      %scan3A_144 = arith.addi %scan3A_142, %scan3A_143 : i32
      %scan3A_145 = arith.constant 1 : i32
      scf.for %scan3A_257 = %scan3A_142 to %scan3A_144 step %scan3A_145  : i32 {
        %get3A_258 = arith.constant 0 : index
        %get3A_259 = tpu.vector_load %arg5[%get3A_258] {strides = array<i32>} : memref<16xf32, #tpu.memory_space<vmem>>, vector<16xf32>,
        %get3A_260 = vector.shape_cast %get3A_259 : vector<16xf32> to vector<16xf32>
        %mul3A_261 = arith.constant 16 : i32
        %mul3A_262 = arith.muli %scan3A_257, %mul3A_261 : i32
        %get3A_263 = arith.constant 4 : i32
        %get3A_264 = arith.index_cast %get3A_263 : i32 to index
        %get3A_265 = arith.index_cast %mul3A_262 : i32 to index
        %get3A_266 = tpu.vector_load %arg4[%get3A_264, %get3A_265] {strides = array<i32>} : memref<8x1000xf32, #tpu.memory_space<vmem>>, vector<1x16xf32>,
        %get3A_267 = vector.shape_cast %get3A_266 : vector<1x16xf32> to vector<16xf32>
        %sub3A_268 = arith.constant 1.000000e+00 : f32
        %sub3A_269 = vector.broadcast %sub3A_268 : f32 to vector<16xf32>
        %sub3A_270 = arith.subf %get3A_267, %sub3A_269 : vector<16xf32>
        %abs3A_271 = math.absf %sub3A_270 : vector<16xf32>
        %add3A_272 = arith.addf %get3A_260, %abs3A_271 : vector<16xf32>
        %swap3A_273 = arith.constant 0 : index
        %swap3A_274 = tpu.vector_load %arg5[%swap3A_273] {strides = array<i32>} : memref<16xf32, #tpu.memory_space<vmem>>, vector<16xf32>,
        %swap3A_275 = vector.shape_cast %swap3A_274 : vector<16xf32> to vector<16xf32>
        %swap3A_276 = vector.shape_cast %add3A_272 : vector<16xf32> to vector<16xf32>
        tpu.vector_store %arg5[%swap3A_273], %swap3A_276 {strides = array<i32>} : memref<16xf32, #tpu.memory_space<vmem>>, vector<16xf32>,
      }
      %scan3A_146 = arith.constant 62 : i32
      %get3A_147 = arith.constant 4 : i32
      %get3A_148 = arith.index_cast %get3A_147 : i32 to index
      %get3A_149 = arith.constant 984 : index
      %get3A_150 = tpu.vector_load %arg4[%get3A_148, %get3A_149] {strides = array<i32>} : memref<8x1000xf32, #tpu.memory_space<vmem>>, vector<1x16xf32>,
      %get3A_151 = vector.shape_cast %get3A_150 : vector<1x16xf32> to vector<16xf32>
      %sub3A_152 = arith.constant 1.000000e+00 : f32
      %sub3A_153 = vector.broadcast %sub3A_152 : f32 to vector<16xf32>
      %sub3A_154 = arith.subf %get3A_151, %sub3A_153 : vector<16xf32>
      %abs3A_155 = math.absf %sub3A_154 : vector<16xf32>
      %get3A_156 = arith.constant 0 : index
      %get3A_157 = tpu.vector_load %arg5[%get3A_156] {strides = array<i32>} : memref<16xf32, #tpu.memory_space<vmem>>, vector<16xf32>,
      %get3A_158 = vector.shape_cast %get3A_157 : vector<16xf32> to vector<16xf32>
      %ge3A_159 = arith.constant 8 : i32
      %ge3A_160 = vector.broadcast %ge3A_159 : i32 to vector<16xi32>
      %ge3A_161 = arith.cmpi sge, %iota3A, %ge3A_160 : vector<16xi32>
      %jit3A_162 = arith.constant 0.000000e+00 : f32
      %broadcast_in_dim3A_163 = vector.broadcast %jit3A_162 : f32 to vector<16xf32>
      %select_n3A_164 = arith.select %ge3A_161, %abs3A_155, %broadcast_in_dim3A_163 : vector<16xi1>, vector<16xf32>
      %add3A_165 = arith.addf %get3A_158, %select_n3A_164 : vector<16xf32>
      %swap3A_166 = arith.constant 0 : index
      %swap3A_167 = tpu.vector_load %arg5[%swap3A_166] {strides = array<i32>} : memref<16xf32, #tpu.memory_space<vmem>>, vector<16xf32>,
      %swap3A_168 = vector.shape_cast %swap3A_167 : vector<16xf32> to vector<16xf32>
      %swap3A_169 = vector.shape_cast %add3A_165 : vector<16xf32> to vector<16xf32>
      tpu.vector_store %arg5[%swap3A_166], %swap3A_169 {strides = array<i32>} : memref<16xf32, #tpu.memory_space<vmem>>, vector<16xf32>,
      %scan3A_170 = arith.constant 0 : i32
      %scan3A_171 = arith.constant 0 : i32
      %scan3A_172 = arith.constant 62 : i32
      %scan3A_173 = arith.addi %scan3A_171, %scan3A_172 : i32
      %scan3A_174 = arith.constant 1 : i32
      scf.for %scan3A_257 = %scan3A_171 to %scan3A_173 step %scan3A_174  : i32 {
        %get3A_258 = arith.constant 0 : index
        %get3A_259 = tpu.vector_load %arg5[%get3A_258] {strides = array<i32>} : memref<16xf32, #tpu.memory_space<vmem>>, vector<16xf32>,
        %get3A_260 = vector.shape_cast %get3A_259 : vector<16xf32> to vector<16xf32>
        %mul3A_261 = arith.constant 16 : i32
        %mul3A_262 = arith.muli %scan3A_257, %mul3A_261 : i32
        %get3A_263 = arith.constant 5 : i32
        %get3A_264 = arith.index_cast %get3A_263 : i32 to index
        %get3A_265 = arith.index_cast %mul3A_262 : i32 to index
        %get3A_266 = tpu.vector_load %arg4[%get3A_264, %get3A_265] {strides = array<i32>} : memref<8x1000xf32, #tpu.memory_space<vmem>>, vector<1x16xf32>,
        %get3A_267 = vector.shape_cast %get3A_266 : vector<1x16xf32> to vector<16xf32>
        %sub3A_268 = arith.constant 1.000000e+00 : f32
        %sub3A_269 = vector.broadcast %sub3A_268 : f32 to vector<16xf32>
        %sub3A_270 = arith.subf %get3A_267, %sub3A_269 : vector<16xf32>
        %abs3A_271 = math.absf %sub3A_270 : vector<16xf32>
        %add3A_272 = arith.addf %get3A_260, %abs3A_271 : vector<16xf32>
        %swap3A_273 = arith.constant 0 : index
        %swap3A_274 = tpu.vector_load %arg5[%swap3A_273] {strides = array<i32>} : memref<16xf32, #tpu.memory_space<vmem>>, vector<16xf32>,
        %swap3A_275 = vector.shape_cast %swap3A_274 : vector<16xf32> to vector<16xf32>
        %swap3A_276 = vector.shape_cast %add3A_272 : vector<16xf32> to vector<16xf32>
        tpu.vector_store %arg5[%swap3A_273], %swap3A_276 {strides = array<i32>} : memref<16xf32, #tpu.memory_space<vmem>>, vector<16xf32>,
      }
      %scan3A_175 = arith.constant 62 : i32
      %get3A_176 = arith.constant 5 : i32
      %get3A_177 = arith.index_cast %get3A_176 : i32 to index
      %get3A_178 = arith.constant 984 : index
      %get3A_179 = tpu.vector_load %arg4[%get3A_177, %get3A_178] {strides = array<i32>} : memref<8x1000xf32, #tpu.memory_space<vmem>>, vector<1x16xf32>,
      %get3A_180 = vector.shape_cast %get3A_179 : vector<1x16xf32> to vector<16xf32>
      %sub3A_181 = arith.constant 1.000000e+00 : f32
      %sub3A_182 = vector.broadcast %sub3A_181 : f32 to vector<16xf32>
      %sub3A_183 = arith.subf %get3A_180, %sub3A_182 : vector<16xf32>
      %abs3A_184 = math.absf %sub3A_183 : vector<16xf32>
      %get3A_185 = arith.constant 0 : index
      %get3A_186 = tpu.vector_load %arg5[%get3A_185] {strides = array<i32>} : memref<16xf32, #tpu.memory_space<vmem>>, vector<16xf32>,
      %get3A_187 = vector.shape_cast %get3A_186 : vector<16xf32> to vector<16xf32>
      %ge3A_188 = arith.constant 8 : i32
      %ge3A_189 = vector.broadcast %ge3A_188 : i32 to vector<16xi32>
      %ge3A_190 = arith.cmpi sge, %iota3A, %ge3A_189 : vector<16xi32>
      %jit3A_191 = arith.constant 0.000000e+00 : f32
      %broadcast_in_dim3A_192 = vector.broadcast %jit3A_191 : f32 to vector<16xf32>
      %select_n3A_193 = arith.select %ge3A_190, %abs3A_184, %broadcast_in_dim3A_192 : vector<16xi1>, vector<16xf32>
      %add3A_194 = arith.addf %get3A_187, %select_n3A_193 : vector<16xf32>
      %swap3A_195 = arith.constant 0 : index
      %swap3A_196 = tpu.vector_load %arg5[%swap3A_195] {strides = array<i32>} : memref<16xf32, #tpu.memory_space<vmem>>, vector<16xf32>,
      %swap3A_197 = vector.shape_cast %swap3A_196 : vector<16xf32> to vector<16xf32>
      %swap3A_198 = vector.shape_cast %add3A_194 : vector<16xf32> to vector<16xf32>
      tpu.vector_store %arg5[%swap3A_195], %swap3A_198 {strides = array<i32>} : memref<16xf32, #tpu.memory_space<vmem>>, vector<16xf32>,
      %scan3A_199 = arith.constant 0 : i32
      %scan3A_200 = arith.constant 0 : i32
      %scan3A_201 = arith.constant 62 : i32
      %scan3A_202 = arith.addi %scan3A_200, %scan3A_201 : i32
      %scan3A_203 = arith.constant 1 : i32
      scf.for %scan3A_257 = %scan3A_200 to %scan3A_202 step %scan3A_203  : i32 {
        %get3A_258 = arith.constant 0 : index
        %get3A_259 = tpu.vector_load %arg5[%get3A_258] {strides = array<i32>} : memref<16xf32, #tpu.memory_space<vmem>>, vector<16xf32>,
        %get3A_260 = vector.shape_cast %get3A_259 : vector<16xf32> to vector<16xf32>
        %mul3A_261 = arith.constant 16 : i32
        %mul3A_262 = arith.muli %scan3A_257, %mul3A_261 : i32
        %get3A_263 = arith.constant 6 : i32
        %get3A_264 = arith.index_cast %get3A_263 : i32 to index
        %get3A_265 = arith.index_cast %mul3A_262 : i32 to index
        %get3A_266 = tpu.vector_load %arg4[%get3A_264, %get3A_265] {strides = array<i32>} : memref<8x1000xf32, #tpu.memory_space<vmem>>, vector<1x16xf32>,
        %get3A_267 = vector.shape_cast %get3A_266 : vector<1x16xf32> to vector<16xf32>
        %sub3A_268 = arith.constant 1.000000e+00 : f32
        %sub3A_269 = vector.broadcast %sub3A_268 : f32 to vector<16xf32>
        %sub3A_270 = arith.subf %get3A_267, %sub3A_269 : vector<16xf32>
        %abs3A_271 = math.absf %sub3A_270 : vector<16xf32>
        %add3A_272 = arith.addf %get3A_260, %abs3A_271 : vector<16xf32>
        %swap3A_273 = arith.constant 0 : index
        %swap3A_274 = tpu.vector_load %arg5[%swap3A_273] {strides = array<i32>} : memref<16xf32, #tpu.memory_space<vmem>>, vector<16xf32>,
        %swap3A_275 = vector.shape_cast %swap3A_274 : vector<16xf32> to vector<16xf32>
        %swap3A_276 = vector.shape_cast %add3A_272 : vector<16xf32> to vector<16xf32>
        tpu.vector_store %arg5[%swap3A_273], %swap3A_276 {strides = array<i32>} : memref<16xf32, #tpu.memory_space<vmem>>, vector<16xf32>,
      }
      %scan3A_204 = arith.constant 62 : i32
      %get3A_205 = arith.constant 6 : i32
      %get3A_206 = arith.index_cast %get3A_205 : i32 to index
      %get3A_207 = arith.constant 984 : index
      %get3A_208 = tpu.vector_load %arg4[%get3A_206, %get3A_207] {strides = array<i32>} : memref<8x1000xf32, #tpu.memory_space<vmem>>, vector<1x16xf32>,
      %get3A_209 = vector.shape_cast %get3A_208 : vector<1x16xf32> to vector<16xf32>
      %sub3A_210 = arith.constant 1.000000e+00 : f32
      %sub3A_211 = vector.broadcast %sub3A_210 : f32 to vector<16xf32>
      %sub3A_212 = arith.subf %get3A_209, %sub3A_211 : vector<16xf32>
      %abs3A_213 = math.absf %sub3A_212 : vector<16xf32>
      %get3A_214 = arith.constant 0 : index
      %get3A_215 = tpu.vector_load %arg5[%get3A_214] {strides = array<i32>} : memref<16xf32, #tpu.memory_space<vmem>>, vector<16xf32>,
      %get3A_216 = vector.shape_cast %get3A_215 : vector<16xf32> to vector<16xf32>
      %ge3A_217 = arith.constant 8 : i32
      %ge3A_218 = vector.broadcast %ge3A_217 : i32 to vector<16xi32>
      %ge3A_219 = arith.cmpi sge, %iota3A, %ge3A_218 : vector<16xi32>
      %jit3A_220 = arith.constant 0.000000e+00 : f32
      %broadcast_in_dim3A_221 = vector.broadcast %jit3A_220 : f32 to vector<16xf32>
      %select_n3A_222 = arith.select %ge3A_219, %abs3A_213, %broadcast_in_dim3A_221 : vector<16xi1>, vector<16xf32>
      %add3A_223 = arith.addf %get3A_216, %select_n3A_222 : vector<16xf32>
      %swap3A_224 = arith.constant 0 : index
      %swap3A_225 = tpu.vector_load %arg5[%swap3A_224] {strides = array<i32>} : memref<16xf32, #tpu.memory_space<vmem>>, vector<16xf32>,
      %swap3A_226 = vector.shape_cast %swap3A_225 : vector<16xf32> to vector<16xf32>
      %swap3A_227 = vector.shape_cast %add3A_223 : vector<16xf32> to vector<16xf32>
      tpu.vector_store %arg5[%swap3A_224], %swap3A_227 {strides = array<i32>} : memref<16xf32, #tpu.memory_space<vmem>>, vector<16xf32>,
      %scan3A_228 = arith.constant 0 : i32
      %scan3A_229 = arith.constant 0 : i32
      %scan3A_230 = arith.constant 62 : i32
      %scan3A_231 = arith.addi %scan3A_229, %scan3A_230 : i32
      %scan3A_232 = arith.constant 1 : i32
      scf.for %scan3A_257 = %scan3A_229 to %scan3A_231 step %scan3A_232  : i32 {
        %get3A_258 = arith.constant 0 : index
        %get3A_259 = tpu.vector_load %arg5[%get3A_258] {strides = array<i32>} : memref<16xf32, #tpu.memory_space<vmem>>, vector<16xf32>,
        %get3A_260 = vector.shape_cast %get3A_259 : vector<16xf32> to vector<16xf32>
        %mul3A_261 = arith.constant 16 : i32
        %mul3A_262 = arith.muli %scan3A_257, %mul3A_261 : i32
        %get3A_263 = arith.constant 7 : i32
        %get3A_264 = arith.index_cast %get3A_263 : i32 to index
        %get3A_265 = arith.index_cast %mul3A_262 : i32 to index
        %get3A_266 = tpu.vector_load %arg4[%get3A_264, %get3A_265] {strides = array<i32>} : memref<8x1000xf32, #tpu.memory_space<vmem>>, vector<1x16xf32>,
        %get3A_267 = vector.shape_cast %get3A_266 : vector<1x16xf32> to vector<16xf32>
        %sub3A_268 = arith.constant 1.000000e+00 : f32
        %sub3A_269 = vector.broadcast %sub3A_268 : f32 to vector<16xf32>
        %sub3A_270 = arith.subf %get3A_267, %sub3A_269 : vector<16xf32>
        %abs3A_271 = math.absf %sub3A_270 : vector<16xf32>
        %add3A_272 = arith.addf %get3A_260, %abs3A_271 : vector<16xf32>
        %swap3A_273 = arith.constant 0 : index
        %swap3A_274 = tpu.vector_load %arg5[%swap3A_273] {strides = array<i32>} : memref<16xf32, #tpu.memory_space<vmem>>, vector<16xf32>,
        %swap3A_275 = vector.shape_cast %swap3A_274 : vector<16xf32> to vector<16xf32>
        %swap3A_276 = vector.shape_cast %add3A_272 : vector<16xf32> to vector<16xf32>
        tpu.vector_store %arg5[%swap3A_273], %swap3A_276 {strides = array<i32>} : memref<16xf32, #tpu.memory_space<vmem>>, vector<16xf32>,
      }
      %scan3A_233 = arith.constant 62 : i32
      %get3A_234 = arith.constant 7 : i32
      %get3A_235 = arith.index_cast %get3A_234 : i32 to index
      %get3A_236 = arith.constant 984 : index
      %get3A_237 = tpu.vector_load %arg4[%get3A_235, %get3A_236] {strides = array<i32>} : memref<8x1000xf32, #tpu.memory_space<vmem>>, vector<1x16xf32>,
      %get3A_238 = vector.shape_cast %get3A_237 : vector<1x16xf32> to vector<16xf32>
      %sub3A_239 = arith.constant 1.000000e+00 : f32
      %sub3A_240 = vector.broadcast %sub3A_239 : f32 to vector<16xf32>
      %sub3A_241 = arith.subf %get3A_238, %sub3A_240 : vector<16xf32>
      %abs3A_242 = math.absf %sub3A_241 : vector<16xf32>
      %get3A_243 = arith.constant 0 : index
      %get3A_244 = tpu.vector_load %arg5[%get3A_243] {strides = array<i32>} : memref<16xf32, #tpu.memory_space<vmem>>, vector<16xf32>,
      %get3A_245 = vector.shape_cast %get3A_244 : vector<16xf32> to vector<16xf32>
      %ge3A_246 = arith.constant 8 : i32
      %ge3A_247 = vector.broadcast %ge3A_246 : i32 to vector<16xi32>
      %ge3A_248 = arith.cmpi sge, %iota3A, %ge3A_247 : vector<16xi32>
      %jit3A_249 = arith.constant 0.000000e+00 : f32
      %broadcast_in_dim3A_250 = vector.broadcast %jit3A_249 : f32 to vector<16xf32>
      %select_n3A_251 = arith.select %ge3A_248, %abs3A_242, %broadcast_in_dim3A_250 : vector<16xi1>, vector<16xf32>
      %add3A_252 = arith.addf %get3A_245, %select_n3A_251 : vector<16xf32>
      %swap3A_253 = arith.constant 0 : index
      %swap3A_254 = tpu.vector_load %arg5[%swap3A_253] {strides = array<i32>} : memref<16xf32, #tpu.memory_space<vmem>>, vector<16xf32>,
      %swap3A_255 = vector.shape_cast %swap3A_254 : vector<16xf32> to vector<16xf32>
      %swap3A_256 = vector.shape_cast %add3A_252 : vector<16xf32> to vector<16xf32>
      tpu.vector_store %arg5[%swap3A_253], %swap3A_256 {strides = array<i32>} : memref<16xf32, #tpu.memory_space<vmem>>, vector<16xf32>,
    } else {
    }
    "tpu.region"() ({
      %run_scoped3A = tpu.sem_alloc : memref<!tpu.dma_semaphore, #tpu.memory_space<semaphore_mem>>
      %dma_start3A = arith.constant 0 : i32
      %dma_start3A_30 = tpu.memref_slice %arg3[%add3A, %dma_start3A] : memref<32x16xf32, #tpu.memory_space<hbm>> -> memref<1x16xf32, #tpu.memory_space<hbm>>
      %dma_start3A_31 = tpu.memref_squeeze %dma_start3A_30 : memref<1x16xf32, #tpu.memory_space<hbm>> -> memref<16xf32, #tpu.memory_space<hbm>>
      %dma_start3A_32 = arith.constant 0 : i32
      %dma_start3A_33 = tpu.memref_slice %arg3[%add3A, %dma_start3A_32] : memref<32x16xf32, #tpu.memory_space<hbm>> -> memref<1x16xf32, #tpu.memory_space<hbm>>
      %dma_start3A_34 = tpu.memref_squeeze %dma_start3A_33 : memref<1x16xf32, #tpu.memory_space<hbm>> -> memref<16xf32, #tpu.memory_space<hbm>>
      tpu.enqueue_dma source(%arg5 : memref<16xf32, #tpu.memory_space<vmem>>) target(%dma_start3A_34 : memref<16xf32, #tpu.memory_space<hbm>>) target_semaphore(%run_scoped3A : memref<!tpu.dma_semaphore, #tpu.memory_space<semaphore_mem>>)
      %dma_wait3A = arith.constant 0 : i32
      %dma_wait3A_35 = tpu.memref_slice %arg3[%add3A, %dma_wait3A] : memref<32x16xf32, #tpu.memory_space<hbm>> -> memref<1x16xf32, #tpu.memory_space<hbm>>
      %dma_wait3A_36 = tpu.memref_squeeze %dma_wait3A_35 : memref<1x16xf32, #tpu.memory_space<hbm>> -> memref<16xf32, #tpu.memory_space<hbm>>
      %dma_wait3A_37 = arith.constant 0 : i32
      %dma_wait3A_38 = tpu.memref_slice %arg3[%add3A, %dma_wait3A_37] : memref<32x16xf32, #tpu.memory_space<hbm>> -> memref<1x16xf32, #tpu.memory_space<hbm>>
      %dma_wait3A_39 = tpu.memref_squeeze %dma_wait3A_38 : memref<1x16xf32, #tpu.memory_space<hbm>> -> memref<16xf32, #tpu.memory_space<hbm>>
      tpu.wait_dma2 semaphore(%run_scoped3A : memref<!tpu.dma_semaphore, #tpu.memory_space<semaphore_mem>>) src(%arg5 : memref<16xf32, #tpu.memory_space<vmem>>) dst(%dma_wait3A_39 : memref<16xf32, #tpu.memory_space<hbm>>)
      tpu.yield
    }) : () -> ()
    return
  }
}

module attributes {stable_mosaic.version = 14 : i64} {
  func.func @_fused_body(%arg0: i32, %arg1: memref<1000x1024xf32, #tpu.memory_space<vmem>>, %arg2: memref<1x1x1024xi32, #tpu.memory_space<vmem>>, %arg3: memref<1000x1xf32, #tpu.memory_space<vmem>>, %arg4: memref<1000x1000xf32, #tpu.memory_space<vmem>>, %arg5: memref<1000x1024xf32, #tpu.memory_space<vmem>>, %arg6: memref<1x1xf32, #tpu.memory_space<smem>>, %arg7: memref<1000x1000xbf16, #tpu.memory_space<vmem>>) attributes {dimension_semantics = [#tpu.dimension_semantics<arbitrary>], iteration_bounds = array<i64: 4>, scalar_prefetch = 0 : i64, scratch_operands = 1 : i64, tpu.core_type = #tpu.core_type<tc>, window_params = [{transform_indices = @transform_0, window_bounds = array<i64: 1000, 1024>}, {transform_indices = @transform_1, window_bounds = array<i64: 1, 1, 1024>}, {pipeline_mode = #tpu.pipeline_mode<synchronous>, transform_indices = @transform_2, window_bounds = array<i64: 1000, 1>}, {pipeline_mode = #tpu.pipeline_mode<synchronous>, transform_indices = @transform_3, window_bounds = array<i64: 1000, 1000>}, {transform_indices = @transform_4, window_bounds = array<i64: 1000, 1024>}, {transform_indices = @transform_5, window_bounds = array<i64: 1, 1>}]} {
    %eq3A = arith.constant 0 : i32
    %eq3A_0 = arith.cmpi eq, %arg0, %eq3A : i32
    %convert_element_type3A = arith.extui %eq3A_0 : i1 to i32
    %cond3A = arith.constant 0 : i32
    %cond3A_1 = arith.cmpi ne, %convert_element_type3A, %cond3A : i32
    scf.if %cond3A_1 {
      %get3A_51 = arith.constant 0 : index
      %get3A_52 = arith.constant 0 : index
      %get3A_53 = vector.load %arg4[%get3A_51, %get3A_52] : memref<1000x1000xf32, #tpu.memory_space<vmem>>, vector<1000x1000xf32>
      %convert_element_type3A_54 = arith.truncf %get3A_53 : vector<1000x1000xf32> to vector<1000x1000xbf16>
      %swap3A_55 = arith.constant 0 : index
      %swap3A_56 = arith.constant 0 : index
      %swap3A_57 = vector.load %arg7[%swap3A_55, %swap3A_56] : memref<1000x1000xbf16, #tpu.memory_space<vmem>>, vector<1000x1000xbf16>
      tpu.vector_store %arg7[%swap3A_55, %swap3A_56], %convert_element_type3A_54 {strides = array<i32>} : memref<1000x1000xbf16, #tpu.memory_space<vmem>>, vector<1000x1000xbf16>,
      %swap3A_58 = arith.constant 0.000000e+00 : f32
      %swap3A_59 = arith.constant 0 : index
      %swap3A_60 = arith.constant 0 : index
      %swap3A_61 = memref.load %arg6[%swap3A_59, %swap3A_60] : memref<1x1xf32, #tpu.memory_space<smem>>
      memref.store %swap3A_58, %arg6[%swap3A_59, %swap3A_60] : memref<1x1xf32, #tpu.memory_space<smem>>
    } else {
    }
    %get3A = arith.constant 0 : index
    %get3A_2 = arith.constant 0 : index
    %get3A_3 = vector.load %arg1[%get3A, %get3A_2] : memref<1000x1024xf32, #tpu.memory_space<vmem>>, vector<1000x1024xf32>
    %argmax3A = tpu.reduce_index %get3A_3 {axis = 0 : i32, kind = #tpu.reduction_kind<arg_max>} : vector<1000x1024xf32> -> vector<1024xi32>
    %iota3A = tpu.iota {dimensions = array<i32: 0>} : vector<1000x1024xi32>
    %broadcast_in_dim3A = vector.shape_cast %argmax3A : vector<1024xi32> to vector<1x1024xi32>
    %eq3A_4 = vector.broadcast %broadcast_in_dim3A : vector<1x1024xi32> to vector<1000x1024xi32>
    %eq3A_5 = arith.cmpi eq, %iota3A, %eq3A_4 : vector<1000x1024xi32>
    %get3A_6 = arith.constant 0 : index
    %get3A_7 = arith.constant 0 : index
    %get3A_8 = vector.load %arg3[%get3A_6, %get3A_7] : memref<1000x1xf32, #tpu.memory_space<vmem>>, vector<1000x1xf32>
    %jit3A = arith.constant 0.000000e+00 : f32
    %broadcast_in_dim3A_9 = vector.shape_cast %get3A_8 : vector<1000x1xf32> to vector<1000x1xf32>
    %broadcast_in_dim3A_10 = vector.broadcast %broadcast_in_dim3A_9 : vector<1000x1xf32> to vector<1000x1024xf32>
    %broadcast_in_dim3A_11 = vector.broadcast %jit3A : f32 to vector<1000x1024xf32>
    %select_n3A = arith.select %eq3A_5, %broadcast_in_dim3A_10, %broadcast_in_dim3A_11 : vector<1000x1024xi1>, vector<1000x1024xf32>
    %convert_element_type3A_12 = arith.truncf %select_n3A : vector<1000x1024xf32> to vector<1000x1024xbf16>
    %get3A_13 = arith.constant 0 : index
    %get3A_14 = arith.constant 0 : index
    %get3A_15 = vector.load %arg7[%get3A_13, %get3A_14] : memref<1000x1000xbf16, #tpu.memory_space<vmem>>, vector<1000x1000xbf16>
    %dot_general3A = arith.constant dense<0.000000e+00> : vector<1000x1024xf32>
    %dot_general3A_16 = tpu.matmul %get3A_15, %convert_element_type3A_12, %dot_general3A {dimension_numbers = #tpu.dot_dimension_numbers<[0], [0], [1], [1], [0, 1, 1, 1], [], []>, transpose_lhs_hint = false} : vector<1000x1000xbf16>, vector<1000x1024xbf16>, vector<1000x1024xf32> -> vector<1000x1024xf32>
    %div3A = arith.divf %get3A_3, %dot_general3A_16 : vector<1000x1024xf32>
    %swap3A = arith.constant 0 : index
    %swap3A_17 = arith.constant 0 : index
    %swap3A_18 = vector.load %arg5[%swap3A, %swap3A_17] : memref<1000x1024xf32, #tpu.memory_space<vmem>>, vector<1000x1024xf32>
    tpu.vector_store %arg5[%swap3A, %swap3A_17], %div3A {strides = array<i32>} : memref<1000x1024xf32, #tpu.memory_space<vmem>>, vector<1000x1024xf32>,
    %get3A_19 = arith.constant 0 : index
    %get3A_20 = arith.constant 0 : index
    %get3A_21 = arith.constant 0 : index
    %get3A_22 = vector.load %arg2[%get3A_19, %get3A_20, %get3A_21] : memref<1x1x1024xi32, #tpu.memory_space<vmem>>, vector<1x1x1024xi32>
    %get3A_23 = vector.shape_cast %get3A_22 : vector<1x1x1024xi32> to vector<1024xi32>
    %broadcast_in_dim3A_24 = vector.shape_cast %get3A_23 : vector<1024xi32> to vector<1x1024xi32>
    %eq3A_25 = vector.broadcast %broadcast_in_dim3A_24 : vector<1x1024xi32> to vector<1000x1024xi32>
    %eq3A_26 = arith.cmpi eq, %eq3A_25, %iota3A : vector<1000x1024xi32>
    %jit3A_27 = arith.constant 0.000000e+00 : f32
    %broadcast_in_dim3A_28 = vector.broadcast %jit3A_27 : f32 to vector<1000x1024xf32>
    %select_n3A_29 = arith.select %eq3A_26, %div3A, %broadcast_in_dim3A_28 : vector<1000x1024xi1>, vector<1000x1024xf32>
    %reduce_sum3A = arith.constant dense<0.000000e+00> : vector<1024xf32>
    %reduce_sum3A_30 = vector.multi_reduction <add>, %select_n3A_29, %reduce_sum3A [0] : vector<1000x1024xf32> to vector<1024xf32>
    %reduce_max3A = arith.constant dense<0xFF800000> : vector<1024xf32>
    %reduce_max3A_31 = vector.multi_reduction <maximumf>, %div3A, %reduce_max3A [0] : vector<1000x1024xf32> to vector<1024xf32>
    %broadcast_in_dim3A_32 = vector.shape_cast %reduce_max3A_31 : vector<1024xf32> to vector<1x1024xf32>
    %sub3A = vector.broadcast %broadcast_in_dim3A_32 : vector<1x1024xf32> to vector<1000x1024xf32>
    %sub3A_33 = arith.subf %div3A, %sub3A : vector<1000x1024xf32>
    %exp3A = math.exp %sub3A_33 : vector<1000x1024xf32>
    %reduce_sum3A_34 = arith.constant dense<0.000000e+00> : vector<1024xf32>
    %reduce_sum3A_35 = vector.multi_reduction <add>, %exp3A, %reduce_sum3A_34 [0] : vector<1000x1024xf32> to vector<1024xf32>
    %log3A = math.log %reduce_sum3A_35 : vector<1024xf32>
    %add3A = arith.addf %reduce_max3A_31, %log3A : vector<1024xf32>
    %get3A_36 = arith.constant 0 : index
    %get3A_37 = arith.constant 0 : index
    %get3A_38 = memref.load %arg6[%get3A_36, %get3A_37] : memref<1x1xf32, #tpu.memory_space<smem>>
    %sub3A_39 = arith.subf %add3A, %reduce_sum3A_30 : vector<1024xf32>
    %reduce_sum3A_40 = vector.shape_cast %sub3A_39 : vector<1024xf32> to vector<1x1024xf32>
    %reduce_sum3A_41 = arith.constant dense<0.000000e+00> : vector<1xf32>
    %reduce_sum3A_42 = vector.multi_reduction <add>, %reduce_sum3A_40, %reduce_sum3A_41 [1] : vector<1x1024xf32> to vector<1xf32>
    %reduce_sum3A_43 = vector.shape_cast %reduce_sum3A_42 : vector<1xf32> to vector<1x1xf32>
    %reduce_sum3A_44 = vector.extract %reduce_sum3A_43[0, 0] : f32 from vector<1x1xf32>
    %div3A_45 = arith.constant 4.096000e+03 : f32
    %div3A_46 = arith.divf %reduce_sum3A_44, %div3A_45 : f32
    %add3A_47 = arith.addf %get3A_38, %div3A_46 : f32
    %swap3A_48 = arith.constant 0 : index
    %swap3A_49 = arith.constant 0 : index
    %swap3A_50 = memref.load %arg6[%swap3A_48, %swap3A_49] : memref<1x1xf32, #tpu.memory_space<smem>>
    memref.store %add3A_47, %arg6[%swap3A_48, %swap3A_49] : memref<1x1xf32, #tpu.memory_space<smem>>
    return
  }
  func.func @transform_0(%arg0: i32) -> (i32, i32) {
    %c0_i32 = arith.constant 0 : i32
    %c0_i32_0 = arith.constant 0 : i32
    return %c0_i32, %arg0 : i32, i32
  }
  func.func @transform_1(%arg0: i32) -> (i32, i32, i32) {
    %c0_i32 = arith.constant 0 : i32
    %c0_i32_0 = arith.constant 0 : i32
    %c0_i32_1 = arith.constant 0 : i32
    return %arg0, %c0_i32, %c0_i32_0 : i32, i32, i32
  }
  func.func @transform_2(%arg0: i32) -> (i32, i32) {
    %c0_i32 = arith.constant 0 : i32
    %c0_i32_0 = arith.constant 0 : i32
    %c0_i32_1 = arith.constant 0 : i32
    return %c0_i32, %c0_i32_0 : i32, i32
  }
  func.func @transform_3(%arg0: i32) -> (i32, i32) {
    %c0_i32 = arith.constant 0 : i32
    %c0_i32_0 = arith.constant 0 : i32
    %c0_i32_1 = arith.constant 0 : i32
    return %c0_i32, %c0_i32_0 : i32, i32
  }
  func.func @transform_4(%arg0: i32) -> (i32, i32) {
    %c0_i32 = arith.constant 0 : i32
    %c0_i32_0 = arith.constant 0 : i32
    return %c0_i32, %arg0 : i32, i32
  }
  func.func @transform_5(%arg0: i32) -> (i32, i32) {
    %c0_i32 = arith.constant 0 : i32
    %c0_i32_0 = arith.constant 0 : i32
    %c0_i32_1 = arith.constant 0 : i32
    return %c0_i32, %c0_i32_0 : i32, i32
  }
}

</mosaic_0001>

<sc_bundles>
// kernel: kernel.4.cloned.1.call-start
scs
__scs_entry_jumppad:
0x0: {  	(pc) =	sbr.rel $0x88, $3  }
0x1: {  	(tag) =	ssettag $0x0;
	lr =	simm.s32 $0x1  }
0x2: {  	[smem:$0x3F9D] =	sst lr;
	_ =	strace $0xD0000000  }
0x3: {  	_ = 	snop  }
0x4: {  	_ = 	snop  }
0x5: {  	_ = 	snop  }
0x6: {  	_ = 	snop  }
0x7: {  	_ = 	snop  }
__scs_overlays_trampoline_lowered:
0x8: {  	[smem:$0x3FAC] =	sst s0  }
0x9: {  	[smem:$0x3FAD] =	sst s1  }
0xa: {  	[smem:$0x3FAE] =	sst s2  }
0xb: {  	[smem:$0x3FAF] =	sst s3  }
0xc: {  	[smem:$0x3FB0] =	sst s4  }
0xd: {  	[smem:$0x3FB1] =	sst s5  }
0xe: {  	[smem:$0x3FB2] =	sst s6  }
0xf: {  	[smem:$0x3FB3] =	sst s7  }
0x10: {  	[smem:$0x3FB4] =	sst s8  }
0x11: {  	[smem:$0x3FB5] =	sst s9;
	s0 =	simm.s32 @!p0 $0x0  }
0x12: {  	s1 =	sld [smem:$0x3F9B];
	s0 =	simm.s32 @p0 $0x1  }
0x13: {  	[smem:$0x3FB6] =	sst s0;
	s0 =	simm.s32 @!p1 $0x0  }
0x14: {  	s2 =	sld [smem:$0x3F9A];
	s0 =	simm.s32 @p1 $0x1  }
0x15: {  	[smem:$0x3FB7] =	sst s0;
	s0 =	simm.s32 @!p2 $0x0  }
0x16: {  	s3 =	sld [smem:$0x3FDB];
	s0 =	simm.s32 @p2 $0x1  }
0x17: {  	s4 =	simm.s32 $0x1BF5;
	[smem:$0x3FB9] =	sst s0  }
0x18: {  	s0 =	sld [smem:$0x3F9C];
	_ =	swait.ge [sflag:s4], $0x0  }
0x19: {  	s7 =	sld [smem:$0x3F9D]  }
0x1a: {  	s8 =	sadd.s32 $0xFFFFE003, lr  }
0x1b: {  	s9 =	sadd.s32 $0xFFFFFEF7, lr;
	s5 =	simm.s32 $0xFFFFFFFF;
	p2 =	slt.u32 s8, $0xFFFFF086  }
0x1c: {  	p1 =	slt.u32 s9, $0xF7A;
	s5 =	simm.s32 @!p2 $0x0  }
0x1d: {  	s5 =	simm.s32 @p1 $0x1;
	p0 =	seq.s32 s7, s2  }
0x1e: {  	s7 =	smul.u32 @!p0 $0xF7A, s2;
	p2 =	seq.s32 @!p0 s5, $0x0  }
0x1f: {  	s9 =	smul.u32 $0xF7A, s1;
	s8 =	simm.s32 @!p0 $0x1BF5;
	p2 =	por !p2, p0  }
0x20: {  	[sflag:s8] =	ssyncset.s32 @!p0 $0xFFFFF086;
	s6 =	sadd.s32 @!p0 s3, s7;
	s7 =	simm.s32 @!p0 $0x108  }
0x21: {  	s3 =	sadd.s32 s3, s9;
	s6 =	sadd.s32 @!p0 $0x88, s6;
	s7 =	simm.s32 @p2 $0x1082  }
0x22: {  	[simem:s7], [sflag:s8] =	dma.local @!p0 [hbm:s6], $0xF7A  }
0x23: {  	s9 =	sor.u32 $0xD0000000, s2;
	s6 =	simm.s32 $0x108;
	_ =	swait.ge @!p0 [sflag:s8], $0x0  }
0x24: {  	s3 =	sadd.s32 $0x88, s3;
	s6 =	simm.s32 @!p1 $0x1082;
	[sflag:s4] =	ssyncset.s32 $0xFFFFF086  }
0x25: {  	[simem:s6], [sflag:s4] =	dma.local [hbm:s3], $0xF7A  }
0x26: {  	[smem:$0x3F9D] =	sst s1;
	(tag) =	ssettag s2;
	_ =	strace s9  }
0x27: {  	s1 =	sld [smem:$0x3FAD]  }
0x28: {  	s2 =	sld [smem:$0x3FAE]  }
0x29: {  	s4 =	sld [smem:$0x3FB0]  }
0x2a: {  	p0 =	seq.s32 s5, $0x0;
	s5 =	sld [smem:$0x3FB1]  }
0x2b: {  	s6 =	sld [smem:$0x3FB2]  }
0x2c: {  	s7 =	sld [smem:$0x3FB3]  }
0x2d: {  	s3 =	simm.s32 $0x108;
	s8 =	sld [smem:$0x3FB4]  }
0x2e: {  	s3 =	simm.s32 @!p0 $0x1082;
	s9 =	sld [smem:$0x3FB5]  }
0x2f: {  	lr =	sadd.s32 s0, s3;
	s0 =	sld [smem:$0x3FAC]  }
0x30: {  	s3 =	sld [smem:$0x3FAF]  }
0x31: {  	[smem:$0x3FB8] =	sst s10  }
0x32: {  	s10 =	sld [smem:$0x3FB6];
	_ =	sdelay $0x3  }
0x33: {  	p0 =	seq.s32 s10, $0x1;
	s10 =	sld [smem:$0x3FB8];
	_ =	sdelay $0x3  }
0x34: {  	[smem:$0x3FB8] =	sst s10  }
0x35: {  	s10 =	sld [smem:$0x3FB7];
	_ =	sdelay $0x3  }
0x36: {  	p1 =	seq.s32 s10, $0x1;
	s10 =	sld [smem:$0x3FB8];
	_ =	sdelay $0x3  }
0x37: {  	[smem:$0x3FB8] =	sst s10  }
0x38: {  	s10 =	sld [smem:$0x3FB9]  }
0x39: {  	_ = 	snop;
	(pc) =	sbr.ind lr, $3  }
0x3a: {  	_ = 	snop  }
0x3b: {  	_ = 	snop  }
0x3c: {  	p2 =	seq.s32 s10, $0x1;
	s10 =	sld [smem:$0x3FB8]  }
0x3d: {  	_ =	shalt  }
0x3e: {  	_ =	shalt  }
0x3f: {  	_ =	shalt  }
0x40: {  	_ =	shalt  }
0x41: {  	_ =	shalt  }
0x42: {  	_ =	shalt  }
0x43: {  	_ =	shalt  }
0x44: {  	_ =	shalt  }
0x45: {  	_ =	shalt  }
0x46: {  	_ =	shalt  }
0x47: {  	_ =	shalt  }
0x48: {  	_ =	shalt  }
0x49: {  	_ =	shalt  }
0x4a: {  	_ =	shalt  }
0x4b: {  	_ =	shalt  }
0x4c: {  	_ =	shalt  }
0x4d: {  	_ =	shalt  }
0x4e: {  	_ =	shalt  }
0x4f: {  	_ =	shalt  }
0x50: {  	_ =	shalt  }
0x51: {  	_ =	shalt  }
0x52: {  	_ =	shalt  }
0x53: {  	_ =	shalt  }
0x54: {  	_ =	shalt  }
0x55: {  	_ =	shalt  }
0x56: {  	_ =	shalt  }
0x57: {  	_ =	shalt  }
0x58: {  	_ =	shalt  }
0x59: {  	_ =	shalt  }
0x5a: {  	_ =	shalt  }
0x5b: {  	_ =	shalt  }
0x5c: {  	_ =	shalt  }
0x5d: {  	_ =	shalt  }
0x5e: {  	_ =	shalt  }
0x5f: {  	_ =	shalt  }
0x60: {  	_ =	shalt  }
0x61: {  	_ =	shalt  }
0x62: {  	_ =	shalt  }
0x63: {  	_ =	shalt  }
0x64: {  	_ =	shalt  }
0x65: {  	_ =	shalt  }
0x66: {  	_ =	shalt  }
0x67: {  	_ =	shalt  }
0x68: {  	_ =	shalt  }
0x69: {  	_ =	shalt  }
0x6a: {  	_ =	shalt  }
0x6b: {  	_ =	shalt  }
0x6c: {  	_ =	shalt  }
0x6d: {  	_ =	shalt  }
0x6e: {  	_ =	shalt  }
0x6f: {  	_ =	shalt  }
0x70: {  	_ =	shalt  }
0x71: {  	_ =	shalt  }
0x72: {  	_ =	shalt  }
0x73: {  	_ =	shalt  }
0x74: {  	_ =	shalt  }
0x75: {  	_ =	shalt  }
0x76: {  	_ =	shalt  }
0x77: {  	_ =	shalt  }
0x78: {  	_ =	shalt  }
0x79: {  	_ =	shalt  }
0x7a: {  	_ =	shalt  }
0x7b: {  	_ =	shalt  }
0x7c: {  	_ =	shalt  }
0x7d: {  	_ =	shalt  }
0x7e: {  	_ =	shalt  }
0x7f: {  	_ =	shalt  }
0x80: {  	_ =	shalt  }
0x81: {  	_ =	shalt  }
0x82: {  	_ =	shalt  }
0x83: {  	_ =	shalt  }
0x84: {  	_ =	shalt  }
0x85: {  	_ =	shalt  }
0x86: {  	_ =	shalt  }
0x87: {  	_ =	shalt  }
.Lfunc_end0:
.L_simem_size_0:
called_computation_lowered:
.L_overlay_start_0:
0x88: {  	s2 =	sld [smem:$0x3FD9]  }
0x89: {  	s3 =	sld [smem:$0x3FFE];
	_ =	sdelay $0x1  }
0x8a: {  	s1 =	srdreg.scid  }
0x8b: {  	s0 =	sand.u32 $0x1, s1  }
0x8c: {  	s17 =	sshll.u32 s0, $0xA;
	s2 =	sadd.s32 s3, s2  }
0x8d: {  	s2 =	sadd.s32 s2, s17  }
0x8e: {  	[smem:$0x3FC4] =	sst s2  }
0x8f: {  	_ = 	snop  }
0x90: {  	s2 =	sld [smem:$0x3FC6];
	(tm) =	ssettm $0x1  }
0x91: {  	s18 =	sld [smem:$0x3FFB];
	_ =	sdelay $0x3  }
0x92: {  	_ =	strace s18  }
0x93: {  	s3 =	sld [smem:$0x3FFC];
	_ =	sdelay $0x3  }
0x94: {  	_ =	strace s3  }
0x95: {  	s3 =	sld [smem:$0x3FFD];
	_ =	sdelay $0x3  }
0x96: {  	_ =	strace s3  }
0x97: {  	_ =	strace $0x8FFFFFFF  }
0x98: {  	s19 =	sld [smem:$0x3FDB];
	_ =	sdelay $0x1  }
0x99: {  	s4 =	simm.s32 $_scs_section_size  }
0x9a: {  	s5 =	simm.s32 $_size__tile_overlayer_lowered;
	s6 =	simm.s32 $_tile_overlayer_lowered  }
0x9b: {  	s22 =	simm.s32 $0x1BFF;
	s21 =	sshll.u32 s6, $0x1;
	s3 =	sadd.s32 s4, s19  }
0x9c: {  	s7 =	simm.s32 $0x0;
	s20 =	sshll.u32 s5, $0x1;
	s5 =	sadd.s32 s21, s3  }
0x9d: {  	[timem:s7], [sflag:s22] =	dma.local [hbm:s5], s20  }
0x9e: {  	_ =	swait.ge [sflag:s22], s20  }
0x9f: {  	s4 =	ssub.s32 $0x0, s20;
	[sflag:s22] =	ssyncset.done $0x0  }
0xa0: {  	[sflag:s22] =	ssyncadd.s32 s4;
	_ =	sdelay $0x1  }
0xa1: {  	s23 =	simm.s32 $0x1B8B  }
0xa2: {  	_ =	swait.ge [sflag:s23], $0x1  }
0xa3: {  	[sflag:s23] =	ssyncset.done $0x0  }
0xa4: {  	s25 =	simm.s32 $0x1B8E;
	s24 =	sld [smem:$0x3FFE];
	[sflag:s23] =	ssyncadd.s32 $0xFFFFFFFF  }
0xa5: {  	s26 =	simm.s32 $execute0_lowered;
	[smem:$0x3FD2] =	sst s25  }
0xa6: {  	s5 =	sshll.u32 s26, $0x1;
	_ =	strace $0x80000046;
	[dreg:$0x1] =	wrdreg $0xFFFFFFFF  }
0xa7: {  	s28 =	simm.s32 $_size_execute0_lowered;
	s3 =	sadd.s32 s3, s5;
	[dreg:$0x0] =	wrdreg $0x0  }
0xa8: {  	s5 =	sshll.u32 s28, $0x1;
	[dreg:$0x2] =	wrdreg s3  }
0xa9: {  	[dreg:$0x3] =	wrdreg s5  }
0xaa: {  	[dreg:$0x4] =	wrdreg $0xC0  }
0xab: {  	_ =	task [dreg:s7], $0x5FFFF  }
0xac: {  	[dreg:$0x1] =	wrdreg $0xFFFFFFFF  }
0xad: {  	[dreg:$0x0] =	wrdreg $0x60  }
0xae: {  	[dreg:$0x2] =	wrdreg s2  }
0xaf: {  	[dreg:$0x3] =	wrdreg s24  }
0xb0: {  	[dreg:$0x4] =	wrdreg $0x9  }
0xb1: {  	_ =	task.clear_ibuf [dreg:s7], $0x5FFFF;
	_ =	strace $0x90000046  }
0xb2: {  	s29 =	simm.s32 $0x9;
	_ =	strace $0x80000048  }
0xb3: {  	_ =	swait.ge [sflag:s29], $0x1  }
0xb4: {  	[sflag:s29] =	ssyncadd.s32 $0xFFFFFFFF  }
0xb5: {  	_ =	strace $0x90000048  }
0xb6: {  	_ =	sfence  }
0xb7: {  	s30 =	sld [smem:$0x0];
	_ =	sdelay $0x2  }
0xb8: {  	s31 =	sshll.u32 s1, $0xD;
	s1 =	sshrl.u32 s1, $0x2  }
0xb9: {  	s3 =	sand.u32 $0x4000, s31;
	s1 =	sadd.s32 s1, s30  }
0xba: {  	s0 =	sor.u32 s3, s0;
	s1 =	sshll.u32 s1, $0x11  }
0xbb: {  	s0 =	sor.u32 s1, s0  }
0xbc: {  	s0 =	sadd.s32 $0x8F2B, s0  }
0xbd: {  	[sflag:s0] =	ssyncadd.remote.s32 $0x1  }
0xbe: {  	_ =	sfence.sel $0xFFFF  }
0xbf: {  	[dreg:$0x0] =	wrdreg $0xFFFFFFFF;
	(pc) =	sbr.abs _section_cstart, $3  }
0xc0: {  	[dreg:$0x1] =	wrdreg $0xFFFFFFFF  }
0xc1: {  	_ =	task.clear_ibuf [dreg:s7], $0x2FFFF;
	_ =	strace $0x9FFFFFFF  }
0xc2: {  	(tm) =	ssettm $0x7FFFFFFF  }
0xc3: {  	_ =	shalt  }
tec
execute0_lowered:
.L_overlay_start_1:
0x0: {  	(tag) =	ssettag $0x1  }
0x1: {  	s3 =	rddreg [dreg:$0x0]  }
0x2: {  	s4 =	rddreg [dreg:$0x1]  }
0x3: {  	s0 =	rddreg [dreg:$0x2]  }
0x4: {  	s5 =	srdreg.scid;
	s1 =	stileid.u32  }
0x5: {  	s2 =	simm.s32 $0x0;
	s5 =	sand.u32 $0x1, s5;
	s6 =	sshll.u32 s1, $0x1  }
0x6: {  	v0 =	vimm.s32 $0xFEDCBA98;
	[smem:$0x7FF] =	sst s2;
	s10 =	sor.u32 s5, s6  }
0x7: {  	v1 =	vimm.s32 $0x76543210;
	v0 =	vunpack.c.l.s4.s8 v0;
	_ =	strace $0x80000047;
	s5 =	ssub.s32 $0x2, s5;
	s6 =	sshll.u32 s10, $0x4  }
.Ltmp0:
0x8: {  	v1 =	vunpack.c.l.s4.s8 v1;
	s7 =	sshrl.u32 s5, $0x1;
	s8 =	sshll.u32 s10, $0xA;
	(pc) =	sbr.rel .LBB2_1-.Ltmp0, $4  }
0x9: {  	v0 =	vunpack.c.0.s8.s32 v0;
	p0 =	sgt.u32 s10, $0x1C;
	s10 =	simm.s32 $0x2000;
	s3 =	sadd.s32 s3, s8  }
0xa: {  	v1 =	vunpack.c.0.s8.s32 v1;
	s9 =	sadd.s32 s6, s4;
	s11 =	ssub.s32 s5, s7;
	s4 =	sadd.s32 $0x8000, s3  }
0xb: {  	s5 =	sadd.s32 $0x10000, s3;
	s6 =	sadd.s32 $0x18000, s3;
	s7 =	sadd.s32 $0x800, s9;
	v2 =	vand.u32 $0xF, v0  }
0xc: {  	vm0 =	vmmov $0xff;
	s8 =	smax.u32 s11, $0x1;
	s9 =	simm.s32 $0x1;
	v0 =	vimm.f32 $0.0e+00;
	s11 =	simm.s32 $0x0;
	v1 =	vcombine.low v2, v1  }
.LBB2_66:
0xd: {  	s12 =	sor.u32 $0x380, s14;
	[tilespmem:$0x2000] =	vst v2;
	v3 =	vld.msk [tilespmem:$0x1FE0], $0xff  }
0xe: {  	v4 =	vld [tilespmem:s12+$0x0];
	_ =	sdelay $0x3  }
0xf: {  	v3 =	vadd.f32 $-1.000000000e+00, v3  }
0x10: {  	v4 =	vadd.f32 $-1.000000000e+00, v4  }
0x11: {  	v3 =	vand.u32 $0x7FFFFFFF, v3  }
0x12: {  	v4 =	vand.u32 $0x7FFFFFFF, v4;
	v3 =	vperm.xlane v3, v1  }
0x13: {  	v2 =	vadd.f32 v4, v2  }
0x14: {  	v3 =	vsel vm0, $0x0, v3  }
0x15: {  	v3 =	vadd.f32 v3, v2  }
0x16: {  	[tilespmem:$0x2000] =	vst v2  }
0x17: {  	[tilespmem:$0x2000] =	vst v3  }
.LBB2_67:
0x18: {  	s11 =	sadd.s32 $0x1, s11  }
0x19: {  	p1 =	sne.s32 s11, s8  }
.Ltmp1:
0x1a: {  	_ = 	snop;
	(pc) =	sbr.rel @!p1 .LBB2_68-.Ltmp1, $4  }
0x1b: {  	[hbm4b:s7+s2] =	stream.linear.scatter [tilespmem:s10], [sflag:$0x1], $0x80, $0x38;
	[tilespmem:$0x2080] =	vst v63  }
0x1c: {  	_ =	swait.ge [sflag:s9], $0x80  }
0x1d: {  	[sflag:s9] =	ssyncset.done $0x0  }
0x1e: {  	[sflag:s9] =	ssyncadd.s32 $0xFFFFFF80  }
.LBB2_1:
0x1f: {  	[tilespmem:$0x2000] =	vst v0  }
0x20: {  	[tilespmem:s2], [sflag:$0x1] =	stream.linear.gather [hbm4b:s3+s2], $0x2000, $0x38;
	[tilespmem:$0x2080] =	vst v63  }
0x21: {  	_ =	swait.ge [sflag:s9], $0x2000  }
0x22: {  	s12 =	sand.u32 $0x70, s2;
	s13 =	sand.u32 $0x1C00, s2;
	[sflag:s9] =	ssyncset.done $0x0  }
0x23: {  	s12 =	sor.u32 s12, s13;
	[sflag:s9] =	ssyncadd.s32 $0xFFFFE000  }
0x24: {  	v2 =	vld [tilespmem:s12+$0x0];
	_ =	sdelay $0x2  }
0x25: {  	v3 =	vld [tilespmem:$0x2000];
	_ =	sdelay $0x1  }
0x26: {  	v2 =	vadd.f32 $-1.000000000e+00, v2;
	_ =	sdelay $0x1  }
0x27: {  	v2 =	vand.u32 $0x7FFFFFFF, v2  }
0x28: {  	s31 =	simm.s32 $0x10;
	s12 =	simm.s32 $0x80;
	v2 =	vadd.f32 v2, v3  }
0x29: {  	s14 =	sand.u32 $0x70, s31;
	s13 =	simm.s32 $0x20;
	s15 =	sand.u32 $0x1C00, s12  }
.LBB2_2:
0x2a: {  	p1 =	sne.s32 s13, $0x3D0;
	s14 =	sor.u32 s14, s15;
	[tilespmem:$0x2000] =	vst v2  }
0x2b: {  	v3 =	vld [tilespmem:s14+$0x0];
	_ =	sdelay $0x4  }
.Ltmp2:
0x2c: {  	v3 =	vadd.f32 $-1.000000000e+00, v3;
	(pc) =	sbr.rel @p1 .LBB2_2-.Ltmp2, $4  }
0x2d: {  	_ = 	snop  }
0x2e: {  	v3 =	vand.u32 $0x7FFFFFFF, v3  }
0x2f: {  	s12 =	sadd.s32 $0x80, s12;
	v2 =	vadd.f32 v3, v2  }
0x30: {  	s14 =	sand.u32 $0x70, s13;
	s15 =	sand.u32 $0x1C00, s12;
	s13 =	sadd.s32 $0x10, s13  }
0x31: {  	s12 =	sor.u32 s14, s15;
	[tilespmem:$0x2000] =	vst v2;
	v3 =	vld.msk [tilespmem:$0x1C60], $0xff  }
0x32: {  	v4 =	vld [tilespmem:s12+$0x0];
	_ =	sdelay $0x3  }
0x33: {  	v3 =	vadd.f32 $-1.000000000e+00, v3  }
0x34: {  	v4 =	vadd.f32 $-1.000000000e+00, v4  }
0x35: {  	v3 =	vand.u32 $0x7FFFFFFF, v3  }
0x36: {  	v4 =	vand.u32 $0x7FFFFFFF, v4;
	v3 =	vperm.xlane v3, v1  }
0x37: {  	v2 =	vadd.f32 v4, v2  }
0x38: {  	v3 =	vsel vm0, $0x0, v3  }
0x39: {  	s30 =	simm.s32 $0x0;
	v3 =	vadd.f32 v3, v2  }
0x3a: {  	s13 =	sand.u32 $0x70, s30;
	s12 =	sand.u32 $0x1C00, s30;
	[tilespmem:$0x2000] =	vst v2  }
0x3b: {  	s12 =	sor.u32 s13, s12;
	[tilespmem:$0x2000] =	vst v3  }
0x3c: {  	v2 =	vld [tilespmem:s12+$0x80];
	_ =	sdelay $0x4  }
0x3d: {  	v2 =	vadd.f32 $-1.000000000e+00, v2;
	_ =	sdelay $0x1  }
0x3e: {  	v2 =	vand.u32 $0x7FFFFFFF, v2  }
0x3f: {  	s31 =	simm.s32 $0x10;
	s12 =	simm.s32 $0x80;
	v2 =	vadd.f32 v2, v3  }
0x40: {  	s14 =	sand.u32 $0x70, s31;
	s13 =	simm.s32 $0x20;
	s15 =	sand.u32 $0x1C00, s12  }
.LBB2_4:
0x41: {  	p1 =	sne.s32 s13, $0x3D0;
	s14 =	sor.u32 s14, s15;
	[tilespmem:$0x2000] =	vst v2  }
0x42: {  	v3 =	vld [tilespmem:s14+$0x80];
	_ =	sdelay $0x4  }
.Ltmp3:
0x43: {  	v3 =	vadd.f32 $-1.000000000e+00, v3;
	(pc) =	sbr.rel @p1 .LBB2_4-.Ltmp3, $4  }
0x44: {  	_ = 	snop  }
0x45: {  	v3 =	vand.u32 $0x7FFFFFFF, v3  }
0x46: {  	s12 =	sadd.s32 $0x80, s12;
	v2 =	vadd.f32 v3, v2  }
0x47: {  	s14 =	sand.u32 $0x70, s13;
	s15 =	sand.u32 $0x1C00, s12;
	s13 =	sadd.s32 $0x10, s13  }
0x48: {  	s12 =	sor.u32 s14, s15;
	[tilespmem:$0x2000] =	vst v2;
	v3 =	vld.msk [tilespmem:$0x1CE0], $0xff  }
0x49: {  	v4 =	vld [tilespmem:s12+$0x80];
	_ =	sdelay $0x3  }
0x4a: {  	v3 =	vadd.f32 $-1.000000000e+00, v3  }
0x4b: {  	v4 =	vadd.f32 $-1.000000000e+00, v4  }
0x4c: {  	v3 =	vand.u32 $0x7FFFFFFF, v3  }
0x4d: {  	v4 =	vand.u32 $0x7FFFFFFF, v4;
	v3 =	vperm.xlane v3, v1  }
0x4e: {  	v2 =	vadd.f32 v4, v2  }
0x4f: {  	v3 =	vsel vm0, $0x0, v3  }
0x50: {  	s30 =	simm.s32 $0x0;
	v3 =	vadd.f32 v3, v2  }
0x51: {  	s13 =	sand.u32 $0x70, s30;
	s12 =	sand.u32 $0x1C00, s30;
	[tilespmem:$0x2000] =	vst v2  }
0x52: {  	s12 =	sor.u32 s13, s12;
	[tilespmem:$0x2000] =	vst v3  }
0x53: {  	v2 =	vld [tilespmem:s12+$0x100];
	_ =	sdelay $0x4  }
0x54: {  	v2 =	vadd.f32 $-1.000000000e+00, v2;
	_ =	sdelay $0x1  }
0x55: {  	v2 =	vand.u32 $0x7FFFFFFF, v2  }
0x56: {  	s31 =	simm.s32 $0x10;
	s12 =	simm.s32 $0x80;
	v2 =	vadd.f32 v2, v3  }
0x57: {  	s14 =	sand.u32 $0x70, s31;
	s13 =	simm.s32 $0x20;
	s15 =	sand.u32 $0x1C00, s12  }
.LBB2_6:
0x58: {  	p1 =	sne.s32 s13, $0x3D0;
	s14 =	sor.u32 s14, s15;
	[tilespmem:$0x2000] =	vst v2  }
0x59: {  	v3 =	vld [tilespmem:s14+$0x100];
	_ =	sdelay $0x4  }
.Ltmp4:
0x5a: {  	v3 =	vadd.f32 $-1.000000000e+00, v3;
	(pc) =	sbr.rel @p1 .LBB2_6-.Ltmp4, $4  }
0x5b: {  	_ = 	snop  }
0x5c: {  	v3 =	vand.u32 $0x7FFFFFFF, v3  }
0x5d: {  	s12 =	sadd.s32 $0x80, s12;
	v2 =	vadd.f32 v3, v2  }
0x5e: {  	s14 =	sand.u32 $0x70, s13;
	s15 =	sand.u32 $0x1C00, s12;
	s13 =	sadd.s32 $0x10, s13  }
0x5f: {  	s12 =	sor.u32 s14, s15;
	[tilespmem:$0x2000] =	vst v2;
	v3 =	vld.msk [tilespmem:$0x1D60], $0xff  }
0x60: {  	v4 =	vld [tilespmem:s12+$0x100];
	_ =	sdelay $0x3  }
0x61: {  	v3 =	vadd.f32 $-1.000000000e+00, v3  }
0x62: {  	v4 =	vadd.f32 $-1.000000000e+00, v4  }
0x63: {  	v3 =	vand.u32 $0x7FFFFFFF, v3  }
0x64: {  	v4 =	vand.u32 $0x7FFFFFFF, v4;
	v3 =	vperm.xlane v3, v1  }
0x65: {  	v2 =	vadd.f32 v4, v2  }
0x66: {  	v3 =	vsel vm0, $0x0, v3  }
0x67: {  	s30 =	simm.s32 $0x0;
	v3 =	vadd.f32 v3, v2  }
0x68: {  	s13 =	sand.u32 $0x70, s30;
	s12 =	sand.u32 $0x1C00, s30;
	[tilespmem:$0x2000] =	vst v2  }
0x69: {  	s12 =	sor.u32 s13, s12;
	[tilespmem:$0x2000] =	vst v3  }
0x6a: {  	v2 =	vld [tilespmem:s12+$0x180];
	_ =	sdelay $0x4  }
0x6b: {  	v2 =	vadd.f32 $-1.000000000e+00, v2;
	_ =	sdelay $0x1  }
0x6c: {  	v2 =	vand.u32 $0x7FFFFFFF, v2  }
0x6d: {  	s31 =	simm.s32 $0x10;
	s12 =	simm.s32 $0x80;
	v2 =	vadd.f32 v2, v3  }
0x6e: {  	s14 =	sand.u32 $0x70, s31;
	s13 =	simm.s32 $0x20;
	s15 =	sand.u32 $0x1C00, s12  }
.LBB2_8:
0x6f: {  	p1 =	sne.s32 s13, $0x3D0;
	s14 =	sor.u32 s14, s15;
	[tilespmem:$0x2000] =	vst v2  }
0x70: {  	v3 =	vld [tilespmem:s14+$0x180];
	_ =	sdelay $0x4  }
.Ltmp5:
0x71: {  	v3 =	vadd.f32 $-1.000000000e+00, v3;
	(pc) =	sbr.rel @p1 .LBB2_8-.Ltmp5, $4  }
0x72: {  	_ = 	snop  }
0x73: {  	v3 =	vand.u32 $0x7FFFFFFF, v3  }
0x74: {  	s12 =	sadd.s32 $0x80, s12;
	v2 =	vadd.f32 v3, v2  }
0x75: {  	s14 =	sand.u32 $0x70, s13;
	s15 =	sand.u32 $0x1C00, s12;
	s13 =	sadd.s32 $0x10, s13  }
0x76: {  	s12 =	sor.u32 s14, s15;
	[tilespmem:$0x2000] =	vst v2;
	v3 =	vld.msk [tilespmem:$0x1DE0], $0xff  }
0x77: {  	v4 =	vld [tilespmem:s12+$0x180];
	_ =	sdelay $0x3  }
0x78: {  	v3 =	vadd.f32 $-1.000000000e+00, v3  }
0x79: {  	v4 =	vadd.f32 $-1.000000000e+00, v4  }
0x7a: {  	v3 =	vand.u32 $0x7FFFFFFF, v3  }
0x7b: {  	v4 =	vand.u32 $0x7FFFFFFF, v4;
	v3 =	vperm.xlane v3, v1  }
0x7c: {  	v2 =	vadd.f32 v4, v2  }
0x7d: {  	v3 =	vsel vm0, $0x0, v3  }
0x7e: {  	s30 =	simm.s32 $0x0;
	v3 =	vadd.f32 v3, v2  }
0x7f: {  	s13 =	sand.u32 $0x70, s30;
	s12 =	sand.u32 $0x1C00, s30;
	[tilespmem:$0x2000] =	vst v2  }
0x80: {  	s12 =	sor.u32 s13, s12;
	[tilespmem:$0x2000] =	vst v3  }
0x81: {  	v2 =	vld [tilespmem:s12+$0x200];
	_ =	sdelay $0x4  }
0x82: {  	v2 =	vadd.f32 $-1.000000000e+00, v2;
	_ =	sdelay $0x1  }
0x83: {  	v2 =	vand.u32 $0x7FFFFFFF, v2  }
0x84: {  	s31 =	simm.s32 $0x10;
	s12 =	simm.s32 $0x80;
	v2 =	vadd.f32 v2, v3  }
0x85: {  	s14 =	sand.u32 $0x70, s31;
	s13 =	simm.s32 $0x20;
	s15 =	sand.u32 $0x1C00, s12  }
.LBB2_10:
0x86: {  	p1 =	sne.s32 s13, $0x3D0;
	s14 =	sor.u32 s14, s15;
	[tilespmem:$0x2000] =	vst v2  }
0x87: {  	v3 =	vld [tilespmem:s14+$0x200];
	_ =	sdelay $0x4  }
.Ltmp6:
0x88: {  	v3 =	vadd.f32 $-1.000000000e+00, v3;
	(pc) =	sbr.rel @p1 .LBB2_10-.Ltmp6, $4  }
0x89: {  	_ = 	snop  }
0x8a: {  	v3 =	vand.u32 $0x7FFFFFFF, v3  }
0x8b: {  	s12 =	sadd.s32 $0x80, s12;
	v2 =	vadd.f32 v3, v2  }
0x8c: {  	s14 =	sand.u32 $0x70, s13;
	s15 =	sand.u32 $0x1C00, s12;
	s13 =	sadd.s32 $0x10, s13  }
0x8d: {  	s12 =	sor.u32 s14, s15;
	[tilespmem:$0x2000] =	vst v2;
	v3 =	vld.msk [tilespmem:$0x1E60], $0xff  }
0x8e: {  	v4 =	vld [tilespmem:s12+$0x200];
	_ =	sdelay $0x3  }
0x8f: {  	v3 =	vadd.f32 $-1.000000000e+00, v3  }
0x90: {  	v4 =	vadd.f32 $-1.000000000e+00, v4  }
0x91: {  	v3 =	vand.u32 $0x7FFFFFFF, v3  }
0x92: {  	v4 =	vand.u32 $0x7FFFFFFF, v4;
	v3 =	vperm.xlane v3, v1  }
0x93: {  	v2 =	vadd.f32 v4, v2  }
0x94: {  	v3 =	vsel vm0, $0x0, v3  }
0x95: {  	s30 =	simm.s32 $0x0;
	v3 =	vadd.f32 v3, v2  }
0x96: {  	s13 =	sand.u32 $0x70, s30;
	s12 =	sand.u32 $0x1C00, s30;
	[tilespmem:$0x2000] =	vst v2  }
0x97: {  	s12 =	sor.u32 s13, s12;
	[tilespmem:$0x2000] =	vst v3  }
0x98: {  	v2 =	vld [tilespmem:s12+$0x280];
	_ =	sdelay $0x4  }
0x99: {  	v2 =	vadd.f32 $-1.000000000e+00, v2;
	_ =	sdelay $0x1  }
0x9a: {  	v2 =	vand.u32 $0x7FFFFFFF, v2  }
0x9b: {  	s31 =	simm.s32 $0x10;
	s12 =	simm.s32 $0x80;
	v2 =	vadd.f32 v2, v3  }
0x9c: {  	s14 =	sand.u32 $0x70, s31;
	s13 =	simm.s32 $0x20;
	s15 =	sand.u32 $0x1C00, s12  }
.LBB2_12:
0x9d: {  	p1 =	sne.s32 s13, $0x3D0;
	s14 =	sor.u32 s14, s15;
	[tilespmem:$0x2000] =	vst v2  }
0x9e: {  	v3 =	vld [tilespmem:s14+$0x280];
	_ =	sdelay $0x4  }
.Ltmp7:
0x9f: {  	v3 =	vadd.f32 $-1.000000000e+00, v3;
	(pc) =	sbr.rel @p1 .LBB2_12-.Ltmp7, $4  }
0xa0: {  	_ = 	snop  }
0xa1: {  	v3 =	vand.u32 $0x7FFFFFFF, v3  }
0xa2: {  	s12 =	sadd.s32 $0x80, s12;
	v2 =	vadd.f32 v3, v2  }
0xa3: {  	s14 =	sand.u32 $0x70, s13;
	s15 =	sand.u32 $0x1C00, s12;
	s13 =	sadd.s32 $0x10, s13  }
0xa4: {  	s12 =	sor.u32 s14, s15;
	[tilespmem:$0x2000] =	vst v2;
	v3 =	vld.msk [tilespmem:$0x1EE0], $0xff  }
0xa5: {  	v4 =	vld [tilespmem:s12+$0x280];
	_ =	sdelay $0x3  }
0xa6: {  	v3 =	vadd.f32 $-1.000000000e+00, v3  }
0xa7: {  	v4 =	vadd.f32 $-1.000000000e+00, v4  }
0xa8: {  	v3 =	vand.u32 $0x7FFFFFFF, v3  }
0xa9: {  	v4 =	vand.u32 $0x7FFFFFFF, v4;
	v3 =	vperm.xlane v3, v1  }
0xaa: {  	v2 =	vadd.f32 v4, v2  }
0xab: {  	v3 =	vsel vm0, $0x0, v3  }
0xac: {  	s30 =	simm.s32 $0x0;
	v3 =	vadd.f32 v3, v2  }
0xad: {  	s13 =	sand.u32 $0x70, s30;
	s12 =	sand.u32 $0x1C00, s30;
	[tilespmem:$0x2000] =	vst v2  }
0xae: {  	s12 =	sor.u32 s13, s12;
	[tilespmem:$0x2000] =	vst v3  }
0xaf: {  	v2 =	vld [tilespmem:s12+$0x300];
	_ =	sdelay $0x4  }
0xb0: {  	v2 =	vadd.f32 $-1.000000000e+00, v2;
	_ =	sdelay $0x1  }
0xb1: {  	v2 =	vand.u32 $0x7FFFFFFF, v2  }
0xb2: {  	s31 =	simm.s32 $0x10;
	s12 =	simm.s32 $0x80;
	v2 =	vadd.f32 v2, v3  }
0xb3: {  	s14 =	sand.u32 $0x70, s31;
	s13 =	simm.s32 $0x20;
	s15 =	sand.u32 $0x1C00, s12  }
.LBB2_14:
0xb4: {  	p1 =	sne.s32 s13, $0x3D0;
	s14 =	sor.u32 s14, s15;
	[tilespmem:$0x2000] =	vst v2  }
0xb5: {  	v3 =	vld [tilespmem:s14+$0x300];
	_ =	sdelay $0x4  }
.Ltmp8:
0xb6: {  	v3 =	vadd.f32 $-1.000000000e+00, v3;
	(pc) =	sbr.rel @p1 .LBB2_14-.Ltmp8, $4  }
0xb7: {  	_ = 	snop  }
0xb8: {  	v3 =	vand.u32 $0x7FFFFFFF, v3  }
0xb9: {  	s12 =	sadd.s32 $0x80, s12;
	v2 =	vadd.f32 v3, v2  }
0xba: {  	s14 =	sand.u32 $0x70, s13;
	s15 =	sand.u32 $0x1C00, s12;
	s13 =	sadd.s32 $0x10, s13  }
0xbb: {  	s12 =	sor.u32 s14, s15;
	[tilespmem:$0x2000] =	vst v2;
	v3 =	vld.msk [tilespmem:$0x1F60], $0xff  }
0xbc: {  	v4 =	vld [tilespmem:s12+$0x300];
	_ =	sdelay $0x3  }
0xbd: {  	v3 =	vadd.f32 $-1.000000000e+00, v3  }
0xbe: {  	v4 =	vadd.f32 $-1.000000000e+00, v4  }
0xbf: {  	v3 =	vand.u32 $0x7FFFFFFF, v3  }
0xc0: {  	v4 =	vand.u32 $0x7FFFFFFF, v4;
	v3 =	vperm.xlane v3, v1  }
0xc1: {  	v2 =	vadd.f32 v4, v2  }
0xc2: {  	v3 =	vsel vm0, $0x0, v3  }
0xc3: {  	s31 =	simm.s32 $0x0;
	v3 =	vadd.f32 v3, v2  }
0xc4: {  	s12 =	sor.u32 s31, s31;
	[tilespmem:$0x2000] =	vst v2  }
0xc5: {  	s12 =	sor.u32 $0x380, s12;
	[tilespmem:$0x2000] =	vst v3  }
0xc6: {  	v2 =	vld [tilespmem:s12+$0x0];
	_ =	sdelay $0x4  }
0xc7: {  	v2 =	vadd.f32 $-1.000000000e+00, v2;
	_ =	sdelay $0x1  }
0xc8: {  	v2 =	vand.u32 $0x7FFFFFFF, v2  }
0xc9: {  	s13 =	simm.s32 $0x10;
	s12 =	simm.s32 $0x80;
	v2 =	vadd.f32 v2, v3  }
0xca: {  	s14 =	sor.u32 s12, s13;
	s13 =	simm.s32 $0x20  }
.LBB2_16:
0xcb: {  	p1 =	sne.s32 s13, $0x3D0;
	s14 =	sor.u32 $0x380, s14;
	[tilespmem:$0x2000] =	vst v2  }
0xcc: {  	v3 =	vld [tilespmem:s14+$0x0];
	_ =	sdelay $0x4  }
.Ltmp9:
0xcd: {  	v3 =	vadd.f32 $-1.000000000e+00, v3;
	(pc) =	sbr.rel @p1 .LBB2_16-.Ltmp9, $4  }
0xce: {  	_ = 	snop  }
0xcf: {  	v3 =	vand.u32 $0x7FFFFFFF, v3  }
0xd0: {  	s12 =	sadd.s32 $0x80, s12;
	v2 =	vadd.f32 v3, v2  }
0xd1: {  	s14 =	sor.u32 s12, s13;
	s13 =	sadd.s32 $0x10, s13  }
0xd2: {  	s12 =	sor.u32 $0x380, s14;
	[tilespmem:$0x2000] =	vst v2;
	v3 =	vld.msk [tilespmem:$0x1FE0], $0xff  }
0xd3: {  	v4 =	vld [tilespmem:s12+$0x0];
	_ =	sdelay $0x3  }
0xd4: {  	v3 =	vadd.f32 $-1.000000000e+00, v3  }
0xd5: {  	v4 =	vadd.f32 $-1.000000000e+00, v4  }
0xd6: {  	v3 =	vand.u32 $0x7FFFFFFF, v3  }
0xd7: {  	v4 =	vand.u32 $0x7FFFFFFF, v4;
	v3 =	vperm.xlane v3, v1  }
0xd8: {  	v2 =	vadd.f32 v4, v2  }
0xd9: {  	v3 =	vsel vm0, $0x0, v3  }
0xda: {  	v3 =	vadd.f32 v3, v2  }
0xdb: {  	[tilespmem:$0x2000] =	vst v2  }
0xdc: {  	s30 =	simm.s32 $0x0;
	[tilespmem:$0x2000] =	vst v3  }
0xdd: {  	[tilespmem:s30], [sflag:$0x1] =	stream.linear.gather [hbm4b:s4+s30], $0x2000, $0x38;
	[tilespmem:$0x2080] =	vst v63  }
0xde: {  	_ =	swait.ge [sflag:s9], $0x2000  }
0xdf: {  	s13 =	sand.u32 $0x70, s30;
	s12 =	sand.u32 $0x1C00, s30;
	[sflag:s9] =	ssyncset.done $0x0  }
0xe0: {  	s12 =	sor.u32 s13, s12;
	[sflag:s9] =	ssyncadd.s32 $0xFFFFE000  }
0xe1: {  	v2 =	vld [tilespmem:s12+$0x0];
	_ =	sdelay $0x2  }
0xe2: {  	v3 =	vld [tilespmem:$0x2000];
	_ =	sdelay $0x1  }
0xe3: {  	v2 =	vadd.f32 $-1.000000000e+00, v2;
	_ =	sdelay $0x1  }
0xe4: {  	v2 =	vand.u32 $0x7FFFFFFF, v2  }
0xe5: {  	s31 =	simm.s32 $0x10;
	s12 =	simm.s32 $0x80;
	v2 =	vadd.f32 v2, v3  }
0xe6: {  	s14 =	sand.u32 $0x70, s31;
	s13 =	simm.s32 $0x20;
	s15 =	sand.u32 $0x1C00, s12  }
.LBB2_18:
0xe7: {  	p1 =	sne.s32 s13, $0x3D0;
	s14 =	sor.u32 s14, s15;
	[tilespmem:$0x2000] =	vst v2  }
0xe8: {  	v3 =	vld [tilespmem:s14+$0x0];
	_ =	sdelay $0x4  }
.Ltmp10:
0xe9: {  	v3 =	vadd.f32 $-1.000000000e+00, v3;
	(pc) =	sbr.rel @p1 .LBB2_18-.Ltmp10, $4  }
0xea: {  	_ = 	snop  }
0xeb: {  	v3 =	vand.u32 $0x7FFFFFFF, v3  }
0xec: {  	s12 =	sadd.s32 $0x80, s12;
	v2 =	vadd.f32 v3, v2  }
0xed: {  	s14 =	sand.u32 $0x70, s13;
	s15 =	sand.u32 $0x1C00, s12;
	s13 =	sadd.s32 $0x10, s13  }
0xee: {  	s12 =	sor.u32 s14, s15;
	[tilespmem:$0x2000] =	vst v2;
	v3 =	vld.msk [tilespmem:$0x1C60], $0xff  }
0xef: {  	v4 =	vld [tilespmem:s12+$0x0];
	_ =	sdelay $0x3  }
0xf0: {  	v3 =	vadd.f32 $-1.000000000e+00, v3  }
0xf1: {  	v4 =	vadd.f32 $-1.000000000e+00, v4  }
0xf2: {  	v3 =	vand.u32 $0x7FFFFFFF, v3  }
0xf3: {  	v4 =	vand.u32 $0x7FFFFFFF, v4;
	v3 =	vperm.xlane v3, v1  }
0xf4: {  	v2 =	vadd.f32 v4, v2  }
0xf5: {  	v3 =	vsel vm0, $0x0, v3  }
0xf6: {  	s30 =	simm.s32 $0x0;
	v3 =	vadd.f32 v3, v2  }
0xf7: {  	s13 =	sand.u32 $0x70, s30;
	s12 =	sand.u32 $0x1C00, s30;
	[tilespmem:$0x2000] =	vst v2  }
0xf8: {  	s12 =	sor.u32 s13, s12;
	[tilespmem:$0x2000] =	vst v3  }
0xf9: {  	v2 =	vld [tilespmem:s12+$0x80];
	_ =	sdelay $0x4  }
0xfa: {  	v2 =	vadd.f32 $-1.000000000e+00, v2;
	_ =	sdelay $0x1  }
0xfb: {  	v2 =	vand.u32 $0x7FFFFFFF, v2  }
0xfc: {  	s31 =	simm.s32 $0x10;
	s12 =	simm.s32 $0x80;
	v2 =	vadd.f32 v2, v3  }
0xfd: {  	s14 =	sand.u32 $0x70, s31;
	s13 =	simm.s32 $0x20;
	s15 =	sand.u32 $0x1C00, s12  }
.LBB2_20:
0xfe: {  	p1 =	sne.s32 s13, $0x3D0;
	s14 =	sor.u32 s14, s15;
	[tilespmem:$0x2000] =	vst v2  }
0xff: {  	v3 =	vld [tilespmem:s14+$0x80];
	_ =	sdelay $0x4  }
.Ltmp11:
0x100: {  	v3 =	vadd.f32 $-1.000000000e+00, v3;
	(pc) =	sbr.rel @p1 .LBB2_20-.Ltmp11, $4  }
0x101: {  	_ = 	snop  }
0x102: {  	v3 =	vand.u32 $0x7FFFFFFF, v3  }
0x103: {  	s12 =	sadd.s32 $0x80, s12;
	v2 =	vadd.f32 v3, v2  }
0x104: {  	s14 =	sand.u32 $0x70, s13;
	s15 =	sand.u32 $0x1C00, s12;
	s13 =	sadd.s32 $0x10, s13  }
0x105: {  	s12 =	sor.u32 s14, s15;
	[tilespmem:$0x2000] =	vst v2;
	v3 =	vld.msk [tilespmem:$0x1CE0], $0xff  }
0x106: {  	v4 =	vld [tilespmem:s12+$0x80];
	_ =	sdelay $0x3  }
0x107: {  	v3 =	vadd.f32 $-1.000000000e+00, v3  }
0x108: {  	v4 =	vadd.f32 $-1.000000000e+00, v4  }
0x109: {  	v3 =	vand.u32 $0x7FFFFFFF, v3  }
0x10a: {  	v4 =	vand.u32 $0x7FFFFFFF, v4;
	v3 =	vperm.xlane v3, v1  }
0x10b: {  	v2 =	vadd.f32 v4, v2  }
0x10c: {  	v3 =	vsel vm0, $0x0, v3  }
0x10d: {  	s30 =	simm.s32 $0x0;
	v3 =	vadd.f32 v3, v2  }
0x10e: {  	s13 =	sand.u32 $0x70, s30;
	s12 =	sand.u32 $0x1C00, s30;
	[tilespmem:$0x2000] =	vst v2  }
0x10f: {  	s12 =	sor.u32 s13, s12;
	[tilespmem:$0x2000] =	vst v3  }
0x110: {  	v2 =	vld [tilespmem:s12+$0x100];
	_ =	sdelay $0x4  }
0x111: {  	v2 =	vadd.f32 $-1.000000000e+00, v2;
	_ =	sdelay $0x1  }
0x112: {  	v2 =	vand.u32 $0x7FFFFFFF, v2  }
0x113: {  	s31 =	simm.s32 $0x10;
	s12 =	simm.s32 $0x80;
	v2 =	vadd.f32 v2, v3  }
0x114: {  	s14 =	sand.u32 $0x70, s31;
	s13 =	simm.s32 $0x20;
	s15 =	sand.u32 $0x1C00, s12  }
.LBB2_22:
0x115: {  	p1 =	sne.s32 s13, $0x3D0;
	s14 =	sor.u32 s14, s15;
	[tilespmem:$0x2000] =	vst v2  }
0x116: {  	v3 =	vld [tilespmem:s14+$0x100];
	_ =	sdelay $0x4  }
.Ltmp12:
0x117: {  	v3 =	vadd.f32 $-1.000000000e+00, v3;
	(pc) =	sbr.rel @p1 .LBB2_22-.Ltmp12, $4  }
0x118: {  	_ = 	snop  }
0x119: {  	v3 =	vand.u32 $0x7FFFFFFF, v3  }
0x11a: {  	s12 =	sadd.s32 $0x80, s12;
	v2 =	vadd.f32 v3, v2  }
0x11b: {  	s14 =	sand.u32 $0x70, s13;
	s15 =	sand.u32 $0x1C00, s12;
	s13 =	sadd.s32 $0x10, s13  }
0x11c: {  	s12 =	sor.u32 s14, s15;
	[tilespmem:$0x2000] =	vst v2;
	v3 =	vld.msk [tilespmem:$0x1D60], $0xff  }
0x11d: {  	v4 =	vld [tilespmem:s12+$0x100];
	_ =	sdelay $0x3  }
0x11e: {  	v3 =	vadd.f32 $-1.000000000e+00, v3  }
0x11f: {  	v4 =	vadd.f32 $-1.000000000e+00, v4  }
0x120: {  	v3 =	vand.u32 $0x7FFFFFFF, v3  }
0x121: {  	v4 =	vand.u32 $0x7FFFFFFF, v4;
	v3 =	vperm.xlane v3, v1  }
0x122: {  	v2 =	vadd.f32 v4, v2  }
0x123: {  	v3 =	vsel vm0, $0x0, v3  }
0x124: {  	s30 =	simm.s32 $0x0;
	v3 =	vadd.f32 v3, v2  }
0x125: {  	s13 =	sand.u32 $0x70, s30;
	s12 =	sand.u32 $0x1C00, s30;
	[tilespmem:$0x2000] =	vst v2  }
0x126: {  	s12 =	sor.u32 s13, s12;
	[tilespmem:$0x2000] =	vst v3  }
0x127: {  	v2 =	vld [tilespmem:s12+$0x180];
	_ =	sdelay $0x4  }
0x128: {  	v2 =	vadd.f32 $-1.000000000e+00, v2;
	_ =	sdelay $0x1  }
0x129: {  	v2 =	vand.u32 $0x7FFFFFFF, v2  }
0x12a: {  	s31 =	simm.s32 $0x10;
	s12 =	simm.s32 $0x80;
	v2 =	vadd.f32 v2, v3  }
0x12b: {  	s14 =	sand.u32 $0x70, s31;
	s13 =	simm.s32 $0x20;
	s15 =	sand.u32 $0x1C00, s12  }
.LBB2_24:
0x12c: {  	p1 =	sne.s32 s13, $0x3D0;
	s14 =	sor.u32 s14, s15;
	[tilespmem:$0x2000] =	vst v2  }
0x12d: {  	v3 =	vld [tilespmem:s14+$0x180];
	_ =	sdelay $0x4  }
.Ltmp13:
0x12e: {  	v3 =	vadd.f32 $-1.000000000e+00, v3;
	(pc) =	sbr.rel @p1 .LBB2_24-.Ltmp13, $4  }
0x12f: {  	_ = 	snop  }
0x130: {  	v3 =	vand.u32 $0x7FFFFFFF, v3  }
0x131: {  	s12 =	sadd.s32 $0x80, s12;
	v2 =	vadd.f32 v3, v2  }
0x132: {  	s14 =	sand.u32 $0x70, s13;
	s15 =	sand.u32 $0x1C00, s12;
	s13 =	sadd.s32 $0x10, s13  }
0x133: {  	s12 =	sor.u32 s14, s15;
	[tilespmem:$0x2000] =	vst v2;
	v3 =	vld.msk [tilespmem:$0x1DE0], $0xff  }
0x134: {  	v4 =	vld [tilespmem:s12+$0x180];
	_ =	sdelay $0x3  }
0x135: {  	v3 =	vadd.f32 $-1.000000000e+00, v3  }
0x136: {  	v4 =	vadd.f32 $-1.000000000e+00, v4  }
0x137: {  	v3 =	vand.u32 $0x7FFFFFFF, v3  }
0x138: {  	v4 =	vand.u32 $0x7FFFFFFF, v4;
	v3 =	vperm.xlane v3, v1  }
0x139: {  	v2 =	vadd.f32 v4, v2  }
0x13a: {  	v3 =	vsel vm0, $0x0, v3  }
0x13b: {  	s30 =	simm.s32 $0x0;
	v3 =	vadd.f32 v3, v2  }
0x13c: {  	s13 =	sand.u32 $0x70, s30;
	s12 =	sand.u32 $0x1C00, s30;
	[tilespmem:$0x2000] =	vst v2  }
0x13d: {  	s12 =	sor.u32 s13, s12;
	[tilespmem:$0x2000] =	vst v3  }
0x13e: {  	v2 =	vld [tilespmem:s12+$0x200];
	_ =	sdelay $0x4  }
0x13f: {  	v2 =	vadd.f32 $-1.000000000e+00, v2;
	_ =	sdelay $0x1  }
0x140: {  	v2 =	vand.u32 $0x7FFFFFFF, v2  }
0x141: {  	s31 =	simm.s32 $0x10;
	s12 =	simm.s32 $0x80;
	v2 =	vadd.f32 v2, v3  }
0x142: {  	s14 =	sand.u32 $0x70, s31;
	s13 =	simm.s32 $0x20;
	s15 =	sand.u32 $0x1C00, s12  }
.LBB2_26:
0x143: {  	p1 =	sne.s32 s13, $0x3D0;
	s14 =	sor.u32 s14, s15;
	[tilespmem:$0x2000] =	vst v2  }
0x144: {  	v3 =	vld [tilespmem:s14+$0x200];
	_ =	sdelay $0x4  }
.Ltmp14:
0x145: {  	v3 =	vadd.f32 $-1.000000000e+00, v3;
	(pc) =	sbr.rel @p1 .LBB2_26-.Ltmp14, $4  }
0x146: {  	_ = 	snop  }
0x147: {  	v3 =	vand.u32 $0x7FFFFFFF, v3  }
0x148: {  	s12 =	sadd.s32 $0x80, s12;
	v2 =	vadd.f32 v3, v2  }
0x149: {  	s14 =	sand.u32 $0x70, s13;
	s15 =	sand.u32 $0x1C00, s12;
	s13 =	sadd.s32 $0x10, s13  }
0x14a: {  	s12 =	sor.u32 s14, s15;
	[tilespmem:$0x2000] =	vst v2;
	v3 =	vld.msk [tilespmem:$0x1E60], $0xff  }
0x14b: {  	v4 =	vld [tilespmem:s12+$0x200];
	_ =	sdelay $0x3  }
0x14c: {  	v3 =	vadd.f32 $-1.000000000e+00, v3  }
0x14d: {  	v4 =	vadd.f32 $-1.000000000e+00, v4  }
0x14e: {  	v3 =	vand.u32 $0x7FFFFFFF, v3  }
0x14f: {  	v4 =	vand.u32 $0x7FFFFFFF, v4;
	v3 =	vperm.xlane v3, v1  }
0x150: {  	v2 =	vadd.f32 v4, v2  }
0x151: {  	v3 =	vsel vm0, $0x0, v3  }
0x152: {  	s30 =	simm.s32 $0x0;
	v3 =	vadd.f32 v3, v2  }
0x153: {  	s13 =	sand.u32 $0x70, s30;
	s12 =	sand.u32 $0x1C00, s30;
	[tilespmem:$0x2000] =	vst v2  }
0x154: {  	s12 =	sor.u32 s13, s12;
	[tilespmem:$0x2000] =	vst v3  }
0x155: {  	v2 =	vld [tilespmem:s12+$0x280];
	_ =	sdelay $0x4  }
0x156: {  	v2 =	vadd.f32 $-1.000000000e+00, v2;
	_ =	sdelay $0x1  }
0x157: {  	v2 =	vand.u32 $0x7FFFFFFF, v2  }
0x158: {  	s31 =	simm.s32 $0x10;
	s12 =	simm.s32 $0x80;
	v2 =	vadd.f32 v2, v3  }
0x159: {  	s14 =	sand.u32 $0x70, s31;
	s13 =	simm.s32 $0x20;
	s15 =	sand.u32 $0x1C00, s12  }
.LBB2_28:
0x15a: {  	p1 =	sne.s32 s13, $0x3D0;
	s14 =	sor.u32 s14, s15;
	[tilespmem:$0x2000] =	vst v2  }
0x15b: {  	v3 =	vld [tilespmem:s14+$0x280];
	_ =	sdelay $0x4  }
.Ltmp15:
0x15c: {  	v3 =	vadd.f32 $-1.000000000e+00, v3;
	(pc) =	sbr.rel @p1 .LBB2_28-.Ltmp15, $4  }
0x15d: {  	_ = 	snop  }
0x15e: {  	v3 =	vand.u32 $0x7FFFFFFF, v3  }
0x15f: {  	s12 =	sadd.s32 $0x80, s12;
	v2 =	vadd.f32 v3, v2  }
0x160: {  	s14 =	sand.u32 $0x70, s13;
	s15 =	sand.u32 $0x1C00, s12;
	s13 =	sadd.s32 $0x10, s13  }
0x161: {  	s12 =	sor.u32 s14, s15;
	[tilespmem:$0x2000] =	vst v2;
	v3 =	vld.msk [tilespmem:$0x1EE0], $0xff  }
0x162: {  	v4 =	vld [tilespmem:s12+$0x280];
	_ =	sdelay $0x3  }
0x163: {  	v3 =	vadd.f32 $-1.000000000e+00, v3  }
0x164: {  	v4 =	vadd.f32 $-1.000000000e+00, v4  }
0x165: {  	v3 =	vand.u32 $0x7FFFFFFF, v3  }
0x166: {  	v4 =	vand.u32 $0x7FFFFFFF, v4;
	v3 =	vperm.xlane v3, v1  }
0x167: {  	v2 =	vadd.f32 v4, v2  }
0x168: {  	v3 =	vsel vm0, $0x0, v3  }
0x169: {  	s30 =	simm.s32 $0x0;
	v3 =	vadd.f32 v3, v2  }
0x16a: {  	s13 =	sand.u32 $0x70, s30;
	s12 =	sand.u32 $0x1C00, s30;
	[tilespmem:$0x2000] =	vst v2  }
0x16b: {  	s12 =	sor.u32 s13, s12;
	[tilespmem:$0x2000] =	vst v3  }
0x16c: {  	v2 =	vld [tilespmem:s12+$0x300];
	_ =	sdelay $0x4  }
0x16d: {  	v2 =	vadd.f32 $-1.000000000e+00, v2;
	_ =	sdelay $0x1  }
0x16e: {  	v2 =	vand.u32 $0x7FFFFFFF, v2  }
0x16f: {  	s31 =	simm.s32 $0x10;
	s12 =	simm.s32 $0x80;
	v2 =	vadd.f32 v2, v3  }
0x170: {  	s14 =	sand.u32 $0x70, s31;
	s13 =	simm.s32 $0x20;
	s15 =	sand.u32 $0x1C00, s12  }
.LBB2_30:
0x171: {  	p1 =	sne.s32 s13, $0x3D0;
	s14 =	sor.u32 s14, s15;
	[tilespmem:$0x2000] =	vst v2  }
0x172: {  	v3 =	vld [tilespmem:s14+$0x300];
	_ =	sdelay $0x4  }
.Ltmp16:
0x173: {  	v3 =	vadd.f32 $-1.000000000e+00, v3;
	(pc) =	sbr.rel @p1 .LBB2_30-.Ltmp16, $4  }
0x174: {  	_ = 	snop  }
0x175: {  	v3 =	vand.u32 $0x7FFFFFFF, v3  }
0x176: {  	s12 =	sadd.s32 $0x80, s12;
	v2 =	vadd.f32 v3, v2  }
0x177: {  	s14 =	sand.u32 $0x70, s13;
	s15 =	sand.u32 $0x1C00, s12;
	s13 =	sadd.s32 $0x10, s13  }
0x178: {  	s12 =	sor.u32 s14, s15;
	[tilespmem:$0x2000] =	vst v2;
	v3 =	vld.msk [tilespmem:$0x1F60], $0xff  }
0x179: {  	v4 =	vld [tilespmem:s12+$0x300];
	_ =	sdelay $0x3  }
0x17a: {  	v3 =	vadd.f32 $-1.000000000e+00, v3  }
0x17b: {  	v4 =	vadd.f32 $-1.000000000e+00, v4  }
0x17c: {  	v3 =	vand.u32 $0x7FFFFFFF, v3  }
0x17d: {  	v4 =	vand.u32 $0x7FFFFFFF, v4;
	v3 =	vperm.xlane v3, v1  }
0x17e: {  	v2 =	vadd.f32 v4, v2  }
0x17f: {  	v3 =	vsel vm0, $0x0, v3  }
0x180: {  	s31 =	simm.s32 $0x0;
	v3 =	vadd.f32 v3, v2  }
0x181: {  	s12 =	sor.u32 s31, s31;
	[tilespmem:$0x2000] =	vst v2  }
0x182: {  	s12 =	sor.u32 $0x380, s12;
	[tilespmem:$0x2000] =	vst v3  }
0x183: {  	v2 =	vld [tilespmem:s12+$0x0];
	_ =	sdelay $0x4  }
0x184: {  	v2 =	vadd.f32 $-1.000000000e+00, v2;
	_ =	sdelay $0x1  }
0x185: {  	v2 =	vand.u32 $0x7FFFFFFF, v2  }
0x186: {  	s13 =	simm.s32 $0x10;
	s12 =	simm.s32 $0x80;
	v2 =	vadd.f32 v2, v3  }
0x187: {  	s14 =	sor.u32 s12, s13;
	s13 =	simm.s32 $0x20  }
.LBB2_32:
0x188: {  	p1 =	sne.s32 s13, $0x3D0;
	s14 =	sor.u32 $0x380, s14;
	[tilespmem:$0x2000] =	vst v2  }
0x189: {  	v3 =	vld [tilespmem:s14+$0x0];
	_ =	sdelay $0x4  }
.Ltmp17:
0x18a: {  	v3 =	vadd.f32 $-1.000000000e+00, v3;
	(pc) =	sbr.rel @p1 .LBB2_32-.Ltmp17, $4  }
0x18b: {  	_ = 	snop  }
0x18c: {  	v3 =	vand.u32 $0x7FFFFFFF, v3  }
0x18d: {  	s12 =	sadd.s32 $0x80, s12;
	v2 =	vadd.f32 v3, v2  }
0x18e: {  	s14 =	sor.u32 s12, s13;
	s13 =	sadd.s32 $0x10, s13  }
0x18f: {  	s12 =	sor.u32 $0x380, s14;
	[tilespmem:$0x2000] =	vst v2;
	v3 =	vld.msk [tilespmem:$0x1FE0], $0xff  }
0x190: {  	v4 =	vld [tilespmem:s12+$0x0];
	_ =	sdelay $0x3  }
0x191: {  	v3 =	vadd.f32 $-1.000000000e+00, v3  }
0x192: {  	v4 =	vadd.f32 $-1.000000000e+00, v4  }
0x193: {  	v3 =	vand.u32 $0x7FFFFFFF, v3  }
0x194: {  	v4 =	vand.u32 $0x7FFFFFFF, v4;
	v3 =	vperm.xlane v3, v1  }
0x195: {  	v2 =	vadd.f32 v4, v2  }
0x196: {  	v3 =	vsel vm0, $0x0, v3  }
0x197: {  	v3 =	vadd.f32 v3, v2  }
0x198: {  	[tilespmem:$0x2000] =	vst v2  }
0x199: {  	s30 =	simm.s32 $0x0;
	[tilespmem:$0x2000] =	vst v3  }
0x19a: {  	[tilespmem:s30], [sflag:$0x1] =	stream.linear.gather [hbm4b:s5+s30], $0x2000, $0x38;
	[tilespmem:$0x2080] =	vst v63  }
0x19b: {  	_ =	swait.ge [sflag:s9], $0x2000  }
0x19c: {  	s13 =	sand.u32 $0x70, s30;
	s12 =	sand.u32 $0x1C00, s30;
	[sflag:s9] =	ssyncset.done $0x0  }
0x19d: {  	s12 =	sor.u32 s13, s12;
	[sflag:s9] =	ssyncadd.s32 $0xFFFFE000  }
0x19e: {  	v2 =	vld [tilespmem:s12+$0x0];
	_ =	sdelay $0x2  }
0x19f: {  	v3 =	vld [tilespmem:$0x2000];
	_ =	sdelay $0x1  }
0x1a0: {  	v2 =	vadd.f32 $-1.000000000e+00, v2;
	_ =	sdelay $0x1  }
0x1a1: {  	v2 =	vand.u32 $0x7FFFFFFF, v2  }
0x1a2: {  	s31 =	simm.s32 $0x10;
	s12 =	simm.s32 $0x80;
	v2 =	vadd.f32 v2, v3  }
0x1a3: {  	s14 =	sand.u32 $0x70, s31;
	s13 =	simm.s32 $0x20;
	s15 =	sand.u32 $0x1C00, s12  }
.LBB2_34:
0x1a4: {  	p1 =	sne.s32 s13, $0x3D0;
	s14 =	sor.u32 s14, s15;
	[tilespmem:$0x2000] =	vst v2  }
0x1a5: {  	v3 =	vld [tilespmem:s14+$0x0];
	_ =	sdelay $0x4  }
.Ltmp18:
0x1a6: {  	v3 =	vadd.f32 $-1.000000000e+00, v3;
	(pc) =	sbr.rel @p1 .LBB2_34-.Ltmp18, $4  }
0x1a7: {  	_ = 	snop  }
0x1a8: {  	v3 =	vand.u32 $0x7FFFFFFF, v3  }
0x1a9: {  	s12 =	sadd.s32 $0x80, s12;
	v2 =	vadd.f32 v3, v2  }
0x1aa: {  	s14 =	sand.u32 $0x70, s13;
	s15 =	sand.u32 $0x1C00, s12;
	s13 =	sadd.s32 $0x10, s13  }
0x1ab: {  	s12 =	sor.u32 s14, s15;
	[tilespmem:$0x2000] =	vst v2;
	v3 =	vld.msk [tilespmem:$0x1C60], $0xff  }
0x1ac: {  	v4 =	vld [tilespmem:s12+$0x0];
	_ =	sdelay $0x3  }
0x1ad: {  	v3 =	vadd.f32 $-1.000000000e+00, v3  }
0x1ae: {  	v4 =	vadd.f32 $-1.000000000e+00, v4  }
0x1af: {  	v3 =	vand.u32 $0x7FFFFFFF, v3  }
0x1b0: {  	v4 =	vand.u32 $0x7FFFFFFF, v4;
	v3 =	vperm.xlane v3, v1  }
0x1b1: {  	v2 =	vadd.f32 v4, v2  }
0x1b2: {  	v3 =	vsel vm0, $0x0, v3  }
0x1b3: {  	s30 =	simm.s32 $0x0;
	v3 =	vadd.f32 v3, v2  }
0x1b4: {  	s13 =	sand.u32 $0x70, s30;
	s12 =	sand.u32 $0x1C00, s30;
	[tilespmem:$0x2000] =	vst v2  }
0x1b5: {  	s12 =	sor.u32 s13, s12;
	[tilespmem:$0x2000] =	vst v3  }
0x1b6: {  	v2 =	vld [tilespmem:s12+$0x80];
	_ =	sdelay $0x4  }
0x1b7: {  	v2 =	vadd.f32 $-1.000000000e+00, v2;
	_ =	sdelay $0x1  }
0x1b8: {  	v2 =	vand.u32 $0x7FFFFFFF, v2  }
0x1b9: {  	s31 =	simm.s32 $0x10;
	s12 =	simm.s32 $0x80;
	v2 =	vadd.f32 v2, v3  }
0x1ba: {  	s14 =	sand.u32 $0x70, s31;
	s13 =	simm.s32 $0x20;
	s15 =	sand.u32 $0x1C00, s12  }
.LBB2_36:
0x1bb: {  	p1 =	sne.s32 s13, $0x3D0;
	s14 =	sor.u32 s14, s15;
	[tilespmem:$0x2000] =	vst v2  }
0x1bc: {  	v3 =	vld [tilespmem:s14+$0x80];
	_ =	sdelay $0x4  }
.Ltmp19:
0x1bd: {  	v3 =	vadd.f32 $-1.000000000e+00, v3;
	(pc) =	sbr.rel @p1 .LBB2_36-.Ltmp19, $4  }
0x1be: {  	_ = 	snop  }
0x1bf: {  	v3 =	vand.u32 $0x7FFFFFFF, v3  }
0x1c0: {  	s12 =	sadd.s32 $0x80, s12;
	v2 =	vadd.f32 v3, v2  }
0x1c1: {  	s14 =	sand.u32 $0x70, s13;
	s15 =	sand.u32 $0x1C00, s12;
	s13 =	sadd.s32 $0x10, s13  }
0x1c2: {  	s12 =	sor.u32 s14, s15;
	[tilespmem:$0x2000] =	vst v2;
	v3 =	vld.msk [tilespmem:$0x1CE0], $0xff  }
0x1c3: {  	v4 =	vld [tilespmem:s12+$0x80];
	_ =	sdelay $0x3  }
0x1c4: {  	v3 =	vadd.f32 $-1.000000000e+00, v3  }
0x1c5: {  	v4 =	vadd.f32 $-1.000000000e+00, v4  }
0x1c6: {  	v3 =	vand.u32 $0x7FFFFFFF, v3  }
0x1c7: {  	v4 =	vand.u32 $0x7FFFFFFF, v4;
	v3 =	vperm.xlane v3, v1  }
0x1c8: {  	v2 =	vadd.f32 v4, v2  }
0x1c9: {  	v3 =	vsel vm0, $0x0, v3  }
0x1ca: {  	s30 =	simm.s32 $0x0;
	v3 =	vadd.f32 v3, v2  }
0x1cb: {  	s13 =	sand.u32 $0x70, s30;
	s12 =	sand.u32 $0x1C00, s30;
	[tilespmem:$0x2000] =	vst v2  }
0x1cc: {  	s12 =	sor.u32 s13, s12;
	[tilespmem:$0x2000] =	vst v3  }
0x1cd: {  	v2 =	vld [tilespmem:s12+$0x100];
	_ =	sdelay $0x4  }
0x1ce: {  	v2 =	vadd.f32 $-1.000000000e+00, v2;
	_ =	sdelay $0x1  }
0x1cf: {  	v2 =	vand.u32 $0x7FFFFFFF, v2  }
0x1d0: {  	s31 =	simm.s32 $0x10;
	s12 =	simm.s32 $0x80;
	v2 =	vadd.f32 v2, v3  }
0x1d1: {  	s14 =	sand.u32 $0x70, s31;
	s13 =	simm.s32 $0x20;
	s15 =	sand.u32 $0x1C00, s12  }
.LBB2_38:
0x1d2: {  	p1 =	sne.s32 s13, $0x3D0;
	s14 =	sor.u32 s14, s15;
	[tilespmem:$0x2000] =	vst v2  }
0x1d3: {  	v3 =	vld [tilespmem:s14+$0x100];
	_ =	sdelay $0x4  }
.Ltmp20:
0x1d4: {  	v3 =	vadd.f32 $-1.000000000e+00, v3;
	(pc) =	sbr.rel @p1 .LBB2_38-.Ltmp20, $4  }
0x1d5: {  	_ = 	snop  }
0x1d6: {  	v3 =	vand.u32 $0x7FFFFFFF, v3  }
0x1d7: {  	s12 =	sadd.s32 $0x80, s12;
	v2 =	vadd.f32 v3, v2  }
0x1d8: {  	s14 =	sand.u32 $0x70, s13;
	s15 =	sand.u32 $0x1C00, s12;
	s13 =	sadd.s32 $0x10, s13  }
0x1d9: {  	s12 =	sor.u32 s14, s15;
	[tilespmem:$0x2000] =	vst v2;
	v3 =	vld.msk [tilespmem:$0x1D60], $0xff  }
0x1da: {  	v4 =	vld [tilespmem:s12+$0x100];
	_ =	sdelay $0x3  }
0x1db: {  	v3 =	vadd.f32 $-1.000000000e+00, v3  }
0x1dc: {  	v4 =	vadd.f32 $-1.000000000e+00, v4  }
0x1dd: {  	v3 =	vand.u32 $0x7FFFFFFF, v3  }
0x1de: {  	v4 =	vand.u32 $0x7FFFFFFF, v4;
	v3 =	vperm.xlane v3, v1  }
0x1df: {  	v2 =	vadd.f32 v4, v2  }
0x1e0: {  	v3 =	vsel vm0, $0x0, v3  }
0x1e1: {  	s30 =	simm.s32 $0x0;
	v3 =	vadd.f32 v3, v2  }
0x1e2: {  	s13 =	sand.u32 $0x70, s30;
	s12 =	sand.u32 $0x1C00, s30;
	[tilespmem:$0x2000] =	vst v2  }
0x1e3: {  	s12 =	sor.u32 s13, s12;
	[tilespmem:$0x2000] =	vst v3  }
0x1e4: {  	v2 =	vld [tilespmem:s12+$0x180];
	_ =	sdelay $0x4  }
0x1e5: {  	v2 =	vadd.f32 $-1.000000000e+00, v2;
	_ =	sdelay $0x1  }
0x1e6: {  	v2 =	vand.u32 $0x7FFFFFFF, v2  }
0x1e7: {  	s31 =	simm.s32 $0x10;
	s12 =	simm.s32 $0x80;
	v2 =	vadd.f32 v2, v3  }
0x1e8: {  	s14 =	sand.u32 $0x70, s31;
	s13 =	simm.s32 $0x20;
	s15 =	sand.u32 $0x1C00, s12  }
.LBB2_40:
0x1e9: {  	p1 =	sne.s32 s13, $0x3D0;
	s14 =	sor.u32 s14, s15;
	[tilespmem:$0x2000] =	vst v2  }
0x1ea: {  	v3 =	vld [tilespmem:s14+$0x180];
	_ =	sdelay $0x4  }
.Ltmp21:
0x1eb: {  	v3 =	vadd.f32 $-1.000000000e+00, v3;
	(pc) =	sbr.rel @p1 .LBB2_40-.Ltmp21, $4  }
0x1ec: {  	_ = 	snop  }
0x1ed: {  	v3 =	vand.u32 $0x7FFFFFFF, v3  }
0x1ee: {  	s12 =	sadd.s32 $0x80, s12;
	v2 =	vadd.f32 v3, v2  }
0x1ef: {  	s14 =	sand.u32 $0x70, s13;
	s15 =	sand.u32 $0x1C00, s12;
	s13 =	sadd.s32 $0x10, s13  }
0x1f0: {  	s12 =	sor.u32 s14, s15;
	[tilespmem:$0x2000] =	vst v2;
	v3 =	vld.msk [tilespmem:$0x1DE0], $0xff  }
0x1f1: {  	v4 =	vld [tilespmem:s12+$0x180];
	_ =	sdelay $0x3  }
0x1f2: {  	v3 =	vadd.f32 $-1.000000000e+00, v3  }
0x1f3: {  	v4 =	vadd.f32 $-1.000000000e+00, v4  }
0x1f4: {  	v3 =	vand.u32 $0x7FFFFFFF, v3  }
0x1f5: {  	v4 =	vand.u32 $0x7FFFFFFF, v4;
	v3 =	vperm.xlane v3, v1  }
0x1f6: {  	v2 =	vadd.f32 v4, v2  }
0x1f7: {  	v3 =	vsel vm0, $0x0, v3  }
0x1f8: {  	s30 =	simm.s32 $0x0;
	v3 =	vadd.f32 v3, v2  }
0x1f9: {  	s13 =	sand.u32 $0x70, s30;
	s12 =	sand.u32 $0x1C00, s30;
	[tilespmem:$0x2000] =	vst v2  }
0x1fa: {  	s12 =	sor.u32 s13, s12;
	[tilespmem:$0x2000] =	vst v3  }
0x1fb: {  	v2 =	vld [tilespmem:s12+$0x200];
	_ =	sdelay $0x4  }
0x1fc: {  	v2 =	vadd.f32 $-1.000000000e+00, v2;
	_ =	sdelay $0x1  }
0x1fd: {  	v2 =	vand.u32 $0x7FFFFFFF, v2  }
0x1fe: {  	s31 =	simm.s32 $0x10;
	s12 =	simm.s32 $0x80;
	v2 =	vadd.f32 v2, v3  }
0x1ff: {  	s14 =	sand.u32 $0x70, s31;
	s13 =	simm.s32 $0x20;
	s15 =	sand.u32 $0x1C00, s12  }
.LBB2_42:
0x200: {  	p1 =	sne.s32 s13, $0x3D0;
	s14 =	sor.u32 s14, s15;
	[tilespmem:$0x2000] =	vst v2  }
0x201: {  	v3 =	vld [tilespmem:s14+$0x200];
	_ =	sdelay $0x4  }
.Ltmp22:
0x202: {  	v3 =	vadd.f32 $-1.000000000e+00, v3;
	(pc) =	sbr.rel @p1 .LBB2_42-.Ltmp22, $4  }
0x203: {  	_ = 	snop  }
0x204: {  	v3 =	vand.u32 $0x7FFFFFFF, v3  }
0x205: {  	s12 =	sadd.s32 $0x80, s12;
	v2 =	vadd.f32 v3, v2  }
0x206: {  	s14 =	sand.u32 $0x70, s13;
	s15 =	sand.u32 $0x1C00, s12;
	s13 =	sadd.s32 $0x10, s13  }
0x207: {  	s12 =	sor.u32 s14, s15;
	[tilespmem:$0x2000] =	vst v2;
	v3 =	vld.msk [tilespmem:$0x1E60], $0xff  }
0x208: {  	v4 =	vld [tilespmem:s12+$0x200];
	_ =	sdelay $0x3  }
0x209: {  	v3 =	vadd.f32 $-1.000000000e+00, v3  }
0x20a: {  	v4 =	vadd.f32 $-1.000000000e+00, v4  }
0x20b: {  	v3 =	vand.u32 $0x7FFFFFFF, v3  }
0x20c: {  	v4 =	vand.u32 $0x7FFFFFFF, v4;
	v3 =	vperm.xlane v3, v1  }
0x20d: {  	v2 =	vadd.f32 v4, v2  }
0x20e: {  	v3 =	vsel vm0, $0x0, v3  }
0x20f: {  	s30 =	simm.s32 $0x0;
	v3 =	vadd.f32 v3, v2  }
0x210: {  	s13 =	sand.u32 $0x70, s30;
	s12 =	sand.u32 $0x1C00, s30;
	[tilespmem:$0x2000] =	vst v2  }
0x211: {  	s12 =	sor.u32 s13, s12;
	[tilespmem:$0x2000] =	vst v3  }
0x212: {  	v2 =	vld [tilespmem:s12+$0x280];
	_ =	sdelay $0x4  }
0x213: {  	v2 =	vadd.f32 $-1.000000000e+00, v2;
	_ =	sdelay $0x1  }
0x214: {  	v2 =	vand.u32 $0x7FFFFFFF, v2  }
0x215: {  	s31 =	simm.s32 $0x10;
	s12 =	simm.s32 $0x80;
	v2 =	vadd.f32 v2, v3  }
0x216: {  	s14 =	sand.u32 $0x70, s31;
	s13 =	simm.s32 $0x20;
	s15 =	sand.u32 $0x1C00, s12  }
.LBB2_44:
0x217: {  	p1 =	sne.s32 s13, $0x3D0;
	s14 =	sor.u32 s14, s15;
	[tilespmem:$0x2000] =	vst v2  }
0x218: {  	v3 =	vld [tilespmem:s14+$0x280];
	_ =	sdelay $0x4  }
.Ltmp23:
0x219: {  	v3 =	vadd.f32 $-1.000000000e+00, v3;
	(pc) =	sbr.rel @p1 .LBB2_44-.Ltmp23, $4  }
0x21a: {  	_ = 	snop  }
0x21b: {  	v3 =	vand.u32 $0x7FFFFFFF, v3  }
0x21c: {  	s12 =	sadd.s32 $0x80, s12;
	v2 =	vadd.f32 v3, v2  }
0x21d: {  	s14 =	sand.u32 $0x70, s13;
	s15 =	sand.u32 $0x1C00, s12;
	s13 =	sadd.s32 $0x10, s13  }
0x21e: {  	s12 =	sor.u32 s14, s15;
	[tilespmem:$0x2000] =	vst v2;
	v3 =	vld.msk [tilespmem:$0x1EE0], $0xff  }
0x21f: {  	v4 =	vld [tilespmem:s12+$0x280];
	_ =	sdelay $0x3  }
0x220: {  	v3 =	vadd.f32 $-1.000000000e+00, v3  }
0x221: {  	v4 =	vadd.f32 $-1.000000000e+00, v4  }
0x222: {  	v3 =	vand.u32 $0x7FFFFFFF, v3  }
0x223: {  	v4 =	vand.u32 $0x7FFFFFFF, v4;
	v3 =	vperm.xlane v3, v1  }
0x224: {  	v2 =	vadd.f32 v4, v2  }
0x225: {  	v3 =	vsel vm0, $0x0, v3  }
0x226: {  	s30 =	simm.s32 $0x0;
	v3 =	vadd.f32 v3, v2  }
0x227: {  	s13 =	sand.u32 $0x70, s30;
	s12 =	sand.u32 $0x1C00, s30;
	[tilespmem:$0x2000] =	vst v2  }
0x228: {  	s12 =	sor.u32 s13, s12;
	[tilespmem:$0x2000] =	vst v3  }
0x229: {  	v2 =	vld [tilespmem:s12+$0x300];
	_ =	sdelay $0x4  }
0x22a: {  	v2 =	vadd.f32 $-1.000000000e+00, v2;
	_ =	sdelay $0x1  }
0x22b: {  	v2 =	vand.u32 $0x7FFFFFFF, v2  }
0x22c: {  	s31 =	simm.s32 $0x10;
	s12 =	simm.s32 $0x80;
	v2 =	vadd.f32 v2, v3  }
0x22d: {  	s14 =	sand.u32 $0x70, s31;
	s13 =	simm.s32 $0x20;
	s15 =	sand.u32 $0x1C00, s12  }
.LBB2_46:
0x22e: {  	p1 =	sne.s32 s13, $0x3D0;
	s14 =	sor.u32 s14, s15;
	[tilespmem:$0x2000] =	vst v2  }
0x22f: {  	v3 =	vld [tilespmem:s14+$0x300];
	_ =	sdelay $0x4  }
.Ltmp24:
0x230: {  	v3 =	vadd.f32 $-1.000000000e+00, v3;
	(pc) =	sbr.rel @p1 .LBB2_46-.Ltmp24, $4  }
0x231: {  	_ = 	snop  }
0x232: {  	v3 =	vand.u32 $0x7FFFFFFF, v3  }
0x233: {  	s12 =	sadd.s32 $0x80, s12;
	v2 =	vadd.f32 v3, v2  }
0x234: {  	s14 =	sand.u32 $0x70, s13;
	s15 =	sand.u32 $0x1C00, s12;
	s13 =	sadd.s32 $0x10, s13  }
0x235: {  	s12 =	sor.u32 s14, s15;
	[tilespmem:$0x2000] =	vst v2;
	v3 =	vld.msk [tilespmem:$0x1F60], $0xff  }
0x236: {  	v4 =	vld [tilespmem:s12+$0x300];
	_ =	sdelay $0x3  }
0x237: {  	v3 =	vadd.f32 $-1.000000000e+00, v3  }
0x238: {  	v4 =	vadd.f32 $-1.000000000e+00, v4  }
0x239: {  	v3 =	vand.u32 $0x7FFFFFFF, v3  }
0x23a: {  	v4 =	vand.u32 $0x7FFFFFFF, v4;
	v3 =	vperm.xlane v3, v1  }
0x23b: {  	v2 =	vadd.f32 v4, v2  }
0x23c: {  	v3 =	vsel vm0, $0x0, v3  }
0x23d: {  	s31 =	simm.s32 $0x0;
	v3 =	vadd.f32 v3, v2  }
0x23e: {  	s12 =	sor.u32 s31, s31;
	[tilespmem:$0x2000] =	vst v2  }
0x23f: {  	s12 =	sor.u32 $0x380, s12;
	[tilespmem:$0x2000] =	vst v3  }
0x240: {  	v2 =	vld [tilespmem:s12+$0x0];
	_ =	sdelay $0x4  }
0x241: {  	v2 =	vadd.f32 $-1.000000000e+00, v2;
	_ =	sdelay $0x1  }
0x242: {  	v2 =	vand.u32 $0x7FFFFFFF, v2  }
0x243: {  	s13 =	simm.s32 $0x10;
	s12 =	simm.s32 $0x80;
	v2 =	vadd.f32 v2, v3  }
0x244: {  	s14 =	sor.u32 s12, s13;
	s13 =	simm.s32 $0x20  }
.LBB2_48:
0x245: {  	p1 =	sne.s32 s13, $0x3D0;
	s14 =	sor.u32 $0x380, s14;
	[tilespmem:$0x2000] =	vst v2  }
0x246: {  	v3 =	vld [tilespmem:s14+$0x0];
	_ =	sdelay $0x4  }
.Ltmp25:
0x247: {  	v3 =	vadd.f32 $-1.000000000e+00, v3;
	(pc) =	sbr.rel @p1 .LBB2_48-.Ltmp25, $4  }
0x248: {  	_ = 	snop  }
0x249: {  	v3 =	vand.u32 $0x7FFFFFFF, v3  }
0x24a: {  	s12 =	sadd.s32 $0x80, s12;
	v2 =	vadd.f32 v3, v2  }
0x24b: {  	s14 =	sor.u32 s12, s13;
	s13 =	sadd.s32 $0x10, s13  }
0x24c: {  	s12 =	sor.u32 $0x380, s14;
	[tilespmem:$0x2000] =	vst v2;
	v3 =	vld.msk [tilespmem:$0x1FE0], $0xff  }
0x24d: {  	v4 =	vld [tilespmem:s12+$0x0];
	_ =	sdelay $0x3  }
0x24e: {  	v3 =	vadd.f32 $-1.000000000e+00, v3  }
0x24f: {  	v4 =	vadd.f32 $-1.000000000e+00, v4  }
0x250: {  	v3 =	vand.u32 $0x7FFFFFFF, v3  }
0x251: {  	v4 =	vand.u32 $0x7FFFFFFF, v4;
	v3 =	vperm.xlane v3, v1  }
.Ltmp26:
0x252: {  	v2 =	vadd.f32 v4, v2;
	(pc) =	sbr.rel @p0 .LBB2_67-.Ltmp26, $4  }
0x253: {  	v3 =	vsel vm0, $0x0, v3  }
0x254: {  	v3 =	vadd.f32 v3, v2  }
0x255: {  	[tilespmem:$0x2000] =	vst v2  }
0x256: {  	[tilespmem:$0x2000] =	vst v3  }
0x257: {  	s12 =	simm.s32 $0x0  }
0x258: {  	[tilespmem:s12], [sflag:$0x1] =	stream.linear.gather [hbm4b:s6+s12], $0x2000, $0x38;
	[tilespmem:$0x2080] =	vst v63  }
0x259: {  	_ =	swait.ge [sflag:s9], $0x2000  }
0x25a: {  	s13 =	sand.u32 $0x70, s12;
	s12 =	sand.u32 $0x1C00, s12;
	[sflag:s9] =	ssyncset.done $0x0  }
0x25b: {  	s12 =	sor.u32 s13, s12;
	[sflag:s9] =	ssyncadd.s32 $0xFFFFE000  }
0x25c: {  	v2 =	vld [tilespmem:s12+$0x0];
	_ =	sdelay $0x2  }
0x25d: {  	v3 =	vld [tilespmem:$0x2000];
	_ =	sdelay $0x1  }
0x25e: {  	v2 =	vadd.f32 $-1.000000000e+00, v2;
	_ =	sdelay $0x1  }
0x25f: {  	v2 =	vand.u32 $0x7FFFFFFF, v2  }
0x260: {  	s31 =	simm.s32 $0x10;
	s12 =	simm.s32 $0x80;
	v2 =	vadd.f32 v2, v3  }
0x261: {  	s14 =	sand.u32 $0x70, s31;
	s13 =	simm.s32 $0x20;
	s15 =	sand.u32 $0x1C00, s12  }
.LBB2_51:
0x262: {  	p1 =	sne.s32 s13, $0x3D0;
	s14 =	sor.u32 s14, s15;
	[tilespmem:$0x2000] =	vst v2  }
0x263: {  	v3 =	vld [tilespmem:s14+$0x0];
	_ =	sdelay $0x4  }
.Ltmp27:
0x264: {  	v3 =	vadd.f32 $-1.000000000e+00, v3;
	(pc) =	sbr.rel @p1 .LBB2_51-.Ltmp27, $4  }
0x265: {  	_ = 	snop  }
0x266: {  	v3 =	vand.u32 $0x7FFFFFFF, v3  }
0x267: {  	s12 =	sadd.s32 $0x80, s12;
	v2 =	vadd.f32 v3, v2  }
0x268: {  	s14 =	sand.u32 $0x70, s13;
	s15 =	sand.u32 $0x1C00, s12;
	s13 =	sadd.s32 $0x10, s13  }
0x269: {  	s12 =	sor.u32 s14, s15;
	[tilespmem:$0x2000] =	vst v2;
	v3 =	vld.msk [tilespmem:$0x1C60], $0xff  }
0x26a: {  	v4 =	vld [tilespmem:s12+$0x0];
	_ =	sdelay $0x3  }
0x26b: {  	v3 =	vadd.f32 $-1.000000000e+00, v3  }
0x26c: {  	v4 =	vadd.f32 $-1.000000000e+00, v4  }
0x26d: {  	v3 =	vand.u32 $0x7FFFFFFF, v3  }
0x26e: {  	v4 =	vand.u32 $0x7FFFFFFF, v4;
	v3 =	vperm.xlane v3, v1  }
0x26f: {  	v2 =	vadd.f32 v4, v2  }
0x270: {  	v3 =	vsel vm0, $0x0, v3  }
0x271: {  	s30 =	simm.s32 $0x0;
	v3 =	vadd.f32 v3, v2  }
0x272: {  	s13 =	sand.u32 $0x70, s30;
	s12 =	sand.u32 $0x1C00, s30;
	[tilespmem:$0x2000] =	vst v2  }
0x273: {  	s12 =	sor.u32 s13, s12;
	[tilespmem:$0x2000] =	vst v3  }
0x274: {  	v2 =	vld [tilespmem:s12+$0x80];
	_ =	sdelay $0x4  }
0x275: {  	v2 =	vadd.f32 $-1.000000000e+00, v2;
	_ =	sdelay $0x1  }
0x276: {  	v2 =	vand.u32 $0x7FFFFFFF, v2  }
0x277: {  	s31 =	simm.s32 $0x10;
	s12 =	simm.s32 $0x80;
	v2 =	vadd.f32 v2, v3  }
0x278: {  	s14 =	sand.u32 $0x70, s31;
	s13 =	simm.s32 $0x20;
	s15 =	sand.u32 $0x1C00, s12  }
.LBB2_53:
0x279: {  	p1 =	sne.s32 s13, $0x3D0;
	s14 =	sor.u32 s14, s15;
	[tilespmem:$0x2000] =	vst v2  }
0x27a: {  	v3 =	vld [tilespmem:s14+$0x80];
	_ =	sdelay $0x4  }
.Ltmp28:
0x27b: {  	v3 =	vadd.f32 $-1.000000000e+00, v3;
	(pc) =	sbr.rel @p1 .LBB2_53-.Ltmp28, $4  }
0x27c: {  	_ = 	snop  }
0x27d: {  	v3 =	vand.u32 $0x7FFFFFFF, v3  }
0x27e: {  	s12 =	sadd.s32 $0x80, s12;
	v2 =	vadd.f32 v3, v2  }
0x27f: {  	s14 =	sand.u32 $0x70, s13;
	s15 =	sand.u32 $0x1C00, s12;
	s13 =	sadd.s32 $0x10, s13  }
0x280: {  	s12 =	sor.u32 s14, s15;
	[tilespmem:$0x2000] =	vst v2;
	v3 =	vld.msk [tilespmem:$0x1CE0], $0xff  }
0x281: {  	v4 =	vld [tilespmem:s12+$0x80];
	_ =	sdelay $0x3  }
0x282: {  	v3 =	vadd.f32 $-1.000000000e+00, v3  }
0x283: {  	v4 =	vadd.f32 $-1.000000000e+00, v4  }
0x284: {  	v3 =	vand.u32 $0x7FFFFFFF, v3  }
0x285: {  	v4 =	vand.u32 $0x7FFFFFFF, v4;
	v3 =	vperm.xlane v3, v1  }
0x286: {  	v2 =	vadd.f32 v4, v2  }
0x287: {  	v3 =	vsel vm0, $0x0, v3  }
0x288: {  	s30 =	simm.s32 $0x0;
	v3 =	vadd.f32 v3, v2  }
0x289: {  	s13 =	sand.u32 $0x70, s30;
	s12 =	sand.u32 $0x1C00, s30;
	[tilespmem:$0x2000] =	vst v2  }
0x28a: {  	s12 =	sor.u32 s13, s12;
	[tilespmem:$0x2000] =	vst v3  }
0x28b: {  	v2 =	vld [tilespmem:s12+$0x100];
	_ =	sdelay $0x4  }
0x28c: {  	v2 =	vadd.f32 $-1.000000000e+00, v2;
	_ =	sdelay $0x1  }
0x28d: {  	v2 =	vand.u32 $0x7FFFFFFF, v2  }
0x28e: {  	s31 =	simm.s32 $0x10;
	s12 =	simm.s32 $0x80;
	v2 =	vadd.f32 v2, v3  }
0x28f: {  	s14 =	sand.u32 $0x70, s31;
	s13 =	simm.s32 $0x20;
	s15 =	sand.u32 $0x1C00, s12  }
.LBB2_55:
0x290: {  	p1 =	sne.s32 s13, $0x3D0;
	s14 =	sor.u32 s14, s15;
	[tilespmem:$0x2000] =	vst v2  }
0x291: {  	v3 =	vld [tilespmem:s14+$0x100];
	_ =	sdelay $0x4  }
.Ltmp29:
0x292: {  	v3 =	vadd.f32 $-1.000000000e+00, v3;
	(pc) =	sbr.rel @p1 .LBB2_55-.Ltmp29, $4  }
0x293: {  	_ = 	snop  }
0x294: {  	v3 =	vand.u32 $0x7FFFFFFF, v3  }
0x295: {  	s12 =	sadd.s32 $0x80, s12;
	v2 =	vadd.f32 v3, v2  }
0x296: {  	s14 =	sand.u32 $0x70, s13;
	s15 =	sand.u32 $0x1C00, s12;
	s13 =	sadd.s32 $0x10, s13  }
0x297: {  	s12 =	sor.u32 s14, s15;
	[tilespmem:$0x2000] =	vst v2;
	v3 =	vld.msk [tilespmem:$0x1D60], $0xff  }
0x298: {  	v4 =	vld [tilespmem:s12+$0x100];
	_ =	sdelay $0x3  }
0x299: {  	v3 =	vadd.f32 $-1.000000000e+00, v3  }
0x29a: {  	v4 =	vadd.f32 $-1.000000000e+00, v4  }
0x29b: {  	v3 =	vand.u32 $0x7FFFFFFF, v3  }
0x29c: {  	v4 =	vand.u32 $0x7FFFFFFF, v4;
	v3 =	vperm.xlane v3, v1  }
0x29d: {  	v2 =	vadd.f32 v4, v2  }
0x29e: {  	v3 =	vsel vm0, $0x0, v3  }
0x29f: {  	s30 =	simm.s32 $0x0;
	v3 =	vadd.f32 v3, v2  }
0x2a0: {  	s13 =	sand.u32 $0x70, s30;
	s12 =	sand.u32 $0x1C00, s30;
	[tilespmem:$0x2000] =	vst v2  }
0x2a1: {  	s12 =	sor.u32 s13, s12;
	[tilespmem:$0x2000] =	vst v3  }
0x2a2: {  	v2 =	vld [tilespmem:s12+$0x180];
	_ =	sdelay $0x4  }
0x2a3: {  	v2 =	vadd.f32 $-1.000000000e+00, v2;
	_ =	sdelay $0x1  }
0x2a4: {  	v2 =	vand.u32 $0x7FFFFFFF, v2  }
0x2a5: {  	s31 =	simm.s32 $0x10;
	s12 =	simm.s32 $0x80;
	v2 =	vadd.f32 v2, v3  }
0x2a6: {  	s14 =	sand.u32 $0x70, s31;
	s13 =	simm.s32 $0x20;
	s15 =	sand.u32 $0x1C00, s12  }
.LBB2_57:
0x2a7: {  	p1 =	sne.s32 s13, $0x3D0;
	s14 =	sor.u32 s14, s15;
	[tilespmem:$0x2000] =	vst v2  }
0x2a8: {  	v3 =	vld [tilespmem:s14+$0x180];
	_ =	sdelay $0x4  }
.Ltmp30:
0x2a9: {  	v3 =	vadd.f32 $-1.000000000e+00, v3;
	(pc) =	sbr.rel @p1 .LBB2_57-.Ltmp30, $4  }
0x2aa: {  	_ = 	snop  }
0x2ab: {  	v3 =	vand.u32 $0x7FFFFFFF, v3  }
0x2ac: {  	s12 =	sadd.s32 $0x80, s12;
	v2 =	vadd.f32 v3, v2  }
0x2ad: {  	s14 =	sand.u32 $0x70, s13;
	s15 =	sand.u32 $0x1C00, s12;
	s13 =	sadd.s32 $0x10, s13  }
0x2ae: {  	s12 =	sor.u32 s14, s15;
	[tilespmem:$0x2000] =	vst v2;
	v3 =	vld.msk [tilespmem:$0x1DE0], $0xff  }
0x2af: {  	v4 =	vld [tilespmem:s12+$0x180];
	_ =	sdelay $0x3  }
0x2b0: {  	v3 =	vadd.f32 $-1.000000000e+00, v3  }
0x2b1: {  	v4 =	vadd.f32 $-1.000000000e+00, v4  }
0x2b2: {  	v3 =	vand.u32 $0x7FFFFFFF, v3  }
0x2b3: {  	v4 =	vand.u32 $0x7FFFFFFF, v4;
	v3 =	vperm.xlane v3, v1  }
0x2b4: {  	v2 =	vadd.f32 v4, v2  }
0x2b5: {  	v3 =	vsel vm0, $0x0, v3  }
0x2b6: {  	s30 =	simm.s32 $0x0;
	v3 =	vadd.f32 v3, v2  }
0x2b7: {  	s13 =	sand.u32 $0x70, s30;
	s12 =	sand.u32 $0x1C00, s30;
	[tilespmem:$0x2000] =	vst v2  }
0x2b8: {  	s12 =	sor.u32 s13, s12;
	[tilespmem:$0x2000] =	vst v3  }
0x2b9: {  	v2 =	vld [tilespmem:s12+$0x200];
	_ =	sdelay $0x4  }
0x2ba: {  	v2 =	vadd.f32 $-1.000000000e+00, v2;
	_ =	sdelay $0x1  }
0x2bb: {  	v2 =	vand.u32 $0x7FFFFFFF, v2  }
0x2bc: {  	s31 =	simm.s32 $0x10;
	s12 =	simm.s32 $0x80;
	v2 =	vadd.f32 v2, v3  }
0x2bd: {  	s14 =	sand.u32 $0x70, s31;
	s13 =	simm.s32 $0x20;
	s15 =	sand.u32 $0x1C00, s12  }
.LBB2_59:
0x2be: {  	p1 =	sne.s32 s13, $0x3D0;
	s14 =	sor.u32 s14, s15;
	[tilespmem:$0x2000] =	vst v2  }
0x2bf: {  	v3 =	vld [tilespmem:s14+$0x200];
	_ =	sdelay $0x4  }
.Ltmp31:
0x2c0: {  	v3 =	vadd.f32 $-1.000000000e+00, v3;
	(pc) =	sbr.rel @p1 .LBB2_59-.Ltmp31, $4  }
0x2c1: {  	_ = 	snop  }
0x2c2: {  	v3 =	vand.u32 $0x7FFFFFFF, v3  }
0x2c3: {  	s12 =	sadd.s32 $0x80, s12;
	v2 =	vadd.f32 v3, v2  }
0x2c4: {  	s14 =	sand.u32 $0x70, s13;
	s15 =	sand.u32 $0x1C00, s12;
	s13 =	sadd.s32 $0x10, s13  }
0x2c5: {  	s12 =	sor.u32 s14, s15;
	[tilespmem:$0x2000] =	vst v2;
	v3 =	vld.msk [tilespmem:$0x1E60], $0xff  }
0x2c6: {  	v4 =	vld [tilespmem:s12+$0x200];
	_ =	sdelay $0x3  }
0x2c7: {  	v3 =	vadd.f32 $-1.000000000e+00, v3  }
0x2c8: {  	v4 =	vadd.f32 $-1.000000000e+00, v4  }
0x2c9: {  	v3 =	vand.u32 $0x7FFFFFFF, v3  }
0x2ca: {  	v4 =	vand.u32 $0x7FFFFFFF, v4;
	v3 =	vperm.xlane v3, v1  }
0x2cb: {  	v2 =	vadd.f32 v4, v2  }
0x2cc: {  	v3 =	vsel vm0, $0x0, v3  }
0x2cd: {  	s30 =	simm.s32 $0x0;
	v3 =	vadd.f32 v3, v2  }
0x2ce: {  	s13 =	sand.u32 $0x70, s30;
	s12 =	sand.u32 $0x1C00, s30;
	[tilespmem:$0x2000] =	vst v2  }
0x2cf: {  	s12 =	sor.u32 s13, s12;
	[tilespmem:$0x2000] =	vst v3  }
0x2d0: {  	v2 =	vld [tilespmem:s12+$0x280];
	_ =	sdelay $0x4  }
0x2d1: {  	v2 =	vadd.f32 $-1.000000000e+00, v2;
	_ =	sdelay $0x1  }
0x2d2: {  	v2 =	vand.u32 $0x7FFFFFFF, v2  }
0x2d3: {  	s31 =	simm.s32 $0x10;
	s12 =	simm.s32 $0x80;
	v2 =	vadd.f32 v2, v3  }
0x2d4: {  	s14 =	sand.u32 $0x70, s31;
	s13 =	simm.s32 $0x20;
	s15 =	sand.u32 $0x1C00, s12  }
.LBB2_61:
0x2d5: {  	p1 =	sne.s32 s13, $0x3D0;
	s14 =	sor.u32 s14, s15;
	[tilespmem:$0x2000] =	vst v2  }
0x2d6: {  	v3 =	vld [tilespmem:s14+$0x280];
	_ =	sdelay $0x4  }
.Ltmp32:
0x2d7: {  	v3 =	vadd.f32 $-1.000000000e+00, v3;
	(pc) =	sbr.rel @p1 .LBB2_61-.Ltmp32, $4  }
0x2d8: {  	_ = 	snop  }
0x2d9: {  	v3 =	vand.u32 $0x7FFFFFFF, v3  }
0x2da: {  	s12 =	sadd.s32 $0x80, s12;
	v2 =	vadd.f32 v3, v2  }
0x2db: {  	s14 =	sand.u32 $0x70, s13;
	s15 =	sand.u32 $0x1C00, s12;
	s13 =	sadd.s32 $0x10, s13  }
0x2dc: {  	s12 =	sor.u32 s14, s15;
	[tilespmem:$0x2000] =	vst v2;
	v3 =	vld.msk [tilespmem:$0x1EE0], $0xff  }
0x2dd: {  	v4 =	vld [tilespmem:s12+$0x280];
	_ =	sdelay $0x3  }
0x2de: {  	v3 =	vadd.f32 $-1.000000000e+00, v3  }
0x2df: {  	v4 =	vadd.f32 $-1.000000000e+00, v4  }
0x2e0: {  	v3 =	vand.u32 $0x7FFFFFFF, v3  }
0x2e1: {  	v4 =	vand.u32 $0x7FFFFFFF, v4;
	v3 =	vperm.xlane v3, v1  }
0x2e2: {  	v2 =	vadd.f32 v4, v2  }
0x2e3: {  	v3 =	vsel vm0, $0x0, v3  }
0x2e4: {  	s30 =	simm.s32 $0x0;
	v3 =	vadd.f32 v3, v2  }
0x2e5: {  	s13 =	sand.u32 $0x70, s30;
	s12 =	sand.u32 $0x1C00, s30;
	[tilespmem:$0x2000] =	vst v2  }
0x2e6: {  	s12 =	sor.u32 s13, s12;
	[tilespmem:$0x2000] =	vst v3  }
0x2e7: {  	v2 =	vld [tilespmem:s12+$0x300];
	_ =	sdelay $0x4  }
0x2e8: {  	v2 =	vadd.f32 $-1.000000000e+00, v2;
	_ =	sdelay $0x1  }
0x2e9: {  	v2 =	vand.u32 $0x7FFFFFFF, v2  }
0x2ea: {  	s31 =	simm.s32 $0x10;
	s12 =	simm.s32 $0x80;
	v2 =	vadd.f32 v2, v3  }
0x2eb: {  	s14 =	sand.u32 $0x70, s31;
	s13 =	simm.s32 $0x20;
	s15 =	sand.u32 $0x1C00, s12  }
.LBB2_63:
0x2ec: {  	p1 =	sne.s32 s13, $0x3D0;
	s14 =	sor.u32 s14, s15;
	[tilespmem:$0x2000] =	vst v2  }
0x2ed: {  	v3 =	vld [tilespmem:s14+$0x300];
	_ =	sdelay $0x4  }
.Ltmp33:
0x2ee: {  	v3 =	vadd.f32 $-1.000000000e+00, v3;
	(pc) =	sbr.rel @p1 .LBB2_63-.Ltmp33, $4  }
0x2ef: {  	_ = 	snop  }
0x2f0: {  	v3 =	vand.u32 $0x7FFFFFFF, v3  }
0x2f1: {  	s12 =	sadd.s32 $0x80, s12;
	v2 =	vadd.f32 v3, v2  }
0x2f2: {  	s14 =	sand.u32 $0x70, s13;
	s15 =	sand.u32 $0x1C00, s12;
	s13 =	sadd.s32 $0x10, s13  }
0x2f3: {  	s12 =	sor.u32 s14, s15;
	[tilespmem:$0x2000] =	vst v2;
	v3 =	vld.msk [tilespmem:$0x1F60], $0xff  }
0x2f4: {  	v4 =	vld [tilespmem:s12+$0x300];
	_ =	sdelay $0x3  }
0x2f5: {  	v3 =	vadd.f32 $-1.000000000e+00, v3  }
0x2f6: {  	v4 =	vadd.f32 $-1.000000000e+00, v4  }
0x2f7: {  	v3 =	vand.u32 $0x7FFFFFFF, v3  }
0x2f8: {  	v4 =	vand.u32 $0x7FFFFFFF, v4;
	v3 =	vperm.xlane v3, v1  }
0x2f9: {  	v2 =	vadd.f32 v4, v2  }
0x2fa: {  	v3 =	vsel vm0, $0x0, v3  }
0x2fb: {  	s31 =	simm.s32 $0x0;
	v3 =	vadd.f32 v3, v2  }
0x2fc: {  	s12 =	sor.u32 s31, s31;
	[tilespmem:$0x2000] =	vst v2  }
0x2fd: {  	s12 =	sor.u32 $0x380, s12;
	[tilespmem:$0x2000] =	vst v3  }
0x2fe: {  	v2 =	vld [tilespmem:s12+$0x0];
	_ =	sdelay $0x4  }
0x2ff: {  	v2 =	vadd.f32 $-1.000000000e+00, v2;
	_ =	sdelay $0x1  }
0x300: {  	v2 =	vand.u32 $0x7FFFFFFF, v2  }
0x301: {  	s13 =	simm.s32 $0x10;
	s12 =	simm.s32 $0x80;
	v2 =	vadd.f32 v2, v3  }
0x302: {  	s14 =	sor.u32 s12, s13;
	s13 =	simm.s32 $0x20  }
.LBB2_65:
0x303: {  	p1 =	sne.s32 s13, $0x3D0;
	s14 =	sor.u32 $0x380, s14;
	[tilespmem:$0x2000] =	vst v2  }
0x304: {  	v3 =	vld [tilespmem:s14+$0x0];
	_ =	sdelay $0x4  }
.Ltmp34:
0x305: {  	v3 =	vadd.f32 $-1.000000000e+00, v3;
	(pc) =	sbr.rel @p1 .LBB2_65-.Ltmp34, $4  }
0x306: {  	_ = 	snop  }
0x307: {  	v3 =	vand.u32 $0x7FFFFFFF, v3  }
0x308: {  	s12 =	sadd.s32 $0x80, s12;
	v2 =	vadd.f32 v3, v2  }
0x309: {  	s14 =	sor.u32 s12, s13;
	s13 =	sadd.s32 $0x10, s13  }
.Ltmp35:
0x30a: {  	_ = 	snop;
	(pc) =	sbr.rel .LBB2_66-.Ltmp35, $1  }
0x30b: {  	_ =	sdelay $0x3  }
.LBB2_68:
0x30c: {  	_ =	sfence.sel $0x180000  }
0x30d: {  	[bflag:$0x0] =	sbarrier.arrive $0xFFFF  }
0x30e: {  	p0 =	sne.s32 s1, $0x0;
	_ =	strace $0x90000047  }
0x30f: {  	s0 =	sadd.s32 @!p0 $0x100000, s0;
	[bflag:$0x2] =	sbarrier.arrive $0xFFFF  }
0x310: {  	[sflag:s0] =	ssyncadd.tile.s32 @!p0 $0x1;
	_ =	shalt  }
.Lfunc_end2:
_tile_overlayer_lowered:
.L_overlay_start_2:
0x311: {  	(tag) =	ssettag $0x2  }
0x312: {  	s0 =	rddreg [dreg:$0x0];
	s2 =	stileid.u32  }
0x313: {  	s1 =	rddreg [dreg:$0x1];
	p0 =	sne.s32 s2, $0x0  }
0x314: {  	s3 =	rddreg [dreg:$0x2];
	[bflag:$0x3] =	sbarrier.arrive $0xFFFF;
	s2 =	simm.s32 @!p0 $0x1C01  }
0x315: {  	[timem:s3], [sflag:s2] =	dma.local @!p0 [hbm:s0], s1  }
0x316: {  	s0 =	simm.s32 @!p0 $0x1  }
0x317: {  	_ =	swait.ge @!p0 [sflag:s0], s1  }
0x318: {  	s1 =	ssub.s32 @!p0 $0x0, s1;
	[sflag:s0] =	ssyncset.done @!p0 $0x0  }
0x319: {  	[sflag:s0] =	ssyncadd.s32 @!p0 s1  }
0x31a: {  	[bflag:$0x3] =	sbarrier.arrive $0xFFFF  }
0x31b: {  	_ =	shalt  }

</sc_bundles>
